<compile_context>
chip_gen: v7x
topology: tpu7x:2x2x1
jax: 0.10.2.dev20260603
libtpu: 0.0.44.dev20260713+nightly
codegen_flags: <defaults>
</compile_context>

<pallas_src>
import functools
import math

import jax
import jax.numpy as jnp
from jax import lax
from jax.experimental import pallas as pl
from jax.experimental.pallas import tpu as pltpu
from jax.experimental.pallas import tpu_sc as plsc

D_MODEL = 64
SCALE = math.sqrt(D_MODEL)
NC = 2
NS = 16
NW = NC * NS
NGBUF = 4
NSBUF = 2
LANES = 16
KIDX = 128


def _make_kernel(bsz: int, seq: int):
    assert bsz % NW == 0
    xrows_w = bsz // NW
    chunks_w = 2 * xrows_w
    n_groups = chunks_w // NGBUF
    assert chunks_w % NGBUF == 0 and n_groups >= 2
    kb = seq - KIDX
    assert 0 < kb <= KIDX and kb % 8 == 0
    k_of = [KIDX if b % 2 == 0 else kb for b in range(NGBUF)]

    mesh = plsc.VectorSubcoreMesh(core_axis_name="c", subcore_axis_name="s")

    @functools.partial(
        pl.kernel,
        out_type=jax.ShapeDtypeStruct((bsz, seq, 2 * D_MODEL), jnp.float32),
        mesh=mesh,
        scratch_types=[
            pltpu.VMEM((2 * xrows_w, KIDX), jnp.int32),
            pltpu.VMEM((NGBUF, KIDX, D_MODEL), jnp.float32),
            pltpu.VMEM((NSBUF, KIDX, 2 * D_MODEL), jnp.float32),
        ]
        + [pltpu.SemaphoreType.DMA] * (NGBUF + NSBUF),
        compiler_params=pltpu.CompilerParams(use_tc_tiling_on_sc=False),
    )
    def emb(x_hbm, lut_hbm, out_hbm, idx_v, row_v, sc_v, *sems):
        gsem = sems[:NGBUF]
        osem = sems[NGBUF:]
        wid = lax.axis_index("s") * NC + lax.axis_index("c")
        xrow0 = wid * xrows_w
        crow0 = 2 * xrow0

        pltpu.sync_copy(x_hbm.at[pl.ds(crow0, 2 * xrows_w)], idx_v)

        def idx_slice(c, b):
            return idx_v.at[c, pl.ds(0, k_of[b])]

        def out_slice(c, b):
            return out_hbm.at[
                xrow0 + (c >> 1), pl.ds((b % 2) * KIDX, k_of[b])
            ]

        def start_gather(c, b):
            pltpu.async_copy(
                lut_hbm.at[idx_slice(c, b)],
                row_v.at[b, pl.ds(0, k_of[b])],
                gsem[b],
            )

        def wait_gather(c, b):
            pltpu.make_async_copy(
                lut_hbm.at[idx_slice(c, b)],
                row_v.at[b, pl.ds(0, k_of[b])],
                gsem[b],
            ).wait()

        def scale(b, s):
            src = row_v.at[b]
            dst = sc_v.at[s]

            def body(r, _):
                for j in range(D_MODEL // LANES):
                    sl = pl.ds(j * LANES, LANES)
                    dst[r, sl] = src[r, sl] * SCALE
                return 0

            lax.fori_loop(0, k_of[b], body, 0, unroll=4)

        def start_out(c, b, s):
            pltpu.async_copy(
                sc_v.at[s, pl.ds(0, k_of[b])], out_slice(c, b), osem[s]
            )

        def wait_out(c, b, s):
            pltpu.make_async_copy(
                sc_v.at[s, pl.ds(0, k_of[b])], out_slice(c, b), osem[s]
            ).wait()

        for b in range(NGBUF):
            start_gather(b, b)

        def group(g, _):
            for b in range(NGBUF):
                c = g * NGBUF + b
                s = b % NSBUF
                wait_gather(c, b)

                if b >= NSBUF:
                    wait_out(c - NSBUF, b - NSBUF, s)
                else:

                    @pl.when(g > 0)
                    def _():
                        wait_out(c - NSBUF, b + NGBUF - NSBUF, s)

                scale(b, s)
                start_out(c, b, s)

                @pl.when(g < n_groups - 1)
                def _():
                    start_gather(c + NGBUF, b)
            return 0

        lax.fori_loop(0, n_groups, group, 0)

        for b in range(NGBUF - NSBUF, NGBUF):
            c = (n_groups - 1) * NGBUF + b
            wait_out(c, b, b % NSBUF)

    return emb


def kernel(x, lut):
    bsz, seq = x.shape
    vocab, d = lut.shape
    assert d == D_MODEL
    xp = jnp.pad(x.astype(jnp.int32), ((0, 0), (0, 2 * KIDX - seq)))
    xr = xp.reshape(2 * bsz, KIDX)
    out = _make_kernel(bsz, seq)(xr, lut)
    return out[..., :D_MODEL]

# --- scband reference (transcript-rebuilt; emitter-appended) ---
"""Pipeline reference for scband-embeddings-14577119003110 (READ-ONLY COPY).

The authoritative reference and input builder live on the scoring server;
editing this copy changes nothing except your own understanding.
"""

import jax, jax.numpy as jnp
import numpy as np
import math

D_MODEL = 64
VOCAB = 1000000

def setup_inputs(seed: int = 0) -> dict:
    key = jax.random.key(seed)
    k1, k2 = jax.random.split(key)
    x = jax.random.randint(k1, (4096, 200), 0, VOCAB, dtype=jnp.int64 if jax.config.jax_enable_x64 else jnp.int32)
    lut = jax.random.normal(k2, (VOCAB, D_MODEL), dtype=jnp.float32)
    return {"x": x, "lut": lut}

def reference(x, lut):
    # Embeddings.forward: self.lut(x) * sqrt(d_model)
    emb = jnp.take(lut, x, axis=0)  # [B, L, d_model]
    return emb * math.sqrt(D_MODEL)

if __name__ == "__main__":
    import jax
    _d = setup_inputs()
    print(jax.jit(kernel)(*tuple(_d.values())))

</pallas_src>

<mosaic_0001>
#map = affine_map<(d0, d1) -> (0, 0)>
#map1 = affine_map<(d0, d1) -> (0, 0, 0)>
module attributes {stable_mosaic.version = 14 : i64} {
  func.func @emb(%arg0: i32, %arg1: i32, %arg2: memref<8192x128xi32, #tpu.memory_space<hbm>>, %arg3: memref<1000000x64xf32, #tpu.memory_space<hbm>>, %arg4: memref<4096x200x128xf32, #tpu.memory_space<hbm>>, %arg5: memref<256x128xi32, #tpu.memory_space<vmem>>, %arg6: memref<4x128x64xf32, #tpu.memory_space<vmem>>, %arg7: memref<2x128x128xf32, #tpu.memory_space<vmem>>, %arg8: memref<!tpu.dma_semaphore, #tpu.memory_space<semaphore_mem>>, %arg9: memref<!tpu.dma_semaphore, #tpu.memory_space<semaphore_mem>>, %arg10: memref<!tpu.dma_semaphore, #tpu.memory_space<semaphore_mem>>, %arg11: memref<!tpu.dma_semaphore, #tpu.memory_space<semaphore_mem>>, %arg12: memref<!tpu.dma_semaphore, #tpu.memory_space<semaphore_mem>>, %arg13: memref<!tpu.dma_semaphore, #tpu.memory_space<semaphore_mem>>) attributes {dimension_semantics = [#tpu.dimension_semantics<core_parallel>, #tpu.dimension_semantics<subcore_parallel>], iteration_bounds = array<i64: 2, 16>, scalar_prefetch = 0 : i64, scratch_operands = 9 : i64, tpu.core_type = #tpu.core_type<sc_vector_subcore>, window_params = [{transform_indices = #map}, {transform_indices = #map}, {transform_indices = #map1}]} {
    %mul3A = arith.constant 2 : i32
    %mul3A_0 = arith.muli %arg1, %mul3A : i32
    %add3A = arith.addi %mul3A_0, %arg0 : i32
    %mul3A_1 = arith.constant 128 : i32
    %mul3A_2 = arith.muli %add3A, %mul3A_1 : i32
    %mul3A_3 = arith.constant 2 : i32
    %mul3A_4 = arith.muli %mul3A_3, %mul3A_2 : i32
    "tpu.region"() ({
      %run_scoped3A = tpu.sem_alloc : memref<!tpu.dma_semaphore, #tpu.memory_space<semaphore_mem>>
      %dma_start3A_95 = arith.constant 0 : i32
      %dma_start3A_96 = tpu.memref_slice %arg2[%mul3A_4, %dma_start3A_95] : memref<8192x128xi32, #tpu.memory_space<hbm>> -> memref<256x128xi32, #tpu.memory_space<hbm>>
      %dma_start3A_97 = arith.constant 0 : i32
      %dma_start3A_98 = tpu.memref_slice %arg2[%mul3A_4, %dma_start3A_97] : memref<8192x128xi32, #tpu.memory_space<hbm>> -> memref<256x128xi32, #tpu.memory_space<hbm>>
      tpu.enqueue_dma source(%dma_start3A_98 : memref<256x128xi32, #tpu.memory_space<hbm>>) target(%arg5 : memref<256x128xi32, #tpu.memory_space<vmem>>) target_semaphore(%run_scoped3A : memref<!tpu.dma_semaphore, #tpu.memory_space<semaphore_mem>>)
      %dma_wait3A_99 = arith.constant 0 : i32
      %dma_wait3A_100 = tpu.memref_slice %arg2[%mul3A_4, %dma_wait3A_99] : memref<8192x128xi32, #tpu.memory_space<hbm>> -> memref<256x128xi32, #tpu.memory_space<hbm>>
      %dma_wait3A_101 = arith.constant 0 : i32
      %dma_wait3A_102 = tpu.memref_slice %arg2[%mul3A_4, %dma_wait3A_101] : memref<8192x128xi32, #tpu.memory_space<hbm>> -> memref<256x128xi32, #tpu.memory_space<hbm>>
      tpu.wait_dma2 semaphore(%run_scoped3A : memref<!tpu.dma_semaphore, #tpu.memory_space<semaphore_mem>>) src(%dma_wait3A_102 : memref<256x128xi32, #tpu.memory_space<hbm>>) dst(%arg5 : memref<256x128xi32, #tpu.memory_space<vmem>>)
      tpu.yield
    }) : () -> ()
    %dma_start3A = arith.constant 0 : i32
    %dma_start3A_5 = arith.constant 0 : i32
    %dma_start3A_6 = arith.constant 0 : i32
    %dma_start3A_7 = arith.constant 0 : i32
    %dma_start3A_8 = tpu.memref_slice %arg6[%dma_start3A_5, %dma_start3A_6, %dma_start3A_7] : memref<4x128x64xf32, #tpu.memory_space<vmem>> -> memref<1x128x64xf32, #tpu.memory_space<vmem>>
    %dma_start3A_9 = tpu.memref_squeeze %dma_start3A_8 : memref<1x128x64xf32, #tpu.memory_space<vmem>> -> memref<128x64xf32, #tpu.memory_space<vmem>>
    %dma_start3A_10 = arith.constant 0 : i32
    %dma_start3A_11 = tpu.memref_slice %arg5[%dma_start3A, %dma_start3A_10] : memref<256x128xi32, #tpu.memory_space<vmem>> -> memref<1x128xi32, #tpu.memory_space<vmem>>
    %dma_start3A_12 = tpu.memref_squeeze %dma_start3A_11 : memref<1x128xi32, #tpu.memory_space<vmem>> -> memref<128xi32, #tpu.memory_space<vmem>>
    %dma_start3A_13 = arith.constant 0 : i32
    %dma_start3A_14 = arith.constant 0 : i32
    %dma_start3A_15 = tpu.memref_slice %arg3[%dma_start3A_13, %dma_start3A_14] : memref<1000000x64xf32, #tpu.memory_space<hbm>> -> memref<1000000x64xf32, #tpu.memory_space<hbm>>
    tpu.enqueue_indirect_dma source(%dma_start3A_15 : memref<1000000x64xf32, #tpu.memory_space<hbm>>) target(%dma_start3A_9 : memref<128x64xf32, #tpu.memory_space<vmem>>) offsets(%dma_start3A_12 : memref<128xi32, #tpu.memory_space<vmem>>) semaphore(%arg8 : memref<!tpu.dma_semaphore, #tpu.memory_space<semaphore_mem>>)
    %dma_start3A_16 = arith.constant 1 : i32
    %dma_start3A_17 = arith.constant 1 : i32
    %dma_start3A_18 = arith.constant 0 : i32
    %dma_start3A_19 = arith.constant 0 : i32
    %dma_start3A_20 = tpu.memref_slice %arg6[%dma_start3A_17, %dma_start3A_18, %dma_start3A_19] : memref<4x128x64xf32, #tpu.memory_space<vmem>> -> memref<1x72x64xf32, #tpu.memory_space<vmem>>
    %dma_start3A_21 = tpu.memref_squeeze %dma_start3A_20 : memref<1x72x64xf32, #tpu.memory_space<vmem>> -> memref<72x64xf32, #tpu.memory_space<vmem>>
    %dma_start3A_22 = arith.constant 0 : i32
    %dma_start3A_23 = tpu.memref_slice %arg5[%dma_start3A_16, %dma_start3A_22] : memref<256x128xi32, #tpu.memory_space<vmem>> -> memref<1x72xi32, #tpu.memory_space<vmem>>
    %dma_start3A_24 = tpu.memref_squeeze %dma_start3A_23 : memref<1x72xi32, #tpu.memory_space<vmem>> -> memref<72xi32, #tpu.memory_space<vmem>>
    %dma_start3A_25 = arith.constant 0 : i32
    %dma_start3A_26 = arith.constant 0 : i32
    %dma_start3A_27 = tpu.memref_slice %arg3[%dma_start3A_25, %dma_start3A_26] : memref<1000000x64xf32, #tpu.memory_space<hbm>> -> memref<1000000x64xf32, #tpu.memory_space<hbm>>
    tpu.enqueue_indirect_dma source(%dma_start3A_27 : memref<1000000x64xf32, #tpu.memory_space<hbm>>) target(%dma_start3A_21 : memref<72x64xf32, #tpu.memory_space<vmem>>) offsets(%dma_start3A_24 : memref<72xi32, #tpu.memory_space<vmem>>) semaphore(%arg9 : memref<!tpu.dma_semaphore, #tpu.memory_space<semaphore_mem>>)
    %dma_start3A_28 = arith.constant 2 : i32
    %dma_start3A_29 = arith.constant 2 : i32
    %dma_start3A_30 = arith.constant 0 : i32
    %dma_start3A_31 = arith.constant 0 : i32
    %dma_start3A_32 = tpu.memref_slice %arg6[%dma_start3A_29, %dma_start3A_30, %dma_start3A_31] : memref<4x128x64xf32, #tpu.memory_space<vmem>> -> memref<1x128x64xf32, #tpu.memory_space<vmem>>
    %dma_start3A_33 = tpu.memref_squeeze %dma_start3A_32 : memref<1x128x64xf32, #tpu.memory_space<vmem>> -> memref<128x64xf32, #tpu.memory_space<vmem>>
    %dma_start3A_34 = arith.constant 0 : i32
    %dma_start3A_35 = tpu.memref_slice %arg5[%dma_start3A_28, %dma_start3A_34] : memref<256x128xi32, #tpu.memory_space<vmem>> -> memref<1x128xi32, #tpu.memory_space<vmem>>
    %dma_start3A_36 = tpu.memref_squeeze %dma_start3A_35 : memref<1x128xi32, #tpu.memory_space<vmem>> -> memref<128xi32, #tpu.memory_space<vmem>>
    %dma_start3A_37 = arith.constant 0 : i32
    %dma_start3A_38 = arith.constant 0 : i32
    %dma_start3A_39 = tpu.memref_slice %arg3[%dma_start3A_37, %dma_start3A_38] : memref<1000000x64xf32, #tpu.memory_space<hbm>> -> memref<1000000x64xf32, #tpu.memory_space<hbm>>
    tpu.enqueue_indirect_dma source(%dma_start3A_39 : memref<1000000x64xf32, #tpu.memory_space<hbm>>) target(%dma_start3A_33 : memref<128x64xf32, #tpu.memory_space<vmem>>) offsets(%dma_start3A_36 : memref<128xi32, #tpu.memory_space<vmem>>) semaphore(%arg10 : memref<!tpu.dma_semaphore, #tpu.memory_space<semaphore_mem>>)
    %dma_start3A_40 = arith.constant 3 : i32
    %dma_start3A_41 = arith.constant 3 : i32
    %dma_start3A_42 = arith.constant 0 : i32
    %dma_start3A_43 = arith.constant 0 : i32
    %dma_start3A_44 = tpu.memref_slice %arg6[%dma_start3A_41, %dma_start3A_42, %dma_start3A_43] : memref<4x128x64xf32, #tpu.memory_space<vmem>> -> memref<1x72x64xf32, #tpu.memory_space<vmem>>
    %dma_start3A_45 = tpu.memref_squeeze %dma_start3A_44 : memref<1x72x64xf32, #tpu.memory_space<vmem>> -> memref<72x64xf32, #tpu.memory_space<vmem>>
    %dma_start3A_46 = arith.constant 0 : i32
    %dma_start3A_47 = tpu.memref_slice %arg5[%dma_start3A_40, %dma_start3A_46] : memref<256x128xi32, #tpu.memory_space<vmem>> -> memref<1x72xi32, #tpu.memory_space<vmem>>
    %dma_start3A_48 = tpu.memref_squeeze %dma_start3A_47 : memref<1x72xi32, #tpu.memory_space<vmem>> -> memref<72xi32, #tpu.memory_space<vmem>>
    %dma_start3A_49 = arith.constant 0 : i32
    %dma_start3A_50 = arith.constant 0 : i32
    %dma_start3A_51 = tpu.memref_slice %arg3[%dma_start3A_49, %dma_start3A_50] : memref<1000000x64xf32, #tpu.memory_space<hbm>> -> memref<1000000x64xf32, #tpu.memory_space<hbm>>
    tpu.enqueue_indirect_dma source(%dma_start3A_51 : memref<1000000x64xf32, #tpu.memory_space<hbm>>) target(%dma_start3A_45 : memref<72x64xf32, #tpu.memory_space<vmem>>) offsets(%dma_start3A_48 : memref<72xi32, #tpu.memory_space<vmem>>) semaphore(%arg11 : memref<!tpu.dma_semaphore, #tpu.memory_space<semaphore_mem>>)
    %scan3A = arith.constant 0 : i32
    %scan3A_52 = arith.constant 0 : i32
    %scan3A_53 = arith.constant 64 : i32
    %scan3A_54 = arith.addi %scan3A_52, %scan3A_53 : i32
    %scan3A_55 = arith.constant 1 : i32
    %scan3A_56 = scf.for %scan3A_95 = %scan3A_52 to %scan3A_54 step %scan3A_55 iter_args(%scan3A_96 = %scan3A) -> (i32)  : i32 {
      %mul3A_97 = arith.constant 4 : i32
      %mul3A_98 = arith.muli %scan3A_95, %mul3A_97 : i32
      %add3A_99 = arith.constant 0 : i32
      %add3A_100 = arith.addi %mul3A_98, %add3A_99 : i32
      %dma_wait3A_101 = arith.constant 0 : i32
      %dma_wait3A_102 = arith.constant 0 : i32
      %dma_wait3A_103 = arith.constant 0 : i32
      %dma_wait3A_104 = tpu.memref_slice %arg6[%dma_wait3A_101, %dma_wait3A_102, %dma_wait3A_103] : memref<4x128x64xf32, #tpu.memory_space<vmem>> -> memref<1x128x64xf32, #tpu.memory_space<vmem>>
      %dma_wait3A_105 = tpu.memref_squeeze %dma_wait3A_104 : memref<1x128x64xf32, #tpu.memory_space<vmem>> -> memref<128x64xf32, #tpu.memory_space<vmem>>
      %dma_wait3A_106 = arith.constant 0 : i32
      %dma_wait3A_107 = tpu.memref_slice %arg5[%add3A_100, %dma_wait3A_106] : memref<256x128xi32, #tpu.memory_space<vmem>> -> memref<1x128xi32, #tpu.memory_space<vmem>>
      %dma_wait3A_108 = tpu.memref_squeeze %dma_wait3A_107 : memref<1x128xi32, #tpu.memory_space<vmem>> -> memref<128xi32, #tpu.memory_space<vmem>>
      %dma_wait3A_109 = arith.constant 0 : i32
      %dma_wait3A_110 = arith.constant 0 : i32
      %dma_wait3A_111 = tpu.memref_slice %arg3[%dma_wait3A_109, %dma_wait3A_110] : memref<1000000x64xf32, #tpu.memory_space<hbm>> -> memref<1000000x64xf32, #tpu.memory_space<hbm>>
      tpu.wait_indirect_dma semaphore(%arg8 : memref<!tpu.dma_semaphore, #tpu.memory_space<semaphore_mem>>) src(%dma_wait3A_111 : memref<1000000x64xf32, #tpu.memory_space<hbm>>) dst(%dma_wait3A_105 : memref<128x64xf32, #tpu.memory_space<vmem>>)
      %gt3A = arith.constant 0 : i32
      %gt3A_112 = arith.cmpi sgt, %scan3A_95, %gt3A : i32
      %convert_element_type3A = arith.extui %gt3A_112 : i1 to i32
      %cond3A = arith.constant 0 : i32
      %cond3A_113 = arith.cmpi ne, %convert_element_type3A, %cond3A : i32
      scf.if %cond3A_113 {
        %sub3A_342 = arith.constant 2 : i32
        %sub3A_343 = arith.subi %add3A_100, %sub3A_342 : i32
        %shift_right_arithmetic3A_344 = arith.constant 1 : i32
        %shift_right_arithmetic3A_345 = arith.shrsi %sub3A_343, %shift_right_arithmetic3A_344 : i32
        %add3A_346 = arith.addi %mul3A_2, %shift_right_arithmetic3A_345 : i32
        %dma_wait3A_347 = arith.constant 0 : i32
        %dma_wait3A_348 = arith.constant 0 : i32
        %dma_wait3A_349 = arith.constant 0 : i32
        %dma_wait3A_350 = tpu.memref_slice %arg7[%dma_wait3A_347, %dma_wait3A_348, %dma_wait3A_349] : memref<2x128x128xf32, #tpu.memory_space<vmem>> -> memref<1x128x128xf32, #tpu.memory_space<vmem>>
        %dma_wait3A_351 = tpu.memref_squeeze %dma_wait3A_350 : memref<1x128x128xf32, #tpu.memory_space<vmem>> -> memref<128x128xf32, #tpu.memory_space<vmem>>
        %dma_wait3A_352 = arith.constant 0 : i32
        %dma_wait3A_353 = arith.constant 0 : i32
        %dma_wait3A_354 = tpu.memref_slice %arg4[%add3A_346, %dma_wait3A_352, %dma_wait3A_353] : memref<4096x200x128xf32, #tpu.memory_space<hbm>> -> memref<1x128x128xf32, #tpu.memory_space<hbm>>
        %dma_wait3A_355 = tpu.memref_squeeze %dma_wait3A_354 : memref<1x128x128xf32, #tpu.memory_space<hbm>> -> memref<128x128xf32, #tpu.memory_space<hbm>>
        %dma_wait3A_356 = arith.constant 0 : i32
        %dma_wait3A_357 = arith.constant 0 : i32
        %dma_wait3A_358 = tpu.memref_slice %arg4[%add3A_346, %dma_wait3A_356, %dma_wait3A_357] : memref<4096x200x128xf32, #tpu.memory_space<hbm>> -> memref<1x128x128xf32, #tpu.memory_space<hbm>>
        %dma_wait3A_359 = tpu.memref_squeeze %dma_wait3A_358 : memref<1x128x128xf32, #tpu.memory_space<hbm>> -> memref<128x128xf32, #tpu.memory_space<hbm>>
        %dma_wait3A_360 = arith.constant 0 : i32
        %dma_wait3A_361 = arith.constant 0 : i32
        %dma_wait3A_362 = tpu.memref_slice %arg7[%dma_wait3A_347, %dma_wait3A_360, %dma_wait3A_361] : memref<2x128x128xf32, #tpu.memory_space<vmem>> -> memref<1x128x128xf32, #tpu.memory_space<vmem>>
        %dma_wait3A_363 = tpu.memref_squeeze %dma_wait3A_362 : memref<1x128x128xf32, #tpu.memory_space<vmem>> -> memref<128x128xf32, #tpu.memory_space<vmem>>
        tpu.wait_dma2 semaphore(%arg12 : memref<!tpu.dma_semaphore, #tpu.memory_space<semaphore_mem>>) src(%dma_wait3A_363 : memref<128x128xf32, #tpu.memory_space<vmem>>) dst(%dma_wait3A_359 : memref<128x128xf32, #tpu.memory_space<hbm>>)
      } else {
      }
      %scan3A_114 = arith.constant 0 : i32
      %scan3A_115 = arith.constant 0 : i32
      %scan3A_116 = arith.constant 0 : i32
      %scan3A_117 = arith.constant 0 : i32
      %scan3A_118 = arith.constant 128 : i32
      %scan3A_119 = arith.addi %scan3A_117, %scan3A_118 : i32
      %scan3A_120 = arith.constant 4 : i32
      %scan3A_121 = scf.for %scan3A_342 = %scan3A_117 to %scan3A_119 step %scan3A_120 iter_args(%scan3A_343 = %scan3A_116) -> (i32)  : i32 {
        %get3A = arith.constant 0 : i32
        %get3A_344 = arith.constant 0 : i32
        %get3A_345 = tpu.memref_slice %arg6[%scan3A_114, %get3A, %get3A_344] : memref<4x128x64xf32, #tpu.memory_space<vmem>> -> memref<1x128x64xf32, #tpu.memory_space<vmem>>
        %get3A_346 = tpu.memref_squeeze %get3A_345 : memref<1x128x64xf32, #tpu.memory_space<vmem>> -> memref<128x64xf32, #tpu.memory_space<vmem>>
        %get3A_347 = arith.index_cast %scan3A_342 : i32 to index
        %get3A_348 = arith.constant 0 : index
        %get3A_349 = tpu.vector_load %get3A_346[%get3A_347, %get3A_348] {strides = array<i32>} : memref<128x64xf32, #tpu.memory_space<vmem>>, vector<1x16xf32>,
        %get3A_350 = vector.shape_cast %get3A_349 : vector<1x16xf32> to vector<16xf32>
        %mul3A_351 = arith.constant 8.000000e+00 : f32
        %mul3A_352 = vector.broadcast %mul3A_351 : f32 to vector<16xf32>
        %mul3A_353 = arith.mulf %get3A_350, %mul3A_352 : vector<16xf32>
        %swap3A = arith.constant 0 : i32
        %swap3A_354 = arith.constant 0 : i32
        %swap3A_355 = tpu.memref_slice %arg7[%scan3A_115, %swap3A, %swap3A_354] : memref<2x128x128xf32, #tpu.memory_space<vmem>> -> memref<1x128x128xf32, #tpu.memory_space<vmem>>
        %swap3A_356 = tpu.memref_squeeze %swap3A_355 : memref<1x128x128xf32, #tpu.memory_space<vmem>> -> memref<128x128xf32, #tpu.memory_space<vmem>>
        %swap3A_357 = arith.index_cast %scan3A_342 : i32 to index
        %swap3A_358 = arith.constant 0 : index
        %swap3A_359 = tpu.vector_load %swap3A_356[%swap3A_357, %swap3A_358] {strides = array<i32>} : memref<128x128xf32, #tpu.memory_space<vmem>>, vector<1x16xf32>,
        %swap3A_360 = vector.shape_cast %swap3A_359 : vector<1x16xf32> to vector<16xf32>
        %swap3A_361 = vector.shape_cast %mul3A_353 : vector<16xf32> to vector<1x16xf32>
        tpu.vector_store %swap3A_356[%swap3A_357, %swap3A_358], %swap3A_361 {strides = array<i32>} : memref<128x128xf32, #tpu.memory_space<vmem>>, vector<1x16xf32>,
        %get3A_362 = arith.constant 0 : i32
        %get3A_363 = arith.constant 0 : i32
        %get3A_364 = tpu.memref_slice %arg6[%scan3A_114, %get3A_362, %get3A_363] : memref<4x128x64xf32, #tpu.memory_space<vmem>> -> memref<1x128x64xf32, #tpu.memory_space<vmem>>
        %get3A_365 = tpu.memref_squeeze %get3A_364 : memref<1x128x64xf32, #tpu.memory_space<vmem>> -> memref<128x64xf32, #tpu.memory_space<vmem>>
        %get3A_366 = arith.index_cast %scan3A_342 : i32 to index
        %get3A_367 = arith.constant 16 : index
        %get3A_368 = tpu.vector_load %get3A_365[%get3A_366, %get3A_367] {strides = array<i32>} : memref<128x64xf32, #tpu.memory_space<vmem>>, vector<1x16xf32>,
        %get3A_369 = vector.shape_cast %get3A_368 : vector<1x16xf32> to vector<16xf32>
        %mul3A_370 = arith.constant 8.000000e+00 : f32
        %mul3A_371 = vector.broadcast %mul3A_370 : f32 to vector<16xf32>
        %mul3A_372 = arith.mulf %get3A_369, %mul3A_371 : vector<16xf32>
        %swap3A_373 = arith.constant 0 : i32
        %swap3A_374 = arith.constant 0 : i32
        %swap3A_375 = tpu.memref_slice %arg7[%scan3A_115, %swap3A_373, %swap3A_374] : memref<2x128x128xf32, #tpu.memory_space<vmem>> -> memref<1x128x128xf32, #tpu.memory_space<vmem>>
        %swap3A_376 = tpu.memref_squeeze %swap3A_375 : memref<1x128x128xf32, #tpu.memory_space<vmem>> -> memref<128x128xf32, #tpu.memory_space<vmem>>
        %swap3A_377 = arith.index_cast %scan3A_342 : i32 to index
        %swap3A_378 = arith.constant 16 : index
        %swap3A_379 = tpu.vector_load %swap3A_376[%swap3A_377, %swap3A_378] {strides = array<i32>} : memref<128x128xf32, #tpu.memory_space<vmem>>, vector<1x16xf32>,
        %swap3A_380 = vector.shape_cast %swap3A_379 : vector<1x16xf32> to vector<16xf32>
        %swap3A_381 = vector.shape_cast %mul3A_372 : vector<16xf32> to vector<1x16xf32>
        tpu.vector_store %swap3A_376[%swap3A_377, %swap3A_378], %swap3A_381 {strides = array<i32>} : memref<128x128xf32, #tpu.memory_space<vmem>>, vector<1x16xf32>,
        %get3A_382 = arith.constant 0 : i32
        %get3A_383 = arith.constant 0 : i32
        %get3A_384 = tpu.memref_slice %arg6[%scan3A_114, %get3A_382, %get3A_383] : memref<4x128x64xf32, #tpu.memory_space<vmem>> -> memref<1x128x64xf32, #tpu.memory_space<vmem>>
        %get3A_385 = tpu.memref_squeeze %get3A_384 : memref<1x128x64xf32, #tpu.memory_space<vmem>> -> memref<128x64xf32, #tpu.memory_space<vmem>>
        %get3A_386 = arith.index_cast %scan3A_342 : i32 to index
        %get3A_387 = arith.constant 32 : index
        %get3A_388 = tpu.vector_load %get3A_385[%get3A_386, %get3A_387] {strides = array<i32>} : memref<128x64xf32, #tpu.memory_space<vmem>>, vector<1x16xf32>,
        %get3A_389 = vector.shape_cast %get3A_388 : vector<1x16xf32> to vector<16xf32>
        %mul3A_390 = arith.constant 8.000000e+00 : f32
        %mul3A_391 = vector.broadcast %mul3A_390 : f32 to vector<16xf32>
        %mul3A_392 = arith.mulf %get3A_389, %mul3A_391 : vector<16xf32>
        %swap3A_393 = arith.constant 0 : i32
        %swap3A_394 = arith.constant 0 : i32
        %swap3A_395 = tpu.memref_slice %arg7[%scan3A_115, %swap3A_393, %swap3A_394] : memref<2x128x128xf32, #tpu.memory_space<vmem>> -> memref<1x128x128xf32, #tpu.memory_space<vmem>>
        %swap3A_396 = tpu.memref_squeeze %swap3A_395 : memref<1x128x128xf32, #tpu.memory_space<vmem>> -> memref<128x128xf32, #tpu.memory_space<vmem>>
        %swap3A_397 = arith.index_cast %scan3A_342 : i32 to index
        %swap3A_398 = arith.constant 32 : index
        %swap3A_399 = tpu.vector_load %swap3A_396[%swap3A_397, %swap3A_398] {strides = array<i32>} : memref<128x128xf32, #tpu.memory_space<vmem>>, vector<1x16xf32>,
        %swap3A_400 = vector.shape_cast %swap3A_399 : vector<1x16xf32> to vector<16xf32>
        %swap3A_401 = vector.shape_cast %mul3A_392 : vector<16xf32> to vector<1x16xf32>
        tpu.vector_store %swap3A_396[%swap3A_397, %swap3A_398], %swap3A_401 {strides = array<i32>} : memref<128x128xf32, #tpu.memory_space<vmem>>, vector<1x16xf32>,
        %get3A_402 = arith.constant 0 : i32
        %get3A_403 = arith.constant 0 : i32
        %get3A_404 = tpu.memref_slice %arg6[%scan3A_114, %get3A_402, %get3A_403] : memref<4x128x64xf32, #tpu.memory_space<vmem>> -> memref<1x128x64xf32, #tpu.memory_space<vmem>>
        %get3A_405 = tpu.memref_squeeze %get3A_404 : memref<1x128x64xf32, #tpu.memory_space<vmem>> -> memref<128x64xf32, #tpu.memory_space<vmem>>
        %get3A_406 = arith.index_cast %scan3A_342 : i32 to index
        %get3A_407 = arith.constant 48 : index
        %get3A_408 = tpu.vector_load %get3A_405[%get3A_406, %get3A_407] {strides = array<i32>} : memref<128x64xf32, #tpu.memory_space<vmem>>, vector<1x16xf32>,
        %get3A_409 = vector.shape_cast %get3A_408 : vector<1x16xf32> to vector<16xf32>
        %mul3A_410 = arith.constant 8.000000e+00 : f32
        %mul3A_411 = vector.broadcast %mul3A_410 : f32 to vector<16xf32>
        %mul3A_412 = arith.mulf %get3A_409, %mul3A_411 : vector<16xf32>
        %swap3A_413 = arith.constant 0 : i32
        %swap3A_414 = arith.constant 0 : i32
        %swap3A_415 = tpu.memref_slice %arg7[%scan3A_115, %swap3A_413, %swap3A_414] : memref<2x128x128xf32, #tpu.memory_space<vmem>> -> memref<1x128x128xf32, #tpu.memory_space<vmem>>
        %swap3A_416 = tpu.memref_squeeze %swap3A_415 : memref<1x128x128xf32, #tpu.memory_space<vmem>> -> memref<128x128xf32, #tpu.memory_space<vmem>>
        %swap3A_417 = arith.index_cast %scan3A_342 : i32 to index
        %swap3A_418 = arith.constant 48 : index
        %swap3A_419 = tpu.vector_load %swap3A_416[%swap3A_417, %swap3A_418] {strides = array<i32>} : memref<128x128xf32, #tpu.memory_space<vmem>>, vector<1x16xf32>,
        %swap3A_420 = vector.shape_cast %swap3A_419 : vector<1x16xf32> to vector<16xf32>
        %swap3A_421 = vector.shape_cast %mul3A_412 : vector<16xf32> to vector<1x16xf32>
        tpu.vector_store %swap3A_416[%swap3A_417, %swap3A_418], %swap3A_421 {strides = array<i32>} : memref<128x128xf32, #tpu.memory_space<vmem>>, vector<1x16xf32>,
        %scan3A_422 = arith.constant 0 : i32
        %scan3A_423 = arith.constant 1 : i32
        %scan3A_424 = arith.addi %scan3A_342, %scan3A_423 : i32
        %get3A_425 = arith.constant 0 : i32
        %get3A_426 = arith.constant 0 : i32
        %get3A_427 = tpu.memref_slice %arg6[%scan3A_114, %get3A_425, %get3A_426] : memref<4x128x64xf32, #tpu.memory_space<vmem>> -> memref<1x128x64xf32, #tpu.memory_space<vmem>>
        %get3A_428 = tpu.memref_squeeze %get3A_427 : memref<1x128x64xf32, #tpu.memory_space<vmem>> -> memref<128x64xf32, #tpu.memory_space<vmem>>
        %get3A_429 = arith.index_cast %scan3A_424 : i32 to index
        %get3A_430 = arith.constant 0 : index
        %get3A_431 = tpu.vector_load %get3A_428[%get3A_429, %get3A_430] {strides = array<i32>} : memref<128x64xf32, #tpu.memory_space<vmem>>, vector<1x16xf32>,
        %get3A_432 = vector.shape_cast %get3A_431 : vector<1x16xf32> to vector<16xf32>
        %mul3A_433 = arith.constant 8.000000e+00 : f32
        %mul3A_434 = vector.broadcast %mul3A_433 : f32 to vector<16xf32>
        %mul3A_435 = arith.mulf %get3A_432, %mul3A_434 : vector<16xf32>
        %swap3A_436 = arith.constant 0 : i32
        %swap3A_437 = arith.constant 0 : i32
        %swap3A_438 = tpu.memref_slice %arg7[%scan3A_115, %swap3A_436, %swap3A_437] : memref<2x128x128xf32, #tpu.memory_space<vmem>> -> memref<1x128x128xf32, #tpu.memory_space<vmem>>
        %swap3A_439 = tpu.memref_squeeze %swap3A_438 : memref<1x128x128xf32, #tpu.memory_space<vmem>> -> memref<128x128xf32, #tpu.memory_space<vmem>>
        %swap3A_440 = arith.index_cast %scan3A_424 : i32 to index
        %swap3A_441 = arith.constant 0 : index
        %swap3A_442 = tpu.vector_load %swap3A_439[%swap3A_440, %swap3A_441] {strides = array<i32>} : memref<128x128xf32, #tpu.memory_space<vmem>>, vector<1x16xf32>,
        %swap3A_443 = vector.shape_cast %swap3A_442 : vector<1x16xf32> to vector<16xf32>
        %swap3A_444 = vector.shape_cast %mul3A_435 : vector<16xf32> to vector<1x16xf32>
        tpu.vector_store %swap3A_439[%swap3A_440, %swap3A_441], %swap3A_444 {strides = array<i32>} : memref<128x128xf32, #tpu.memory_space<vmem>>, vector<1x16xf32>,
        %get3A_445 = arith.constant 0 : i32
        %get3A_446 = arith.constant 0 : i32
        %get3A_447 = tpu.memref_slice %arg6[%scan3A_114, %get3A_445, %get3A_446] : memref<4x128x64xf32, #tpu.memory_space<vmem>> -> memref<1x128x64xf32, #tpu.memory_space<vmem>>
        %get3A_448 = tpu.memref_squeeze %get3A_447 : memref<1x128x64xf32, #tpu.memory_space<vmem>> -> memref<128x64xf32, #tpu.memory_space<vmem>>
        %get3A_449 = arith.index_cast %scan3A_424 : i32 to index
        %get3A_450 = arith.constant 16 : index
        %get3A_451 = tpu.vector_load %get3A_448[%get3A_449, %get3A_450] {strides = array<i32>} : memref<128x64xf32, #tpu.memory_space<vmem>>, vector<1x16xf32>,
        %get3A_452 = vector.shape_cast %get3A_451 : vector<1x16xf32> to vector<16xf32>
        %mul3A_453 = arith.constant 8.000000e+00 : f32
        %mul3A_454 = vector.broadcast %mul3A_453 : f32 to vector<16xf32>
        %mul3A_455 = arith.mulf %get3A_452, %mul3A_454 : vector<16xf32>
        %swap3A_456 = arith.constant 0 : i32
        %swap3A_457 = arith.constant 0 : i32
        %swap3A_458 = tpu.memref_slice %arg7[%scan3A_115, %swap3A_456, %swap3A_457] : memref<2x128x128xf32, #tpu.memory_space<vmem>> -> memref<1x128x128xf32, #tpu.memory_space<vmem>>
        %swap3A_459 = tpu.memref_squeeze %swap3A_458 : memref<1x128x128xf32, #tpu.memory_space<vmem>> -> memref<128x128xf32, #tpu.memory_space<vmem>>
        %swap3A_460 = arith.index_cast %scan3A_424 : i32 to index
        %swap3A_461 = arith.constant 16 : index
        %swap3A_462 = tpu.vector_load %swap3A_459[%swap3A_460, %swap3A_461] {strides = array<i32>} : memref<128x128xf32, #tpu.memory_space<vmem>>, vector<1x16xf32>,
        %swap3A_463 = vector.shape_cast %swap3A_462 : vector<1x16xf32> to vector<16xf32>
        %swap3A_464 = vector.shape_cast %mul3A_455 : vector<16xf32> to vector<1x16xf32>
        tpu.vector_store %swap3A_459[%swap3A_460, %swap3A_461], %swap3A_464 {strides = array<i32>} : memref<128x128xf32, #tpu.memory_space<vmem>>, vector<1x16xf32>,
        %get3A_465 = arith.constant 0 : i32
        %get3A_466 = arith.constant 0 : i32
        %get3A_467 = tpu.memref_slice %arg6[%scan3A_114, %get3A_465, %get3A_466] : memref<4x128x64xf32, #tpu.memory_space<vmem>> -> memref<1x128x64xf32, #tpu.memory_space<vmem>>
        %get3A_468 = tpu.memref_squeeze %get3A_467 : memref<1x128x64xf32, #tpu.memory_space<vmem>> -> memref<128x64xf32, #tpu.memory_space<vmem>>
        %get3A_469 = arith.index_cast %scan3A_424 : i32 to index
        %get3A_470 = arith.constant 32 : index
        %get3A_471 = tpu.vector_load %get3A_468[%get3A_469, %get3A_470] {strides = array<i32>} : memref<128x64xf32, #tpu.memory_space<vmem>>, vector<1x16xf32>,
        %get3A_472 = vector.shape_cast %get3A_471 : vector<1x16xf32> to vector<16xf32>
        %mul3A_473 = arith.constant 8.000000e+00 : f32
        %mul3A_474 = vector.broadcast %mul3A_473 : f32 to vector<16xf32>
        %mul3A_475 = arith.mulf %get3A_472, %mul3A_474 : vector<16xf32>
        %swap3A_476 = arith.constant 0 : i32
        %swap3A_477 = arith.constant 0 : i32
        %swap3A_478 = tpu.memref_slice %arg7[%scan3A_115, %swap3A_476, %swap3A_477] : memref<2x128x128xf32, #tpu.memory_space<vmem>> -> memref<1x128x128xf32, #tpu.memory_space<vmem>>
        %swap3A_479 = tpu.memref_squeeze %swap3A_478 : memref<1x128x128xf32, #tpu.memory_space<vmem>> -> memref<128x128xf32, #tpu.memory_space<vmem>>
        %swap3A_480 = arith.index_cast %scan3A_424 : i32 to index
        %swap3A_481 = arith.constant 32 : index
        %swap3A_482 = tpu.vector_load %swap3A_479[%swap3A_480, %swap3A_481] {strides = array<i32>} : memref<128x128xf32, #tpu.memory_space<vmem>>, vector<1x16xf32>,
        %swap3A_483 = vector.shape_cast %swap3A_482 : vector<1x16xf32> to vector<16xf32>
        %swap3A_484 = vector.shape_cast %mul3A_475 : vector<16xf32> to vector<1x16xf32>
        tpu.vector_store %swap3A_479[%swap3A_480, %swap3A_481], %swap3A_484 {strides = array<i32>} : memref<128x128xf32, #tpu.memory_space<vmem>>, vector<1x16xf32>,
        %get3A_485 = arith.constant 0 : i32
        %get3A_486 = arith.constant 0 : i32
        %get3A_487 = tpu.memref_slice %arg6[%scan3A_114, %get3A_485, %get3A_486] : memref<4x128x64xf32, #tpu.memory_space<vmem>> -> memref<1x128x64xf32, #tpu.memory_space<vmem>>
        %get3A_488 = tpu.memref_squeeze %get3A_487 : memref<1x128x64xf32, #tpu.memory_space<vmem>> -> memref<128x64xf32, #tpu.memory_space<vmem>>
        %get3A_489 = arith.index_cast %scan3A_424 : i32 to index
        %get3A_490 = arith.constant 48 : index
        %get3A_491 = tpu.vector_load %get3A_488[%get3A_489, %get3A_490] {strides = array<i32>} : memref<128x64xf32, #tpu.memory_space<vmem>>, vector<1x16xf32>,
        %get3A_492 = vector.shape_cast %get3A_491 : vector<1x16xf32> to vector<16xf32>
        %mul3A_493 = arith.constant 8.000000e+00 : f32
        %mul3A_494 = vector.broadcast %mul3A_493 : f32 to vector<16xf32>
        %mul3A_495 = arith.mulf %get3A_492, %mul3A_494 : vector<16xf32>
        %swap3A_496 = arith.constant 0 : i32
        %swap3A_497 = arith.constant 0 : i32
        %swap3A_498 = tpu.memref_slice %arg7[%scan3A_115, %swap3A_496, %swap3A_497] : memref<2x128x128xf32, #tpu.memory_space<vmem>> -> memref<1x128x128xf32, #tpu.memory_space<vmem>>
        %swap3A_499 = tpu.memref_squeeze %swap3A_498 : memref<1x128x128xf32, #tpu.memory_space<vmem>> -> memref<128x128xf32, #tpu.memory_space<vmem>>
        %swap3A_500 = arith.index_cast %scan3A_424 : i32 to index
        %swap3A_501 = arith.constant 48 : index
        %swap3A_502 = tpu.vector_load %swap3A_499[%swap3A_500, %swap3A_501] {strides = array<i32>} : memref<128x128xf32, #tpu.memory_space<vmem>>, vector<1x16xf32>,
        %swap3A_503 = vector.shape_cast %swap3A_502 : vector<1x16xf32> to vector<16xf32>
        %swap3A_504 = vector.shape_cast %mul3A_495 : vector<16xf32> to vector<1x16xf32>
        tpu.vector_store %swap3A_499[%swap3A_500, %swap3A_501], %swap3A_504 {strides = array<i32>} : memref<128x128xf32, #tpu.memory_space<vmem>>, vector<1x16xf32>,
        %scan3A_505 = arith.constant 0 : i32
        %scan3A_506 = arith.constant 2 : i32
        %scan3A_507 = arith.addi %scan3A_342, %scan3A_506 : i32
        %get3A_508 = arith.constant 0 : i32
        %get3A_509 = arith.constant 0 : i32
        %get3A_510 = tpu.memref_slice %arg6[%scan3A_114, %get3A_508, %get3A_509] : memref<4x128x64xf32, #tpu.memory_space<vmem>> -> memref<1x128x64xf32, #tpu.memory_space<vmem>>
        %get3A_511 = tpu.memref_squeeze %get3A_510 : memref<1x128x64xf32, #tpu.memory_space<vmem>> -> memref<128x64xf32, #tpu.memory_space<vmem>>
        %get3A_512 = arith.index_cast %scan3A_507 : i32 to index
        %get3A_513 = arith.constant 0 : index
        %get3A_514 = tpu.vector_load %get3A_511[%get3A_512, %get3A_513] {strides = array<i32>} : memref<128x64xf32, #tpu.memory_space<vmem>>, vector<1x16xf32>,
        %get3A_515 = vector.shape_cast %get3A_514 : vector<1x16xf32> to vector<16xf32>
        %mul3A_516 = arith.constant 8.000000e+00 : f32
        %mul3A_517 = vector.broadcast %mul3A_516 : f32 to vector<16xf32>
        %mul3A_518 = arith.mulf %get3A_515, %mul3A_517 : vector<16xf32>
        %swap3A_519 = arith.constant 0 : i32
        %swap3A_520 = arith.constant 0 : i32
        %swap3A_521 = tpu.memref_slice %arg7[%scan3A_115, %swap3A_519, %swap3A_520] : memref<2x128x128xf32, #tpu.memory_space<vmem>> -> memref<1x128x128xf32, #tpu.memory_space<vmem>>
        %swap3A_522 = tpu.memref_squeeze %swap3A_521 : memref<1x128x128xf32, #tpu.memory_space<vmem>> -> memref<128x128xf32, #tpu.memory_space<vmem>>
        %swap3A_523 = arith.index_cast %scan3A_507 : i32 to index
        %swap3A_524 = arith.constant 0 : index
        %swap3A_525 = tpu.vector_load %swap3A_522[%swap3A_523, %swap3A_524] {strides = array<i32>} : memref<128x128xf32, #tpu.memory_space<vmem>>, vector<1x16xf32>,
        %swap3A_526 = vector.shape_cast %swap3A_525 : vector<1x16xf32> to vector<16xf32>
        %swap3A_527 = vector.shape_cast %mul3A_518 : vector<16xf32> to vector<1x16xf32>
        tpu.vector_store %swap3A_522[%swap3A_523, %swap3A_524], %swap3A_527 {strides = array<i32>} : memref<128x128xf32, #tpu.memory_space<vmem>>, vector<1x16xf32>,
        %get3A_528 = arith.constant 0 : i32
        %get3A_529 = arith.constant 0 : i32
        %get3A_530 = tpu.memref_slice %arg6[%scan3A_114, %get3A_528, %get3A_529] : memref<4x128x64xf32, #tpu.memory_space<vmem>> -> memref<1x128x64xf32, #tpu.memory_space<vmem>>
        %get3A_531 = tpu.memref_squeeze %get3A_530 : memref<1x128x64xf32, #tpu.memory_space<vmem>> -> memref<128x64xf32, #tpu.memory_space<vmem>>
        %get3A_532 = arith.index_cast %scan3A_507 : i32 to index
        %get3A_533 = arith.constant 16 : index
        %get3A_534 = tpu.vector_load %get3A_531[%get3A_532, %get3A_533] {strides = array<i32>} : memref<128x64xf32, #tpu.memory_space<vmem>>, vector<1x16xf32>,
        %get3A_535 = vector.shape_cast %get3A_534 : vector<1x16xf32> to vector<16xf32>
        %mul3A_536 = arith.constant 8.000000e+00 : f32
        %mul3A_537 = vector.broadcast %mul3A_536 : f32 to vector<16xf32>
        %mul3A_538 = arith.mulf %get3A_535, %mul3A_537 : vector<16xf32>
        %swap3A_539 = arith.constant 0 : i32
        %swap3A_540 = arith.constant 0 : i32
        %swap3A_541 = tpu.memref_slice %arg7[%scan3A_115, %swap3A_539, %swap3A_540] : memref<2x128x128xf32, #tpu.memory_space<vmem>> -> memref<1x128x128xf32, #tpu.memory_space<vmem>>
        %swap3A_542 = tpu.memref_squeeze %swap3A_541 : memref<1x128x128xf32, #tpu.memory_space<vmem>> -> memref<128x128xf32, #tpu.memory_space<vmem>>
        %swap3A_543 = arith.index_cast %scan3A_507 : i32 to index
        %swap3A_544 = arith.constant 16 : index
        %swap3A_545 = tpu.vector_load %swap3A_542[%swap3A_543, %swap3A_544] {strides = array<i32>} : memref<128x128xf32, #tpu.memory_space<vmem>>, vector<1x16xf32>,
        %swap3A_546 = vector.shape_cast %swap3A_545 : vector<1x16xf32> to vector<16xf32>
        %swap3A_547 = vector.shape_cast %mul3A_538 : vector<16xf32> to vector<1x16xf32>
        tpu.vector_store %swap3A_542[%swap3A_543, %swap3A_544], %swap3A_547 {strides = array<i32>} : memref<128x128xf32, #tpu.memory_space<vmem>>, vector<1x16xf32>,
        %get3A_548 = arith.constant 0 : i32
        %get3A_549 = arith.constant 0 : i32
        %get3A_550 = tpu.memref_slice %arg6[%scan3A_114, %get3A_548, %get3A_549] : memref<4x128x64xf32, #tpu.memory_space<vmem>> -> memref<1x128x64xf32, #tpu.memory_space<vmem>>
        %get3A_551 = tpu.memref_squeeze %get3A_550 : memref<1x128x64xf32, #tpu.memory_space<vmem>> -> memref<128x64xf32, #tpu.memory_space<vmem>>
        %get3A_552 = arith.index_cast %scan3A_507 : i32 to index
        %get3A_553 = arith.constant 32 : index
        %get3A_554 = tpu.vector_load %get3A_551[%get3A_552, %get3A_553] {strides = array<i32>} : memref<128x64xf32, #tpu.memory_space<vmem>>, vector<1x16xf32>,
        %get3A_555 = vector.shape_cast %get3A_554 : vector<1x16xf32> to vector<16xf32>
        %mul3A_556 = arith.constant 8.000000e+00 : f32
        %mul3A_557 = vector.broadcast %mul3A_556 : f32 to vector<16xf32>
        %mul3A_558 = arith.mulf %get3A_555, %mul3A_557 : vector<16xf32>
        %swap3A_559 = arith.constant 0 : i32
        %swap3A_560 = arith.constant 0 : i32
        %swap3A_561 = tpu.memref_slice %arg7[%scan3A_115, %swap3A_559, %swap3A_560] : memref<2x128x128xf32, #tpu.memory_space<vmem>> -> memref<1x128x128xf32, #tpu.memory_space<vmem>>
        %swap3A_562 = tpu.memref_squeeze %swap3A_561 : memref<1x128x128xf32, #tpu.memory_space<vmem>> -> memref<128x128xf32, #tpu.memory_space<vmem>>
        %swap3A_563 = arith.index_cast %scan3A_507 : i32 to index
        %swap3A_564 = arith.constant 32 : index
        %swap3A_565 = tpu.vector_load %swap3A_562[%swap3A_563, %swap3A_564] {strides = array<i32>} : memref<128x128xf32, #tpu.memory_space<vmem>>, vector<1x16xf32>,
        %swap3A_566 = vector.shape_cast %swap3A_565 : vector<1x16xf32> to vector<16xf32>
        %swap3A_567 = vector.shape_cast %mul3A_558 : vector<16xf32> to vector<1x16xf32>
        tpu.vector_store %swap3A_562[%swap3A_563, %swap3A_564], %swap3A_567 {strides = array<i32>} : memref<128x128xf32, #tpu.memory_space<vmem>>, vector<1x16xf32>,
        %get3A_568 = arith.constant 0 : i32
        %get3A_569 = arith.constant 0 : i32
        %get3A_570 = tpu.memref_slice %arg6[%scan3A_114, %get3A_568, %get3A_569] : memref<4x128x64xf32, #tpu.memory_space<vmem>> -> memref<1x128x64xf32, #tpu.memory_space<vmem>>
        %get3A_571 = tpu.memref_squeeze %get3A_570 : memref<1x128x64xf32, #tpu.memory_space<vmem>> -> memref<128x64xf32, #tpu.memory_space<vmem>>
        %get3A_572 = arith.index_cast %scan3A_507 : i32 to index
        %get3A_573 = arith.constant 48 : index
        %get3A_574 = tpu.vector_load %get3A_571[%get3A_572, %get3A_573] {strides = array<i32>} : memref<128x64xf32, #tpu.memory_space<vmem>>, vector<1x16xf32>,
        %get3A_575 = vector.shape_cast %get3A_574 : vector<1x16xf32> to vector<16xf32>
        %mul3A_576 = arith.constant 8.000000e+00 : f32
        %mul3A_577 = vector.broadcast %mul3A_576 : f32 to vector<16xf32>
        %mul3A_578 = arith.mulf %get3A_575, %mul3A_577 : vector<16xf32>
        %swap3A_579 = arith.constant 0 : i32
        %swap3A_580 = arith.constant 0 : i32
        %swap3A_581 = tpu.memref_slice %arg7[%scan3A_115, %swap3A_579, %swap3A_580] : memref<2x128x128xf32, #tpu.memory_space<vmem>> -> memref<1x128x128xf32, #tpu.memory_space<vmem>>
        %swap3A_582 = tpu.memref_squeeze %swap3A_581 : memref<1x128x128xf32, #tpu.memory_space<vmem>> -> memref<128x128xf32, #tpu.memory_space<vmem>>
        %swap3A_583 = arith.index_cast %scan3A_507 : i32 to index
        %swap3A_584 = arith.constant 48 : index
        %swap3A_585 = tpu.vector_load %swap3A_582[%swap3A_583, %swap3A_584] {strides = array<i32>} : memref<128x128xf32, #tpu.memory_space<vmem>>, vector<1x16xf32>,
        %swap3A_586 = vector.shape_cast %swap3A_585 : vector<1x16xf32> to vector<16xf32>
        %swap3A_587 = vector.shape_cast %mul3A_578 : vector<16xf32> to vector<1x16xf32>
        tpu.vector_store %swap3A_582[%swap3A_583, %swap3A_584], %swap3A_587 {strides = array<i32>} : memref<128x128xf32, #tpu.memory_space<vmem>>, vector<1x16xf32>,
        %scan3A_588 = arith.constant 0 : i32
        %scan3A_589 = arith.constant 3 : i32
        %scan3A_590 = arith.addi %scan3A_342, %scan3A_589 : i32
        %get3A_591 = arith.constant 0 : i32
        %get3A_592 = arith.constant 0 : i32
        %get3A_593 = tpu.memref_slice %arg6[%scan3A_114, %get3A_591, %get3A_592] : memref<4x128x64xf32, #tpu.memory_space<vmem>> -> memref<1x128x64xf32, #tpu.memory_space<vmem>>
        %get3A_594 = tpu.memref_squeeze %get3A_593 : memref<1x128x64xf32, #tpu.memory_space<vmem>> -> memref<128x64xf32, #tpu.memory_space<vmem>>
        %get3A_595 = arith.index_cast %scan3A_590 : i32 to index
        %get3A_596 = arith.constant 0 : index
        %get3A_597 = tpu.vector_load %get3A_594[%get3A_595, %get3A_596] {strides = array<i32>} : memref<128x64xf32, #tpu.memory_space<vmem>>, vector<1x16xf32>,
        %get3A_598 = vector.shape_cast %get3A_597 : vector<1x16xf32> to vector<16xf32>
        %mul3A_599 = arith.constant 8.000000e+00 : f32
        %mul3A_600 = vector.broadcast %mul3A_599 : f32 to vector<16xf32>
        %mul3A_601 = arith.mulf %get3A_598, %mul3A_600 : vector<16xf32>
        %swap3A_602 = arith.constant 0 : i32
        %swap3A_603 = arith.constant 0 : i32
        %swap3A_604 = tpu.memref_slice %arg7[%scan3A_115, %swap3A_602, %swap3A_603] : memref<2x128x128xf32, #tpu.memory_space<vmem>> -> memref<1x128x128xf32, #tpu.memory_space<vmem>>
        %swap3A_605 = tpu.memref_squeeze %swap3A_604 : memref<1x128x128xf32, #tpu.memory_space<vmem>> -> memref<128x128xf32, #tpu.memory_space<vmem>>
        %swap3A_606 = arith.index_cast %scan3A_590 : i32 to index
        %swap3A_607 = arith.constant 0 : index
        %swap3A_608 = tpu.vector_load %swap3A_605[%swap3A_606, %swap3A_607] {strides = array<i32>} : memref<128x128xf32, #tpu.memory_space<vmem>>, vector<1x16xf32>,
        %swap3A_609 = vector.shape_cast %swap3A_608 : vector<1x16xf32> to vector<16xf32>
        %swap3A_610 = vector.shape_cast %mul3A_601 : vector<16xf32> to vector<1x16xf32>
        tpu.vector_store %swap3A_605[%swap3A_606, %swap3A_607], %swap3A_610 {strides = array<i32>} : memref<128x128xf32, #tpu.memory_space<vmem>>, vector<1x16xf32>,
        %get3A_611 = arith.constant 0 : i32
        %get3A_612 = arith.constant 0 : i32
        %get3A_613 = tpu.memref_slice %arg6[%scan3A_114, %get3A_611, %get3A_612] : memref<4x128x64xf32, #tpu.memory_space<vmem>> -> memref<1x128x64xf32, #tpu.memory_space<vmem>>
        %get3A_614 = tpu.memref_squeeze %get3A_613 : memref<1x128x64xf32, #tpu.memory_space<vmem>> -> memref<128x64xf32, #tpu.memory_space<vmem>>
        %get3A_615 = arith.index_cast %scan3A_590 : i32 to index
        %get3A_616 = arith.constant 16 : index
        %get3A_617 = tpu.vector_load %get3A_614[%get3A_615, %get3A_616] {strides = array<i32>} : memref<128x64xf32, #tpu.memory_space<vmem>>, vector<1x16xf32>,
        %get3A_618 = vector.shape_cast %get3A_617 : vector<1x16xf32> to vector<16xf32>
        %mul3A_619 = arith.constant 8.000000e+00 : f32
        %mul3A_620 = vector.broadcast %mul3A_619 : f32 to vector<16xf32>
        %mul3A_621 = arith.mulf %get3A_618, %mul3A_620 : vector<16xf32>
        %swap3A_622 = arith.constant 0 : i32
        %swap3A_623 = arith.constant 0 : i32
        %swap3A_624 = tpu.memref_slice %arg7[%scan3A_115, %swap3A_622, %swap3A_623] : memref<2x128x128xf32, #tpu.memory_space<vmem>> -> memref<1x128x128xf32, #tpu.memory_space<vmem>>
        %swap3A_625 = tpu.memref_squeeze %swap3A_624 : memref<1x128x128xf32, #tpu.memory_space<vmem>> -> memref<128x128xf32, #tpu.memory_space<vmem>>
        %swap3A_626 = arith.index_cast %scan3A_590 : i32 to index
        %swap3A_627 = arith.constant 16 : index
        %swap3A_628 = tpu.vector_load %swap3A_625[%swap3A_626, %swap3A_627] {strides = array<i32>} : memref<128x128xf32, #tpu.memory_space<vmem>>, vector<1x16xf32>,
        %swap3A_629 = vector.shape_cast %swap3A_628 : vector<1x16xf32> to vector<16xf32>
        %swap3A_630 = vector.shape_cast %mul3A_621 : vector<16xf32> to vector<1x16xf32>
        tpu.vector_store %swap3A_625[%swap3A_626, %swap3A_627], %swap3A_630 {strides = array<i32>} : memref<128x128xf32, #tpu.memory_space<vmem>>, vector<1x16xf32>,
        %get3A_631 = arith.constant 0 : i32
        %get3A_632 = arith.constant 0 : i32
        %get3A_633 = tpu.memref_slice %arg6[%scan3A_114, %get3A_631, %get3A_632] : memref<4x128x64xf32, #tpu.memory_space<vmem>> -> memref<1x128x64xf32, #tpu.memory_space<vmem>>
        %get3A_634 = tpu.memref_squeeze %get3A_633 : memref<1x128x64xf32, #tpu.memory_space<vmem>> -> memref<128x64xf32, #tpu.memory_space<vmem>>
        %get3A_635 = arith.index_cast %scan3A_590 : i32 to index
        %get3A_636 = arith.constant 32 : index
        %get3A_637 = tpu.vector_load %get3A_634[%get3A_635, %get3A_636] {strides = array<i32>} : memref<128x64xf32, #tpu.memory_space<vmem>>, vector<1x16xf32>,
        %get3A_638 = vector.shape_cast %get3A_637 : vector<1x16xf32> to vector<16xf32>
        %mul3A_639 = arith.constant 8.000000e+00 : f32
        %mul3A_640 = vector.broadcast %mul3A_639 : f32 to vector<16xf32>
        %mul3A_641 = arith.mulf %get3A_638, %mul3A_640 : vector<16xf32>
        %swap3A_642 = arith.constant 0 : i32
        %swap3A_643 = arith.constant 0 : i32
        %swap3A_644 = tpu.memref_slice %arg7[%scan3A_115, %swap3A_642, %swap3A_643] : memref<2x128x128xf32, #tpu.memory_space<vmem>> -> memref<1x128x128xf32, #tpu.memory_space<vmem>>
        %swap3A_645 = tpu.memref_squeeze %swap3A_644 : memref<1x128x128xf32, #tpu.memory_space<vmem>> -> memref<128x128xf32, #tpu.memory_space<vmem>>
        %swap3A_646 = arith.index_cast %scan3A_590 : i32 to index
        %swap3A_647 = arith.constant 32 : index
        %swap3A_648 = tpu.vector_load %swap3A_645[%swap3A_646, %swap3A_647] {strides = array<i32>} : memref<128x128xf32, #tpu.memory_space<vmem>>, vector<1x16xf32>,
        %swap3A_649 = vector.shape_cast %swap3A_648 : vector<1x16xf32> to vector<16xf32>
        %swap3A_650 = vector.shape_cast %mul3A_641 : vector<16xf32> to vector<1x16xf32>
        tpu.vector_store %swap3A_645[%swap3A_646, %swap3A_647], %swap3A_650 {strides = array<i32>} : memref<128x128xf32, #tpu.memory_space<vmem>>, vector<1x16xf32>,
        %get3A_651 = arith.constant 0 : i32
        %get3A_652 = arith.constant 0 : i32
        %get3A_653 = tpu.memref_slice %arg6[%scan3A_114, %get3A_651, %get3A_652] : memref<4x128x64xf32, #tpu.memory_space<vmem>> -> memref<1x128x64xf32, #tpu.memory_space<vmem>>
        %get3A_654 = tpu.memref_squeeze %get3A_653 : memref<1x128x64xf32, #tpu.memory_space<vmem>> -> memref<128x64xf32, #tpu.memory_space<vmem>>
        %get3A_655 = arith.index_cast %scan3A_590 : i32 to index
        %get3A_656 = arith.constant 48 : index
        %get3A_657 = tpu.vector_load %get3A_654[%get3A_655, %get3A_656] {strides = array<i32>} : memref<128x64xf32, #tpu.memory_space<vmem>>, vector<1x16xf32>,
        %get3A_658 = vector.shape_cast %get3A_657 : vector<1x16xf32> to vector<16xf32>
        %mul3A_659 = arith.constant 8.000000e+00 : f32
        %mul3A_660 = vector.broadcast %mul3A_659 : f32 to vector<16xf32>
        %mul3A_661 = arith.mulf %get3A_658, %mul3A_660 : vector<16xf32>
        %swap3A_662 = arith.constant 0 : i32
        %swap3A_663 = arith.constant 0 : i32
        %swap3A_664 = tpu.memref_slice %arg7[%scan3A_115, %swap3A_662, %swap3A_663] : memref<2x128x128xf32, #tpu.memory_space<vmem>> -> memref<1x128x128xf32, #tpu.memory_space<vmem>>
        %swap3A_665 = tpu.memref_squeeze %swap3A_664 : memref<1x128x128xf32, #tpu.memory_space<vmem>> -> memref<128x128xf32, #tpu.memory_space<vmem>>
        %swap3A_666 = arith.index_cast %scan3A_590 : i32 to index
        %swap3A_667 = arith.constant 48 : index
        %swap3A_668 = tpu.vector_load %swap3A_665[%swap3A_666, %swap3A_667] {strides = array<i32>} : memref<128x128xf32, #tpu.memory_space<vmem>>, vector<1x16xf32>,
        %swap3A_669 = vector.shape_cast %swap3A_668 : vector<1x16xf32> to vector<16xf32>
        %swap3A_670 = vector.shape_cast %mul3A_661 : vector<16xf32> to vector<1x16xf32>
        tpu.vector_store %swap3A_665[%swap3A_666, %swap3A_667], %swap3A_670 {strides = array<i32>} : memref<128x128xf32, #tpu.memory_space<vmem>>, vector<1x16xf32>,
        %scan3A_671 = arith.constant 0 : i32
        scf.yield %scan3A_671 : i32
      }
      %scan3A_122 = arith.constant 128 : i32
      %shift_right_arithmetic3A = arith.constant 1 : i32
      %shift_right_arithmetic3A_123 = arith.shrsi %add3A_100, %shift_right_arithmetic3A : i32
      %add3A_124 = arith.addi %mul3A_2, %shift_right_arithmetic3A_123 : i32
      %dma_start3A_125 = arith.constant 0 : i32
      %dma_start3A_126 = arith.constant 0 : i32
      %dma_start3A_127 = arith.constant 0 : i32
      %dma_start3A_128 = tpu.memref_slice %arg7[%dma_start3A_125, %dma_start3A_126, %dma_start3A_127] : memref<2x128x128xf32, #tpu.memory_space<vmem>> -> memref<1x128x128xf32, #tpu.memory_space<vmem>>
      %dma_start3A_129 = tpu.memref_squeeze %dma_start3A_128 : memref<1x128x128xf32, #tpu.memory_space<vmem>> -> memref<128x128xf32, #tpu.memory_space<vmem>>
      %dma_start3A_130 = arith.constant 0 : i32
      %dma_start3A_131 = arith.constant 0 : i32
      %dma_start3A_132 = tpu.memref_slice %arg4[%add3A_124, %dma_start3A_130, %dma_start3A_131] : memref<4096x200x128xf32, #tpu.memory_space<hbm>> -> memref<1x128x128xf32, #tpu.memory_space<hbm>>
      %dma_start3A_133 = tpu.memref_squeeze %dma_start3A_132 : memref<1x128x128xf32, #tpu.memory_space<hbm>> -> memref<128x128xf32, #tpu.memory_space<hbm>>
      %dma_start3A_134 = arith.constant 0 : i32
      %dma_start3A_135 = arith.constant 0 : i32
      %dma_start3A_136 = tpu.memref_slice %arg4[%add3A_124, %dma_start3A_134, %dma_start3A_135] : memref<4096x200x128xf32, #tpu.memory_space<hbm>> -> memref<1x128x128xf32, #tpu.memory_space<hbm>>
      %dma_start3A_137 = tpu.memref_squeeze %dma_start3A_136 : memref<1x128x128xf32, #tpu.memory_space<hbm>> -> memref<128x128xf32, #tpu.memory_space<hbm>>
      %dma_start3A_138 = arith.constant 0 : i32
      %dma_start3A_139 = arith.constant 0 : i32
      %dma_start3A_140 = tpu.memref_slice %arg7[%dma_start3A_125, %dma_start3A_138, %dma_start3A_139] : memref<2x128x128xf32, #tpu.memory_space<vmem>> -> memref<1x128x128xf32, #tpu.memory_space<vmem>>
      %dma_start3A_141 = tpu.memref_squeeze %dma_start3A_140 : memref<1x128x128xf32, #tpu.memory_space<vmem>> -> memref<128x128xf32, #tpu.memory_space<vmem>>
      tpu.enqueue_dma source(%dma_start3A_141 : memref<128x128xf32, #tpu.memory_space<vmem>>) target(%dma_start3A_137 : memref<128x128xf32, #tpu.memory_space<hbm>>) target_semaphore(%arg12 : memref<!tpu.dma_semaphore, #tpu.memory_space<semaphore_mem>>)
      %lt3A = arith.constant 63 : i32
      %lt3A_142 = arith.cmpi slt, %scan3A_95, %lt3A : i32
      %convert_element_type3A_143 = arith.extui %lt3A_142 : i1 to i32
      %cond3A_144 = arith.constant 0 : i32
      %cond3A_145 = arith.cmpi ne, %convert_element_type3A_143, %cond3A_144 : i32
      scf.if %cond3A_145 {
        %add3A_342 = arith.constant 4 : i32
        %add3A_343 = arith.addi %add3A_100, %add3A_342 : i32
        %dma_start3A_344 = arith.constant 0 : i32
        %dma_start3A_345 = arith.constant 0 : i32
        %dma_start3A_346 = arith.constant 0 : i32
        %dma_start3A_347 = tpu.memref_slice %arg6[%dma_start3A_344, %dma_start3A_345, %dma_start3A_346] : memref<4x128x64xf32, #tpu.memory_space<vmem>> -> memref<1x128x64xf32, #tpu.memory_space<vmem>>
        %dma_start3A_348 = tpu.memref_squeeze %dma_start3A_347 : memref<1x128x64xf32, #tpu.memory_space<vmem>> -> memref<128x64xf32, #tpu.memory_space<vmem>>
        %dma_start3A_349 = arith.constant 0 : i32
        %dma_start3A_350 = tpu.memref_slice %arg5[%add3A_343, %dma_start3A_349] : memref<256x128xi32, #tpu.memory_space<vmem>> -> memref<1x128xi32, #tpu.memory_space<vmem>>
        %dma_start3A_351 = tpu.memref_squeeze %dma_start3A_350 : memref<1x128xi32, #tpu.memory_space<vmem>> -> memref<128xi32, #tpu.memory_space<vmem>>
        %dma_start3A_352 = arith.constant 0 : i32
        %dma_start3A_353 = arith.constant 0 : i32
        %dma_start3A_354 = tpu.memref_slice %arg3[%dma_start3A_352, %dma_start3A_353] : memref<1000000x64xf32, #tpu.memory_space<hbm>> -> memref<1000000x64xf32, #tpu.memory_space<hbm>>
        tpu.enqueue_indirect_dma source(%dma_start3A_354 : memref<1000000x64xf32, #tpu.memory_space<hbm>>) target(%dma_start3A_348 : memref<128x64xf32, #tpu.memory_space<vmem>>) offsets(%dma_start3A_351 : memref<128xi32, #tpu.memory_space<vmem>>) semaphore(%arg8 : memref<!tpu.dma_semaphore, #tpu.memory_space<semaphore_mem>>)
      } else {
      }
      %mul3A_146 = arith.constant 4 : i32
      %mul3A_147 = arith.muli %scan3A_95, %mul3A_146 : i32
      %add3A_148 = arith.constant 1 : i32
      %add3A_149 = arith.addi %mul3A_147, %add3A_148 : i32
      %dma_wait3A_150 = arith.constant 1 : i32
      %dma_wait3A_151 = arith.constant 0 : i32
      %dma_wait3A_152 = arith.constant 0 : i32
      %dma_wait3A_153 = tpu.memref_slice %arg6[%dma_wait3A_150, %dma_wait3A_151, %dma_wait3A_152] : memref<4x128x64xf32, #tpu.memory_space<vmem>> -> memref<1x72x64xf32, #tpu.memory_space<vmem>>
      %dma_wait3A_154 = tpu.memref_squeeze %dma_wait3A_153 : memref<1x72x64xf32, #tpu.memory_space<vmem>> -> memref<72x64xf32, #tpu.memory_space<vmem>>
      %dma_wait3A_155 = arith.constant 0 : i32
      %dma_wait3A_156 = tpu.memref_slice %arg5[%add3A_149, %dma_wait3A_155] : memref<256x128xi32, #tpu.memory_space<vmem>> -> memref<1x72xi32, #tpu.memory_space<vmem>>
      %dma_wait3A_157 = tpu.memref_squeeze %dma_wait3A_156 : memref<1x72xi32, #tpu.memory_space<vmem>> -> memref<72xi32, #tpu.memory_space<vmem>>
      %dma_wait3A_158 = arith.constant 0 : i32
      %dma_wait3A_159 = arith.constant 0 : i32
      %dma_wait3A_160 = tpu.memref_slice %arg3[%dma_wait3A_158, %dma_wait3A_159] : memref<1000000x64xf32, #tpu.memory_space<hbm>> -> memref<1000000x64xf32, #tpu.memory_space<hbm>>
      tpu.wait_indirect_dma semaphore(%arg9 : memref<!tpu.dma_semaphore, #tpu.memory_space<semaphore_mem>>) src(%dma_wait3A_160 : memref<1000000x64xf32, #tpu.memory_space<hbm>>) dst(%dma_wait3A_154 : memref<72x64xf32, #tpu.memory_space<vmem>>)
      %gt3A_161 = arith.constant 0 : i32
      %gt3A_162 = arith.cmpi sgt, %scan3A_95, %gt3A_161 : i32
      %convert_element_type3A_163 = arith.extui %gt3A_162 : i1 to i32
      %cond3A_164 = arith.constant 0 : i32
      %cond3A_165 = arith.cmpi ne, %convert_element_type3A_163, %cond3A_164 : i32
      scf.if %cond3A_165 {
        %sub3A_342 = arith.constant 2 : i32
        %sub3A_343 = arith.subi %add3A_149, %sub3A_342 : i32
        %shift_right_arithmetic3A_344 = arith.constant 1 : i32
        %shift_right_arithmetic3A_345 = arith.shrsi %sub3A_343, %shift_right_arithmetic3A_344 : i32
        %add3A_346 = arith.addi %mul3A_2, %shift_right_arithmetic3A_345 : i32
        %dma_wait3A_347 = arith.constant 1 : i32
        %dma_wait3A_348 = arith.constant 0 : i32
        %dma_wait3A_349 = arith.constant 0 : i32
        %dma_wait3A_350 = tpu.memref_slice %arg7[%dma_wait3A_347, %dma_wait3A_348, %dma_wait3A_349] : memref<2x128x128xf32, #tpu.memory_space<vmem>> -> memref<1x72x128xf32, #tpu.memory_space<vmem>>
        %dma_wait3A_351 = tpu.memref_squeeze %dma_wait3A_350 : memref<1x72x128xf32, #tpu.memory_space<vmem>> -> memref<72x128xf32, #tpu.memory_space<vmem>>
        %dma_wait3A_352 = arith.constant 128 : i32
        %dma_wait3A_353 = arith.constant 0 : i32
        %dma_wait3A_354 = tpu.memref_slice %arg4[%add3A_346, %dma_wait3A_352, %dma_wait3A_353] : memref<4096x200x128xf32, #tpu.memory_space<hbm>> -> memref<1x72x128xf32, #tpu.memory_space<hbm>>
        %dma_wait3A_355 = tpu.memref_squeeze %dma_wait3A_354 : memref<1x72x128xf32, #tpu.memory_space<hbm>> -> memref<72x128xf32, #tpu.memory_space<hbm>>
        %dma_wait3A_356 = arith.constant 128 : i32
        %dma_wait3A_357 = arith.constant 0 : i32
        %dma_wait3A_358 = tpu.memref_slice %arg4[%add3A_346, %dma_wait3A_356, %dma_wait3A_357] : memref<4096x200x128xf32, #tpu.memory_space<hbm>> -> memref<1x72x128xf32, #tpu.memory_space<hbm>>
        %dma_wait3A_359 = tpu.memref_squeeze %dma_wait3A_358 : memref<1x72x128xf32, #tpu.memory_space<hbm>> -> memref<72x128xf32, #tpu.memory_space<hbm>>
        %dma_wait3A_360 = arith.constant 0 : i32
        %dma_wait3A_361 = arith.constant 0 : i32
        %dma_wait3A_362 = tpu.memref_slice %arg7[%dma_wait3A_347, %dma_wait3A_360, %dma_wait3A_361] : memref<2x128x128xf32, #tpu.memory_space<vmem>> -> memref<1x72x128xf32, #tpu.memory_space<vmem>>
        %dma_wait3A_363 = tpu.memref_squeeze %dma_wait3A_362 : memref<1x72x128xf32, #tpu.memory_space<vmem>> -> memref<72x128xf32, #tpu.memory_space<vmem>>
        tpu.wait_dma2 semaphore(%arg13 : memref<!tpu.dma_semaphore, #tpu.memory_space<semaphore_mem>>) src(%dma_wait3A_363 : memref<72x128xf32, #tpu.memory_space<vmem>>) dst(%dma_wait3A_359 : memref<72x128xf32, #tpu.memory_space<hbm>>)
      } else {
      }
      %scan3A_166 = arith.constant 1 : i32
      %scan3A_167 = arith.constant 1 : i32
      %scan3A_168 = arith.constant 0 : i32
      %scan3A_169 = arith.constant 0 : i32
      %scan3A_170 = arith.constant 72 : i32
      %scan3A_171 = arith.addi %scan3A_169, %scan3A_170 : i32
      %scan3A_172 = arith.constant 4 : i32
      %scan3A_173 = scf.for %scan3A_342 = %scan3A_169 to %scan3A_171 step %scan3A_172 iter_args(%scan3A_343 = %scan3A_168) -> (i32)  : i32 {
        %get3A = arith.constant 0 : i32
        %get3A_344 = arith.constant 0 : i32
        %get3A_345 = tpu.memref_slice %arg6[%scan3A_166, %get3A, %get3A_344] : memref<4x128x64xf32, #tpu.memory_space<vmem>> -> memref<1x128x64xf32, #tpu.memory_space<vmem>>
        %get3A_346 = tpu.memref_squeeze %get3A_345 : memref<1x128x64xf32, #tpu.memory_space<vmem>> -> memref<128x64xf32, #tpu.memory_space<vmem>>
        %get3A_347 = arith.index_cast %scan3A_342 : i32 to index
        %get3A_348 = arith.constant 0 : index
        %get3A_349 = tpu.vector_load %get3A_346[%get3A_347, %get3A_348] {strides = array<i32>} : memref<128x64xf32, #tpu.memory_space<vmem>>, vector<1x16xf32>,
        %get3A_350 = vector.shape_cast %get3A_349 : vector<1x16xf32> to vector<16xf32>
        %mul3A_351 = arith.constant 8.000000e+00 : f32
        %mul3A_352 = vector.broadcast %mul3A_351 : f32 to vector<16xf32>
        %mul3A_353 = arith.mulf %get3A_350, %mul3A_352 : vector<16xf32>
        %swap3A = arith.constant 0 : i32
        %swap3A_354 = arith.constant 0 : i32
        %swap3A_355 = tpu.memref_slice %arg7[%scan3A_167, %swap3A, %swap3A_354] : memref<2x128x128xf32, #tpu.memory_space<vmem>> -> memref<1x128x128xf32, #tpu.memory_space<vmem>>
        %swap3A_356 = tpu.memref_squeeze %swap3A_355 : memref<1x128x128xf32, #tpu.memory_space<vmem>> -> memref<128x128xf32, #tpu.memory_space<vmem>>
        %swap3A_357 = arith.index_cast %scan3A_342 : i32 to index
        %swap3A_358 = arith.constant 0 : index
        %swap3A_359 = tpu.vector_load %swap3A_356[%swap3A_357, %swap3A_358] {strides = array<i32>} : memref<128x128xf32, #tpu.memory_space<vmem>>, vector<1x16xf32>,
        %swap3A_360 = vector.shape_cast %swap3A_359 : vector<1x16xf32> to vector<16xf32>
        %swap3A_361 = vector.shape_cast %mul3A_353 : vector<16xf32> to vector<1x16xf32>
        tpu.vector_store %swap3A_356[%swap3A_357, %swap3A_358], %swap3A_361 {strides = array<i32>} : memref<128x128xf32, #tpu.memory_space<vmem>>, vector<1x16xf32>,
        %get3A_362 = arith.constant 0 : i32
        %get3A_363 = arith.constant 0 : i32
        %get3A_364 = tpu.memref_slice %arg6[%scan3A_166, %get3A_362, %get3A_363] : memref<4x128x64xf32, #tpu.memory_space<vmem>> -> memref<1x128x64xf32, #tpu.memory_space<vmem>>
        %get3A_365 = tpu.memref_squeeze %get3A_364 : memref<1x128x64xf32, #tpu.memory_space<vmem>> -> memref<128x64xf32, #tpu.memory_space<vmem>>
        %get3A_366 = arith.index_cast %scan3A_342 : i32 to index
        %get3A_367 = arith.constant 16 : index
        %get3A_368 = tpu.vector_load %get3A_365[%get3A_366, %get3A_367] {strides = array<i32>} : memref<128x64xf32, #tpu.memory_space<vmem>>, vector<1x16xf32>,
        %get3A_369 = vector.shape_cast %get3A_368 : vector<1x16xf32> to vector<16xf32>
        %mul3A_370 = arith.constant 8.000000e+00 : f32
        %mul3A_371 = vector.broadcast %mul3A_370 : f32 to vector<16xf32>
        %mul3A_372 = arith.mulf %get3A_369, %mul3A_371 : vector<16xf32>
        %swap3A_373 = arith.constant 0 : i32
        %swap3A_374 = arith.constant 0 : i32
        %swap3A_375 = tpu.memref_slice %arg7[%scan3A_167, %swap3A_373, %swap3A_374] : memref<2x128x128xf32, #tpu.memory_space<vmem>> -> memref<1x128x128xf32, #tpu.memory_space<vmem>>
        %swap3A_376 = tpu.memref_squeeze %swap3A_375 : memref<1x128x128xf32, #tpu.memory_space<vmem>> -> memref<128x128xf32, #tpu.memory_space<vmem>>
        %swap3A_377 = arith.index_cast %scan3A_342 : i32 to index
        %swap3A_378 = arith.constant 16 : index
        %swap3A_379 = tpu.vector_load %swap3A_376[%swap3A_377, %swap3A_378] {strides = array<i32>} : memref<128x128xf32, #tpu.memory_space<vmem>>, vector<1x16xf32>,
        %swap3A_380 = vector.shape_cast %swap3A_379 : vector<1x16xf32> to vector<16xf32>
        %swap3A_381 = vector.shape_cast %mul3A_372 : vector<16xf32> to vector<1x16xf32>
        tpu.vector_store %swap3A_376[%swap3A_377, %swap3A_378], %swap3A_381 {strides = array<i32>} : memref<128x128xf32, #tpu.memory_space<vmem>>, vector<1x16xf32>,
        %get3A_382 = arith.constant 0 : i32
        %get3A_383 = arith.constant 0 : i32
        %get3A_384 = tpu.memref_slice %arg6[%scan3A_166, %get3A_382, %get3A_383] : memref<4x128x64xf32, #tpu.memory_space<vmem>> -> memref<1x128x64xf32, #tpu.memory_space<vmem>>
        %get3A_385 = tpu.memref_squeeze %get3A_384 : memref<1x128x64xf32, #tpu.memory_space<vmem>> -> memref<128x64xf32, #tpu.memory_space<vmem>>
        %get3A_386 = arith.index_cast %scan3A_342 : i32 to index
        %get3A_387 = arith.constant 32 : index
        %get3A_388 = tpu.vector_load %get3A_385[%get3A_386, %get3A_387] {strides = array<i32>} : memref<128x64xf32, #tpu.memory_space<vmem>>, vector<1x16xf32>,
        %get3A_389 = vector.shape_cast %get3A_388 : vector<1x16xf32> to vector<16xf32>
        %mul3A_390 = arith.constant 8.000000e+00 : f32
        %mul3A_391 = vector.broadcast %mul3A_390 : f32 to vector<16xf32>
        %mul3A_392 = arith.mulf %get3A_389, %mul3A_391 : vector<16xf32>
        %swap3A_393 = arith.constant 0 : i32
        %swap3A_394 = arith.constant 0 : i32
        %swap3A_395 = tpu.memref_slice %arg7[%scan3A_167, %swap3A_393, %swap3A_394] : memref<2x128x128xf32, #tpu.memory_space<vmem>> -> memref<1x128x128xf32, #tpu.memory_space<vmem>>
        %swap3A_396 = tpu.memref_squeeze %swap3A_395 : memref<1x128x128xf32, #tpu.memory_space<vmem>> -> memref<128x128xf32, #tpu.memory_space<vmem>>
        %swap3A_397 = arith.index_cast %scan3A_342 : i32 to index
        %swap3A_398 = arith.constant 32 : index
        %swap3A_399 = tpu.vector_load %swap3A_396[%swap3A_397, %swap3A_398] {strides = array<i32>} : memref<128x128xf32, #tpu.memory_space<vmem>>, vector<1x16xf32>,
        %swap3A_400 = vector.shape_cast %swap3A_399 : vector<1x16xf32> to vector<16xf32>
        %swap3A_401 = vector.shape_cast %mul3A_392 : vector<16xf32> to vector<1x16xf32>
        tpu.vector_store %swap3A_396[%swap3A_397, %swap3A_398], %swap3A_401 {strides = array<i32>} : memref<128x128xf32, #tpu.memory_space<vmem>>, vector<1x16xf32>,
        %get3A_402 = arith.constant 0 : i32
        %get3A_403 = arith.constant 0 : i32
        %get3A_404 = tpu.memref_slice %arg6[%scan3A_166, %get3A_402, %get3A_403] : memref<4x128x64xf32, #tpu.memory_space<vmem>> -> memref<1x128x64xf32, #tpu.memory_space<vmem>>
        %get3A_405 = tpu.memref_squeeze %get3A_404 : memref<1x128x64xf32, #tpu.memory_space<vmem>> -> memref<128x64xf32, #tpu.memory_space<vmem>>
        %get3A_406 = arith.index_cast %scan3A_342 : i32 to index
        %get3A_407 = arith.constant 48 : index
        %get3A_408 = tpu.vector_load %get3A_405[%get3A_406, %get3A_407] {strides = array<i32>} : memref<128x64xf32, #tpu.memory_space<vmem>>, vector<1x16xf32>,
        %get3A_409 = vector.shape_cast %get3A_408 : vector<1x16xf32> to vector<16xf32>
        %mul3A_410 = arith.constant 8.000000e+00 : f32
        %mul3A_411 = vector.broadcast %mul3A_410 : f32 to vector<16xf32>
        %mul3A_412 = arith.mulf %get3A_409, %mul3A_411 : vector<16xf32>
        %swap3A_413 = arith.constant 0 : i32
        %swap3A_414 = arith.constant 0 : i32
        %swap3A_415 = tpu.memref_slice %arg7[%scan3A_167, %swap3A_413, %swap3A_414] : memref<2x128x128xf32, #tpu.memory_space<vmem>> -> memref<1x128x128xf32, #tpu.memory_space<vmem>>
        %swap3A_416 = tpu.memref_squeeze %swap3A_415 : memref<1x128x128xf32, #tpu.memory_space<vmem>> -> memref<128x128xf32, #tpu.memory_space<vmem>>
        %swap3A_417 = arith.index_cast %scan3A_342 : i32 to index
        %swap3A_418 = arith.constant 48 : index
        %swap3A_419 = tpu.vector_load %swap3A_416[%swap3A_417, %swap3A_418] {strides = array<i32>} : memref<128x128xf32, #tpu.memory_space<vmem>>, vector<1x16xf32>,
        %swap3A_420 = vector.shape_cast %swap3A_419 : vector<1x16xf32> to vector<16xf32>
        %swap3A_421 = vector.shape_cast %mul3A_412 : vector<16xf32> to vector<1x16xf32>
        tpu.vector_store %swap3A_416[%swap3A_417, %swap3A_418], %swap3A_421 {strides = array<i32>} : memref<128x128xf32, #tpu.memory_space<vmem>>, vector<1x16xf32>,
        %scan3A_422 = arith.constant 0 : i32
        %scan3A_423 = arith.constant 1 : i32
        %scan3A_424 = arith.addi %scan3A_342, %scan3A_423 : i32
        %get3A_425 = arith.constant 0 : i32
        %get3A_426 = arith.constant 0 : i32
        %get3A_427 = tpu.memref_slice %arg6[%scan3A_166, %get3A_425, %get3A_426] : memref<4x128x64xf32, #tpu.memory_space<vmem>> -> memref<1x128x64xf32, #tpu.memory_space<vmem>>
        %get3A_428 = tpu.memref_squeeze %get3A_427 : memref<1x128x64xf32, #tpu.memory_space<vmem>> -> memref<128x64xf32, #tpu.memory_space<vmem>>
        %get3A_429 = arith.index_cast %scan3A_424 : i32 to index
        %get3A_430 = arith.constant 0 : index
        %get3A_431 = tpu.vector_load %get3A_428[%get3A_429, %get3A_430] {strides = array<i32>} : memref<128x64xf32, #tpu.memory_space<vmem>>, vector<1x16xf32>,
        %get3A_432 = vector.shape_cast %get3A_431 : vector<1x16xf32> to vector<16xf32>
        %mul3A_433 = arith.constant 8.000000e+00 : f32
        %mul3A_434 = vector.broadcast %mul3A_433 : f32 to vector<16xf32>
        %mul3A_435 = arith.mulf %get3A_432, %mul3A_434 : vector<16xf32>
        %swap3A_436 = arith.constant 0 : i32
        %swap3A_437 = arith.constant 0 : i32
        %swap3A_438 = tpu.memref_slice %arg7[%scan3A_167, %swap3A_436, %swap3A_437] : memref<2x128x128xf32, #tpu.memory_space<vmem>> -> memref<1x128x128xf32, #tpu.memory_space<vmem>>
        %swap3A_439 = tpu.memref_squeeze %swap3A_438 : memref<1x128x128xf32, #tpu.memory_space<vmem>> -> memref<128x128xf32, #tpu.memory_space<vmem>>
        %swap3A_440 = arith.index_cast %scan3A_424 : i32 to index
        %swap3A_441 = arith.constant 0 : index
        %swap3A_442 = tpu.vector_load %swap3A_439[%swap3A_440, %swap3A_441] {strides = array<i32>} : memref<128x128xf32, #tpu.memory_space<vmem>>, vector<1x16xf32>,
        %swap3A_443 = vector.shape_cast %swap3A_442 : vector<1x16xf32> to vector<16xf32>
        %swap3A_444 = vector.shape_cast %mul3A_435 : vector<16xf32> to vector<1x16xf32>
        tpu.vector_store %swap3A_439[%swap3A_440, %swap3A_441], %swap3A_444 {strides = array<i32>} : memref<128x128xf32, #tpu.memory_space<vmem>>, vector<1x16xf32>,
        %get3A_445 = arith.constant 0 : i32
        %get3A_446 = arith.constant 0 : i32
        %get3A_447 = tpu.memref_slice %arg6[%scan3A_166, %get3A_445, %get3A_446] : memref<4x128x64xf32, #tpu.memory_space<vmem>> -> memref<1x128x64xf32, #tpu.memory_space<vmem>>
        %get3A_448 = tpu.memref_squeeze %get3A_447 : memref<1x128x64xf32, #tpu.memory_space<vmem>> -> memref<128x64xf32, #tpu.memory_space<vmem>>
        %get3A_449 = arith.index_cast %scan3A_424 : i32 to index
        %get3A_450 = arith.constant 16 : index
        %get3A_451 = tpu.vector_load %get3A_448[%get3A_449, %get3A_450] {strides = array<i32>} : memref<128x64xf32, #tpu.memory_space<vmem>>, vector<1x16xf32>,
        %get3A_452 = vector.shape_cast %get3A_451 : vector<1x16xf32> to vector<16xf32>
        %mul3A_453 = arith.constant 8.000000e+00 : f32
        %mul3A_454 = vector.broadcast %mul3A_453 : f32 to vector<16xf32>
        %mul3A_455 = arith.mulf %get3A_452, %mul3A_454 : vector<16xf32>
        %swap3A_456 = arith.constant 0 : i32
        %swap3A_457 = arith.constant 0 : i32
        %swap3A_458 = tpu.memref_slice %arg7[%scan3A_167, %swap3A_456, %swap3A_457] : memref<2x128x128xf32, #tpu.memory_space<vmem>> -> memref<1x128x128xf32, #tpu.memory_space<vmem>>
        %swap3A_459 = tpu.memref_squeeze %swap3A_458 : memref<1x128x128xf32, #tpu.memory_space<vmem>> -> memref<128x128xf32, #tpu.memory_space<vmem>>
        %swap3A_460 = arith.index_cast %scan3A_424 : i32 to index
        %swap3A_461 = arith.constant 16 : index
        %swap3A_462 = tpu.vector_load %swap3A_459[%swap3A_460, %swap3A_461] {strides = array<i32>} : memref<128x128xf32, #tpu.memory_space<vmem>>, vector<1x16xf32>,
        %swap3A_463 = vector.shape_cast %swap3A_462 : vector<1x16xf32> to vector<16xf32>
        %swap3A_464 = vector.shape_cast %mul3A_455 : vector<16xf32> to vector<1x16xf32>
        tpu.vector_store %swap3A_459[%swap3A_460, %swap3A_461], %swap3A_464 {strides = array<i32>} : memref<128x128xf32, #tpu.memory_space<vmem>>, vector<1x16xf32>,
        %get3A_465 = arith.constant 0 : i32
        %get3A_466 = arith.constant 0 : i32
        %get3A_467 = tpu.memref_slice %arg6[%scan3A_166, %get3A_465, %get3A_466] : memref<4x128x64xf32, #tpu.memory_space<vmem>> -> memref<1x128x64xf32, #tpu.memory_space<vmem>>
        %get3A_468 = tpu.memref_squeeze %get3A_467 : memref<1x128x64xf32, #tpu.memory_space<vmem>> -> memref<128x64xf32, #tpu.memory_space<vmem>>
        %get3A_469 = arith.index_cast %scan3A_424 : i32 to index
        %get3A_470 = arith.constant 32 : index
        %get3A_471 = tpu.vector_load %get3A_468[%get3A_469, %get3A_470] {strides = array<i32>} : memref<128x64xf32, #tpu.memory_space<vmem>>, vector<1x16xf32>,
        %get3A_472 = vector.shape_cast %get3A_471 : vector<1x16xf32> to vector<16xf32>
        %mul3A_473 = arith.constant 8.000000e+00 : f32
        %mul3A_474 = vector.broadcast %mul3A_473 : f32 to vector<16xf32>
        %mul3A_475 = arith.mulf %get3A_472, %mul3A_474 : vector<16xf32>
        %swap3A_476 = arith.constant 0 : i32
        %swap3A_477 = arith.constant 0 : i32
        %swap3A_478 = tpu.memref_slice %arg7[%scan3A_167, %swap3A_476, %swap3A_477] : memref<2x128x128xf32, #tpu.memory_space<vmem>> -> memref<1x128x128xf32, #tpu.memory_space<vmem>>
        %swap3A_479 = tpu.memref_squeeze %swap3A_478 : memref<1x128x128xf32, #tpu.memory_space<vmem>> -> memref<128x128xf32, #tpu.memory_space<vmem>>
        %swap3A_480 = arith.index_cast %scan3A_424 : i32 to index
        %swap3A_481 = arith.constant 32 : index
        %swap3A_482 = tpu.vector_load %swap3A_479[%swap3A_480, %swap3A_481] {strides = array<i32>} : memref<128x128xf32, #tpu.memory_space<vmem>>, vector<1x16xf32>,
        %swap3A_483 = vector.shape_cast %swap3A_482 : vector<1x16xf32> to vector<16xf32>
        %swap3A_484 = vector.shape_cast %mul3A_475 : vector<16xf32> to vector<1x16xf32>
        tpu.vector_store %swap3A_479[%swap3A_480, %swap3A_481], %swap3A_484 {strides = array<i32>} : memref<128x128xf32, #tpu.memory_space<vmem>>, vector<1x16xf32>,
        %get3A_485 = arith.constant 0 : i32
        %get3A_486 = arith.constant 0 : i32
        %get3A_487 = tpu.memref_slice %arg6[%scan3A_166, %get3A_485, %get3A_486] : memref<4x128x64xf32, #tpu.memory_space<vmem>> -> memref<1x128x64xf32, #tpu.memory_space<vmem>>
        %get3A_488 = tpu.memref_squeeze %get3A_487 : memref<1x128x64xf32, #tpu.memory_space<vmem>> -> memref<128x64xf32, #tpu.memory_space<vmem>>
        %get3A_489 = arith.index_cast %scan3A_424 : i32 to index
        %get3A_490 = arith.constant 48 : index
        %get3A_491 = tpu.vector_load %get3A_488[%get3A_489, %get3A_490] {strides = array<i32>} : memref<128x64xf32, #tpu.memory_space<vmem>>, vector<1x16xf32>,
        %get3A_492 = vector.shape_cast %get3A_491 : vector<1x16xf32> to vector<16xf32>
        %mul3A_493 = arith.constant 8.000000e+00 : f32
        %mul3A_494 = vector.broadcast %mul3A_493 : f32 to vector<16xf32>
        %mul3A_495 = arith.mulf %get3A_492, %mul3A_494 : vector<16xf32>
        %swap3A_496 = arith.constant 0 : i32
        %swap3A_497 = arith.constant 0 : i32
        %swap3A_498 = tpu.memref_slice %arg7[%scan3A_167, %swap3A_496, %swap3A_497] : memref<2x128x128xf32, #tpu.memory_space<vmem>> -> memref<1x128x128xf32, #tpu.memory_space<vmem>>
        %swap3A_499 = tpu.memref_squeeze %swap3A_498 : memref<1x128x128xf32, #tpu.memory_space<vmem>> -> memref<128x128xf32, #tpu.memory_space<vmem>>
        %swap3A_500 = arith.index_cast %scan3A_424 : i32 to index
        %swap3A_501 = arith.constant 48 : index
        %swap3A_502 = tpu.vector_load %swap3A_499[%swap3A_500, %swap3A_501] {strides = array<i32>} : memref<128x128xf32, #tpu.memory_space<vmem>>, vector<1x16xf32>,
        %swap3A_503 = vector.shape_cast %swap3A_502 : vector<1x16xf32> to vector<16xf32>
        %swap3A_504 = vector.shape_cast %mul3A_495 : vector<16xf32> to vector<1x16xf32>
        tpu.vector_store %swap3A_499[%swap3A_500, %swap3A_501], %swap3A_504 {strides = array<i32>} : memref<128x128xf32, #tpu.memory_space<vmem>>, vector<1x16xf32>,
        %scan3A_505 = arith.constant 0 : i32
        %scan3A_506 = arith.constant 2 : i32
        %scan3A_507 = arith.addi %scan3A_342, %scan3A_506 : i32
        %get3A_508 = arith.constant 0 : i32
        %get3A_509 = arith.constant 0 : i32
        %get3A_510 = tpu.memref_slice %arg6[%scan3A_166, %get3A_508, %get3A_509] : memref<4x128x64xf32, #tpu.memory_space<vmem>> -> memref<1x128x64xf32, #tpu.memory_space<vmem>>
        %get3A_511 = tpu.memref_squeeze %get3A_510 : memref<1x128x64xf32, #tpu.memory_space<vmem>> -> memref<128x64xf32, #tpu.memory_space<vmem>>
        %get3A_512 = arith.index_cast %scan3A_507 : i32 to index
        %get3A_513 = arith.constant 0 : index
        %get3A_514 = tpu.vector_load %get3A_511[%get3A_512, %get3A_513] {strides = array<i32>} : memref<128x64xf32, #tpu.memory_space<vmem>>, vector<1x16xf32>,
        %get3A_515 = vector.shape_cast %get3A_514 : vector<1x16xf32> to vector<16xf32>
        %mul3A_516 = arith.constant 8.000000e+00 : f32
        %mul3A_517 = vector.broadcast %mul3A_516 : f32 to vector<16xf32>
        %mul3A_518 = arith.mulf %get3A_515, %mul3A_517 : vector<16xf32>
        %swap3A_519 = arith.constant 0 : i32
        %swap3A_520 = arith.constant 0 : i32
        %swap3A_521 = tpu.memref_slice %arg7[%scan3A_167, %swap3A_519, %swap3A_520] : memref<2x128x128xf32, #tpu.memory_space<vmem>> -> memref<1x128x128xf32, #tpu.memory_space<vmem>>
        %swap3A_522 = tpu.memref_squeeze %swap3A_521 : memref<1x128x128xf32, #tpu.memory_space<vmem>> -> memref<128x128xf32, #tpu.memory_space<vmem>>
        %swap3A_523 = arith.index_cast %scan3A_507 : i32 to index
        %swap3A_524 = arith.constant 0 : index
        %swap3A_525 = tpu.vector_load %swap3A_522[%swap3A_523, %swap3A_524] {strides = array<i32>} : memref<128x128xf32, #tpu.memory_space<vmem>>, vector<1x16xf32>,
        %swap3A_526 = vector.shape_cast %swap3A_525 : vector<1x16xf32> to vector<16xf32>
        %swap3A_527 = vector.shape_cast %mul3A_518 : vector<16xf32> to vector<1x16xf32>
        tpu.vector_store %swap3A_522[%swap3A_523, %swap3A_524], %swap3A_527 {strides = array<i32>} : memref<128x128xf32, #tpu.memory_space<vmem>>, vector<1x16xf32>,
        %get3A_528 = arith.constant 0 : i32
        %get3A_529 = arith.constant 0 : i32
        %get3A_530 = tpu.memref_slice %arg6[%scan3A_166, %get3A_528, %get3A_529] : memref<4x128x64xf32, #tpu.memory_space<vmem>> -> memref<1x128x64xf32, #tpu.memory_space<vmem>>
        %get3A_531 = tpu.memref_squeeze %get3A_530 : memref<1x128x64xf32, #tpu.memory_space<vmem>> -> memref<128x64xf32, #tpu.memory_space<vmem>>
        %get3A_532 = arith.index_cast %scan3A_507 : i32 to index
        %get3A_533 = arith.constant 16 : index
        %get3A_534 = tpu.vector_load %get3A_531[%get3A_532, %get3A_533] {strides = array<i32>} : memref<128x64xf32, #tpu.memory_space<vmem>>, vector<1x16xf32>,
        %get3A_535 = vector.shape_cast %get3A_534 : vector<1x16xf32> to vector<16xf32>
        %mul3A_536 = arith.constant 8.000000e+00 : f32
        %mul3A_537 = vector.broadcast %mul3A_536 : f32 to vector<16xf32>
        %mul3A_538 = arith.mulf %get3A_535, %mul3A_537 : vector<16xf32>
        %swap3A_539 = arith.constant 0 : i32
        %swap3A_540 = arith.constant 0 : i32
        %swap3A_541 = tpu.memref_slice %arg7[%scan3A_167, %swap3A_539, %swap3A_540] : memref<2x128x128xf32, #tpu.memory_space<vmem>> -> memref<1x128x128xf32, #tpu.memory_space<vmem>>
        %swap3A_542 = tpu.memref_squeeze %swap3A_541 : memref<1x128x128xf32, #tpu.memory_space<vmem>> -> memref<128x128xf32, #tpu.memory_space<vmem>>
        %swap3A_543 = arith.index_cast %scan3A_507 : i32 to index
        %swap3A_544 = arith.constant 16 : index
        %swap3A_545 = tpu.vector_load %swap3A_542[%swap3A_543, %swap3A_544] {strides = array<i32>} : memref<128x128xf32, #tpu.memory_space<vmem>>, vector<1x16xf32>,
        %swap3A_546 = vector.shape_cast %swap3A_545 : vector<1x16xf32> to vector<16xf32>
        %swap3A_547 = vector.shape_cast %mul3A_538 : vector<16xf32> to vector<1x16xf32>
        tpu.vector_store %swap3A_542[%swap3A_543, %swap3A_544], %swap3A_547 {strides = array<i32>} : memref<128x128xf32, #tpu.memory_space<vmem>>, vector<1x16xf32>,
        %get3A_548 = arith.constant 0 : i32
        %get3A_549 = arith.constant 0 : i32
        %get3A_550 = tpu.memref_slice %arg6[%scan3A_166, %get3A_548, %get3A_549] : memref<4x128x64xf32, #tpu.memory_space<vmem>> -> memref<1x128x64xf32, #tpu.memory_space<vmem>>
        %get3A_551 = tpu.memref_squeeze %get3A_550 : memref<1x128x64xf32, #tpu.memory_space<vmem>> -> memref<128x64xf32, #tpu.memory_space<vmem>>
        %get3A_552 = arith.index_cast %scan3A_507 : i32 to index
        %get3A_553 = arith.constant 32 : index
        %get3A_554 = tpu.vector_load %get3A_551[%get3A_552, %get3A_553] {strides = array<i32>} : memref<128x64xf32, #tpu.memory_space<vmem>>, vector<1x16xf32>,
        %get3A_555 = vector.shape_cast %get3A_554 : vector<1x16xf32> to vector<16xf32>
        %mul3A_556 = arith.constant 8.000000e+00 : f32
        %mul3A_557 = vector.broadcast %mul3A_556 : f32 to vector<16xf32>
        %mul3A_558 = arith.mulf %get3A_555, %mul3A_557 : vector<16xf32>
        %swap3A_559 = arith.constant 0 : i32
        %swap3A_560 = arith.constant 0 : i32
        %swap3A_561 = tpu.memref_slice %arg7[%scan3A_167, %swap3A_559, %swap3A_560] : memref<2x128x128xf32, #tpu.memory_space<vmem>> -> memref<1x128x128xf32, #tpu.memory_space<vmem>>
        %swap3A_562 = tpu.memref_squeeze %swap3A_561 : memref<1x128x128xf32, #tpu.memory_space<vmem>> -> memref<128x128xf32, #tpu.memory_space<vmem>>
        %swap3A_563 = arith.index_cast %scan3A_507 : i32 to index
        %swap3A_564 = arith.constant 32 : index
        %swap3A_565 = tpu.vector_load %swap3A_562[%swap3A_563, %swap3A_564] {strides = array<i32>} : memref<128x128xf32, #tpu.memory_space<vmem>>, vector<1x16xf32>,
        %swap3A_566 = vector.shape_cast %swap3A_565 : vector<1x16xf32> to vector<16xf32>
        %swap3A_567 = vector.shape_cast %mul3A_558 : vector<16xf32> to vector<1x16xf32>
        tpu.vector_store %swap3A_562[%swap3A_563, %swap3A_564], %swap3A_567 {strides = array<i32>} : memref<128x128xf32, #tpu.memory_space<vmem>>, vector<1x16xf32>,
        %get3A_568 = arith.constant 0 : i32
        %get3A_569 = arith.constant 0 : i32
        %get3A_570 = tpu.memref_slice %arg6[%scan3A_166, %get3A_568, %get3A_569] : memref<4x128x64xf32, #tpu.memory_space<vmem>> -> memref<1x128x64xf32, #tpu.memory_space<vmem>>
        %get3A_571 = tpu.memref_squeeze %get3A_570 : memref<1x128x64xf32, #tpu.memory_space<vmem>> -> memref<128x64xf32, #tpu.memory_space<vmem>>
        %get3A_572 = arith.index_cast %scan3A_507 : i32 to index
        %get3A_573 = arith.constant 48 : index
        %get3A_574 = tpu.vector_load %get3A_571[%get3A_572, %get3A_573] {strides = array<i32>} : memref<128x64xf32, #tpu.memory_space<vmem>>, vector<1x16xf32>,
        %get3A_575 = vector.shape_cast %get3A_574 : vector<1x16xf32> to vector<16xf32>
        %mul3A_576 = arith.constant 8.000000e+00 : f32
        %mul3A_577 = vector.broadcast %mul3A_576 : f32 to vector<16xf32>
        %mul3A_578 = arith.mulf %get3A_575, %mul3A_577 : vector<16xf32>
        %swap3A_579 = arith.constant 0 : i32
        %swap3A_580 = arith.constant 0 : i32
        %swap3A_581 = tpu.memref_slice %arg7[%scan3A_167, %swap3A_579, %swap3A_580] : memref<2x128x128xf32, #tpu.memory_space<vmem>> -> memref<1x128x128xf32, #tpu.memory_space<vmem>>
        %swap3A_582 = tpu.memref_squeeze %swap3A_581 : memref<1x128x128xf32, #tpu.memory_space<vmem>> -> memref<128x128xf32, #tpu.memory_space<vmem>>
        %swap3A_583 = arith.index_cast %scan3A_507 : i32 to index
        %swap3A_584 = arith.constant 48 : index
        %swap3A_585 = tpu.vector_load %swap3A_582[%swap3A_583, %swap3A_584] {strides = array<i32>} : memref<128x128xf32, #tpu.memory_space<vmem>>, vector<1x16xf32>,
        %swap3A_586 = vector.shape_cast %swap3A_585 : vector<1x16xf32> to vector<16xf32>
        %swap3A_587 = vector.shape_cast %mul3A_578 : vector<16xf32> to vector<1x16xf32>
        tpu.vector_store %swap3A_582[%swap3A_583, %swap3A_584], %swap3A_587 {strides = array<i32>} : memref<128x128xf32, #tpu.memory_space<vmem>>, vector<1x16xf32>,
        %scan3A_588 = arith.constant 0 : i32
        %scan3A_589 = arith.constant 3 : i32
        %scan3A_590 = arith.addi %scan3A_342, %scan3A_589 : i32
        %get3A_591 = arith.constant 0 : i32
        %get3A_592 = arith.constant 0 : i32
        %get3A_593 = tpu.memref_slice %arg6[%scan3A_166, %get3A_591, %get3A_592] : memref<4x128x64xf32, #tpu.memory_space<vmem>> -> memref<1x128x64xf32, #tpu.memory_space<vmem>>
        %get3A_594 = tpu.memref_squeeze %get3A_593 : memref<1x128x64xf32, #tpu.memory_space<vmem>> -> memref<128x64xf32, #tpu.memory_space<vmem>>
        %get3A_595 = arith.index_cast %scan3A_590 : i32 to index
        %get3A_596 = arith.constant 0 : index
        %get3A_597 = tpu.vector_load %get3A_594[%get3A_595, %get3A_596] {strides = array<i32>} : memref<128x64xf32, #tpu.memory_space<vmem>>, vector<1x16xf32>,
        %get3A_598 = vector.shape_cast %get3A_597 : vector<1x16xf32> to vector<16xf32>
        %mul3A_599 = arith.constant 8.000000e+00 : f32
        %mul3A_600 = vector.broadcast %mul3A_599 : f32 to vector<16xf32>
        %mul3A_601 = arith.mulf %get3A_598, %mul3A_600 : vector<16xf32>
        %swap3A_602 = arith.constant 0 : i32
        %swap3A_603 = arith.constant 0 : i32
        %swap3A_604 = tpu.memref_slice %arg7[%scan3A_167, %swap3A_602, %swap3A_603] : memref<2x128x128xf32, #tpu.memory_space<vmem>> -> memref<1x128x128xf32, #tpu.memory_space<vmem>>
        %swap3A_605 = tpu.memref_squeeze %swap3A_604 : memref<1x128x128xf32, #tpu.memory_space<vmem>> -> memref<128x128xf32, #tpu.memory_space<vmem>>
        %swap3A_606 = arith.index_cast %scan3A_590 : i32 to index
        %swap3A_607 = arith.constant 0 : index
        %swap3A_608 = tpu.vector_load %swap3A_605[%swap3A_606, %swap3A_607] {strides = array<i32>} : memref<128x128xf32, #tpu.memory_space<vmem>>, vector<1x16xf32>,
        %swap3A_609 = vector.shape_cast %swap3A_608 : vector<1x16xf32> to vector<16xf32>
        %swap3A_610 = vector.shape_cast %mul3A_601 : vector<16xf32> to vector<1x16xf32>
        tpu.vector_store %swap3A_605[%swap3A_606, %swap3A_607], %swap3A_610 {strides = array<i32>} : memref<128x128xf32, #tpu.memory_space<vmem>>, vector<1x16xf32>,
        %get3A_611 = arith.constant 0 : i32
        %get3A_612 = arith.constant 0 : i32
        %get3A_613 = tpu.memref_slice %arg6[%scan3A_166, %get3A_611, %get3A_612] : memref<4x128x64xf32, #tpu.memory_space<vmem>> -> memref<1x128x64xf32, #tpu.memory_space<vmem>>
        %get3A_614 = tpu.memref_squeeze %get3A_613 : memref<1x128x64xf32, #tpu.memory_space<vmem>> -> memref<128x64xf32, #tpu.memory_space<vmem>>
        %get3A_615 = arith.index_cast %scan3A_590 : i32 to index
        %get3A_616 = arith.constant 16 : index
        %get3A_617 = tpu.vector_load %get3A_614[%get3A_615, %get3A_616] {strides = array<i32>} : memref<128x64xf32, #tpu.memory_space<vmem>>, vector<1x16xf32>,
        %get3A_618 = vector.shape_cast %get3A_617 : vector<1x16xf32> to vector<16xf32>
        %mul3A_619 = arith.constant 8.000000e+00 : f32
        %mul3A_620 = vector.broadcast %mul3A_619 : f32 to vector<16xf32>
        %mul3A_621 = arith.mulf %get3A_618, %mul3A_620 : vector<16xf32>
        %swap3A_622 = arith.constant 0 : i32
        %swap3A_623 = arith.constant 0 : i32
        %swap3A_624 = tpu.memref_slice %arg7[%scan3A_167, %swap3A_622, %swap3A_623] : memref<2x128x128xf32, #tpu.memory_space<vmem>> -> memref<1x128x128xf32, #tpu.memory_space<vmem>>
        %swap3A_625 = tpu.memref_squeeze %swap3A_624 : memref<1x128x128xf32, #tpu.memory_space<vmem>> -> memref<128x128xf32, #tpu.memory_space<vmem>>
        %swap3A_626 = arith.index_cast %scan3A_590 : i32 to index
        %swap3A_627 = arith.constant 16 : index
        %swap3A_628 = tpu.vector_load %swap3A_625[%swap3A_626, %swap3A_627] {strides = array<i32>} : memref<128x128xf32, #tpu.memory_space<vmem>>, vector<1x16xf32>,
        %swap3A_629 = vector.shape_cast %swap3A_628 : vector<1x16xf32> to vector<16xf32>
        %swap3A_630 = vector.shape_cast %mul3A_621 : vector<16xf32> to vector<1x16xf32>
        tpu.vector_store %swap3A_625[%swap3A_626, %swap3A_627], %swap3A_630 {strides = array<i32>} : memref<128x128xf32, #tpu.memory_space<vmem>>, vector<1x16xf32>,
        %get3A_631 = arith.constant 0 : i32
        %get3A_632 = arith.constant 0 : i32
        %get3A_633 = tpu.memref_slice %arg6[%scan3A_166, %get3A_631, %get3A_632] : memref<4x128x64xf32, #tpu.memory_space<vmem>> -> memref<1x128x64xf32, #tpu.memory_space<vmem>>
        %get3A_634 = tpu.memref_squeeze %get3A_633 : memref<1x128x64xf32, #tpu.memory_space<vmem>> -> memref<128x64xf32, #tpu.memory_space<vmem>>
        %get3A_635 = arith.index_cast %scan3A_590 : i32 to index
        %get3A_636 = arith.constant 32 : index
        %get3A_637 = tpu.vector_load %get3A_634[%get3A_635, %get3A_636] {strides = array<i32>} : memref<128x64xf32, #tpu.memory_space<vmem>>, vector<1x16xf32>,
        %get3A_638 = vector.shape_cast %get3A_637 : vector<1x16xf32> to vector<16xf32>
        %mul3A_639 = arith.constant 8.000000e+00 : f32
        %mul3A_640 = vector.broadcast %mul3A_639 : f32 to vector<16xf32>
        %mul3A_641 = arith.mulf %get3A_638, %mul3A_640 : vector<16xf32>
        %swap3A_642 = arith.constant 0 : i32
        %swap3A_643 = arith.constant 0 : i32
        %swap3A_644 = tpu.memref_slice %arg7[%scan3A_167, %swap3A_642, %swap3A_643] : memref<2x128x128xf32, #tpu.memory_space<vmem>> -> memref<1x128x128xf32, #tpu.memory_space<vmem>>
        %swap3A_645 = tpu.memref_squeeze %swap3A_644 : memref<1x128x128xf32, #tpu.memory_space<vmem>> -> memref<128x128xf32, #tpu.memory_space<vmem>>
        %swap3A_646 = arith.index_cast %scan3A_590 : i32 to index
        %swap3A_647 = arith.constant 32 : index
        %swap3A_648 = tpu.vector_load %swap3A_645[%swap3A_646, %swap3A_647] {strides = array<i32>} : memref<128x128xf32, #tpu.memory_space<vmem>>, vector<1x16xf32>,
        %swap3A_649 = vector.shape_cast %swap3A_648 : vector<1x16xf32> to vector<16xf32>
        %swap3A_650 = vector.shape_cast %mul3A_641 : vector<16xf32> to vector<1x16xf32>
        tpu.vector_store %swap3A_645[%swap3A_646, %swap3A_647], %swap3A_650 {strides = array<i32>} : memref<128x128xf32, #tpu.memory_space<vmem>>, vector<1x16xf32>,
        %get3A_651 = arith.constant 0 : i32
        %get3A_652 = arith.constant 0 : i32
        %get3A_653 = tpu.memref_slice %arg6[%scan3A_166, %get3A_651, %get3A_652] : memref<4x128x64xf32, #tpu.memory_space<vmem>> -> memref<1x128x64xf32, #tpu.memory_space<vmem>>
        %get3A_654 = tpu.memref_squeeze %get3A_653 : memref<1x128x64xf32, #tpu.memory_space<vmem>> -> memref<128x64xf32, #tpu.memory_space<vmem>>
        %get3A_655 = arith.index_cast %scan3A_590 : i32 to index
        %get3A_656 = arith.constant 48 : index
        %get3A_657 = tpu.vector_load %get3A_654[%get3A_655, %get3A_656] {strides = array<i32>} : memref<128x64xf32, #tpu.memory_space<vmem>>, vector<1x16xf32>,
        %get3A_658 = vector.shape_cast %get3A_657 : vector<1x16xf32> to vector<16xf32>
        %mul3A_659 = arith.constant 8.000000e+00 : f32
        %mul3A_660 = vector.broadcast %mul3A_659 : f32 to vector<16xf32>
        %mul3A_661 = arith.mulf %get3A_658, %mul3A_660 : vector<16xf32>
        %swap3A_662 = arith.constant 0 : i32
        %swap3A_663 = arith.constant 0 : i32
        %swap3A_664 = tpu.memref_slice %arg7[%scan3A_167, %swap3A_662, %swap3A_663] : memref<2x128x128xf32, #tpu.memory_space<vmem>> -> memref<1x128x128xf32, #tpu.memory_space<vmem>>
        %swap3A_665 = tpu.memref_squeeze %swap3A_664 : memref<1x128x128xf32, #tpu.memory_space<vmem>> -> memref<128x128xf32, #tpu.memory_space<vmem>>
        %swap3A_666 = arith.index_cast %scan3A_590 : i32 to index
        %swap3A_667 = arith.constant 48 : index
        %swap3A_668 = tpu.vector_load %swap3A_665[%swap3A_666, %swap3A_667] {strides = array<i32>} : memref<128x128xf32, #tpu.memory_space<vmem>>, vector<1x16xf32>,
        %swap3A_669 = vector.shape_cast %swap3A_668 : vector<1x16xf32> to vector<16xf32>
        %swap3A_670 = vector.shape_cast %mul3A_661 : vector<16xf32> to vector<1x16xf32>
        tpu.vector_store %swap3A_665[%swap3A_666, %swap3A_667], %swap3A_670 {strides = array<i32>} : memref<128x128xf32, #tpu.memory_space<vmem>>, vector<1x16xf32>,
        %scan3A_671 = arith.constant 0 : i32
        scf.yield %scan3A_671 : i32
      }
      %scan3A_174 = arith.constant 72 : i32
      %shift_right_arithmetic3A_175 = arith.constant 1 : i32
      %shift_right_arithmetic3A_176 = arith.shrsi %add3A_149, %shift_right_arithmetic3A_175 : i32
      %add3A_177 = arith.addi %mul3A_2, %shift_right_arithmetic3A_176 : i32
      %dma_start3A_178 = arith.constant 1 : i32
      %dma_start3A_179 = arith.constant 0 : i32
      %dma_start3A_180 = arith.constant 0 : i32
      %dma_start3A_181 = tpu.memref_slice %arg7[%dma_start3A_178, %dma_start3A_179, %dma_start3A_180] : memref<2x128x128xf32, #tpu.memory_space<vmem>> -> memref<1x72x128xf32, #tpu.memory_space<vmem>>
      %dma_start3A_182 = tpu.memref_squeeze %dma_start3A_181 : memref<1x72x128xf32, #tpu.memory_space<vmem>> -> memref<72x128xf32, #tpu.memory_space<vmem>>
      %dma_start3A_183 = arith.constant 128 : i32
      %dma_start3A_184 = arith.constant 0 : i32
      %dma_start3A_185 = tpu.memref_slice %arg4[%add3A_177, %dma_start3A_183, %dma_start3A_184] : memref<4096x200x128xf32, #tpu.memory_space<hbm>> -> memref<1x72x128xf32, #tpu.memory_space<hbm>>
      %dma_start3A_186 = tpu.memref_squeeze %dma_start3A_185 : memref<1x72x128xf32, #tpu.memory_space<hbm>> -> memref<72x128xf32, #tpu.memory_space<hbm>>
      %dma_start3A_187 = arith.constant 128 : i32
      %dma_start3A_188 = arith.constant 0 : i32
      %dma_start3A_189 = tpu.memref_slice %arg4[%add3A_177, %dma_start3A_187, %dma_start3A_188] : memref<4096x200x128xf32, #tpu.memory_space<hbm>> -> memref<1x72x128xf32, #tpu.memory_space<hbm>>
      %dma_start3A_190 = tpu.memref_squeeze %dma_start3A_189 : memref<1x72x128xf32, #tpu.memory_space<hbm>> -> memref<72x128xf32, #tpu.memory_space<hbm>>
      %dma_start3A_191 = arith.constant 0 : i32
      %dma_start3A_192 = arith.constant 0 : i32
      %dma_start3A_193 = tpu.memref_slice %arg7[%dma_start3A_178, %dma_start3A_191, %dma_start3A_192] : memref<2x128x128xf32, #tpu.memory_space<vmem>> -> memref<1x72x128xf32, #tpu.memory_space<vmem>>
      %dma_start3A_194 = tpu.memref_squeeze %dma_start3A_193 : memref<1x72x128xf32, #tpu.memory_space<vmem>> -> memref<72x128xf32, #tpu.memory_space<vmem>>
      tpu.enqueue_dma source(%dma_start3A_194 : memref<72x128xf32, #tpu.memory_space<vmem>>) target(%dma_start3A_190 : memref<72x128xf32, #tpu.memory_space<hbm>>) target_semaphore(%arg13 : memref<!tpu.dma_semaphore, #tpu.memory_space<semaphore_mem>>)
      %lt3A_195 = arith.constant 63 : i32
      %lt3A_196 = arith.cmpi slt, %scan3A_95, %lt3A_195 : i32
      %convert_element_type3A_197 = arith.extui %lt3A_196 : i1 to i32
      %cond3A_198 = arith.constant 0 : i32
      %cond3A_199 = arith.cmpi ne, %convert_element_type3A_197, %cond3A_198 : i32
      scf.if %cond3A_199 {
        %add3A_342 = arith.constant 4 : i32
        %add3A_343 = arith.addi %add3A_149, %add3A_342 : i32
        %dma_start3A_344 = arith.constant 1 : i32
        %dma_start3A_345 = arith.constant 0 : i32
        %dma_start3A_346 = arith.constant 0 : i32
        %dma_start3A_347 = tpu.memref_slice %arg6[%dma_start3A_344, %dma_start3A_345, %dma_start3A_346] : memref<4x128x64xf32, #tpu.memory_space<vmem>> -> memref<1x72x64xf32, #tpu.memory_space<vmem>>
        %dma_start3A_348 = tpu.memref_squeeze %dma_start3A_347 : memref<1x72x64xf32, #tpu.memory_space<vmem>> -> memref<72x64xf32, #tpu.memory_space<vmem>>
        %dma_start3A_349 = arith.constant 0 : i32
        %dma_start3A_350 = tpu.memref_slice %arg5[%add3A_343, %dma_start3A_349] : memref<256x128xi32, #tpu.memory_space<vmem>> -> memref<1x72xi32, #tpu.memory_space<vmem>>
        %dma_start3A_351 = tpu.memref_squeeze %dma_start3A_350 : memref<1x72xi32, #tpu.memory_space<vmem>> -> memref<72xi32, #tpu.memory_space<vmem>>
        %dma_start3A_352 = arith.constant 0 : i32
        %dma_start3A_353 = arith.constant 0 : i32
        %dma_start3A_354 = tpu.memref_slice %arg3[%dma_start3A_352, %dma_start3A_353] : memref<1000000x64xf32, #tpu.memory_space<hbm>> -> memref<1000000x64xf32, #tpu.memory_space<hbm>>
        tpu.enqueue_indirect_dma source(%dma_start3A_354 : memref<1000000x64xf32, #tpu.memory_space<hbm>>) target(%dma_start3A_348 : memref<72x64xf32, #tpu.memory_space<vmem>>) offsets(%dma_start3A_351 : memref<72xi32, #tpu.memory_space<vmem>>) semaphore(%arg9 : memref<!tpu.dma_semaphore, #tpu.memory_space<semaphore_mem>>)
      } else {
      }
      %mul3A_200 = arith.constant 4 : i32
      %mul3A_201 = arith.muli %scan3A_95, %mul3A_200 : i32
      %add3A_202 = arith.constant 2 : i32
      %add3A_203 = arith.addi %mul3A_201, %add3A_202 : i32
      %dma_wait3A_204 = arith.constant 2 : i32
      %dma_wait3A_205 = arith.constant 0 : i32
      %dma_wait3A_206 = arith.constant 0 : i32
      %dma_wait3A_207 = tpu.memref_slice %arg6[%dma_wait3A_204, %dma_wait3A_205, %dma_wait3A_206] : memref<4x128x64xf32, #tpu.memory_space<vmem>> -> memref<1x128x64xf32, #tpu.memory_space<vmem>>
      %dma_wait3A_208 = tpu.memref_squeeze %dma_wait3A_207 : memref<1x128x64xf32, #tpu.memory_space<vmem>> -> memref<128x64xf32, #tpu.memory_space<vmem>>
      %dma_wait3A_209 = arith.constant 0 : i32
      %dma_wait3A_210 = tpu.memref_slice %arg5[%add3A_203, %dma_wait3A_209] : memref<256x128xi32, #tpu.memory_space<vmem>> -> memref<1x128xi32, #tpu.memory_space<vmem>>
      %dma_wait3A_211 = tpu.memref_squeeze %dma_wait3A_210 : memref<1x128xi32, #tpu.memory_space<vmem>> -> memref<128xi32, #tpu.memory_space<vmem>>
      %dma_wait3A_212 = arith.constant 0 : i32
      %dma_wait3A_213 = arith.constant 0 : i32
      %dma_wait3A_214 = tpu.memref_slice %arg3[%dma_wait3A_212, %dma_wait3A_213] : memref<1000000x64xf32, #tpu.memory_space<hbm>> -> memref<1000000x64xf32, #tpu.memory_space<hbm>>
      tpu.wait_indirect_dma semaphore(%arg10 : memref<!tpu.dma_semaphore, #tpu.memory_space<semaphore_mem>>) src(%dma_wait3A_214 : memref<1000000x64xf32, #tpu.memory_space<hbm>>) dst(%dma_wait3A_208 : memref<128x64xf32, #tpu.memory_space<vmem>>)
      %sub3A = arith.constant 2 : i32
      %sub3A_215 = arith.subi %add3A_203, %sub3A : i32
      %shift_right_arithmetic3A_216 = arith.constant 1 : i32
      %shift_right_arithmetic3A_217 = arith.shrsi %sub3A_215, %shift_right_arithmetic3A_216 : i32
      %add3A_218 = arith.addi %mul3A_2, %shift_right_arithmetic3A_217 : i32
      %dma_wait3A_219 = arith.constant 0 : i32
      %dma_wait3A_220 = arith.constant 0 : i32
      %dma_wait3A_221 = arith.constant 0 : i32
      %dma_wait3A_222 = tpu.memref_slice %arg7[%dma_wait3A_219, %dma_wait3A_220, %dma_wait3A_221] : memref<2x128x128xf32, #tpu.memory_space<vmem>> -> memref<1x128x128xf32, #tpu.memory_space<vmem>>
      %dma_wait3A_223 = tpu.memref_squeeze %dma_wait3A_222 : memref<1x128x128xf32, #tpu.memory_space<vmem>> -> memref<128x128xf32, #tpu.memory_space<vmem>>
      %dma_wait3A_224 = arith.constant 0 : i32
      %dma_wait3A_225 = arith.constant 0 : i32
      %dma_wait3A_226 = tpu.memref_slice %arg4[%add3A_218, %dma_wait3A_224, %dma_wait3A_225] : memref<4096x200x128xf32, #tpu.memory_space<hbm>> -> memref<1x128x128xf32, #tpu.memory_space<hbm>>
      %dma_wait3A_227 = tpu.memref_squeeze %dma_wait3A_226 : memref<1x128x128xf32, #tpu.memory_space<hbm>> -> memref<128x128xf32, #tpu.memory_space<hbm>>
      %dma_wait3A_228 = arith.constant 0 : i32
      %dma_wait3A_229 = arith.constant 0 : i32
      %dma_wait3A_230 = tpu.memref_slice %arg4[%add3A_218, %dma_wait3A_228, %dma_wait3A_229] : memref<4096x200x128xf32, #tpu.memory_space<hbm>> -> memref<1x128x128xf32, #tpu.memory_space<hbm>>
      %dma_wait3A_231 = tpu.memref_squeeze %dma_wait3A_230 : memref<1x128x128xf32, #tpu.memory_space<hbm>> -> memref<128x128xf32, #tpu.memory_space<hbm>>
      %dma_wait3A_232 = arith.constant 0 : i32
      %dma_wait3A_233 = arith.constant 0 : i32
      %dma_wait3A_234 = tpu.memref_slice %arg7[%dma_wait3A_219, %dma_wait3A_232, %dma_wait3A_233] : memref<2x128x128xf32, #tpu.memory_space<vmem>> -> memref<1x128x128xf32, #tpu.memory_space<vmem>>
      %dma_wait3A_235 = tpu.memref_squeeze %dma_wait3A_234 : memref<1x128x128xf32, #tpu.memory_space<vmem>> -> memref<128x128xf32, #tpu.memory_space<vmem>>
      tpu.wait_dma2 semaphore(%arg12 : memref<!tpu.dma_semaphore, #tpu.memory_space<semaphore_mem>>) src(%dma_wait3A_235 : memref<128x128xf32, #tpu.memory_space<vmem>>) dst(%dma_wait3A_231 : memref<128x128xf32, #tpu.memory_space<hbm>>)
      %scan3A_236 = arith.constant 2 : i32
      %scan3A_237 = arith.constant 0 : i32
      %scan3A_238 = arith.constant 0 : i32
      %scan3A_239 = arith.constant 0 : i32
      %scan3A_240 = arith.constant 128 : i32
      %scan3A_241 = arith.addi %scan3A_239, %scan3A_240 : i32
      %scan3A_242 = arith.constant 4 : i32
      %scan3A_243 = scf.for %scan3A_342 = %scan3A_239 to %scan3A_241 step %scan3A_242 iter_args(%scan3A_343 = %scan3A_238) -> (i32)  : i32 {
        %get3A = arith.constant 0 : i32
        %get3A_344 = arith.constant 0 : i32
        %get3A_345 = tpu.memref_slice %arg6[%scan3A_236, %get3A, %get3A_344] : memref<4x128x64xf32, #tpu.memory_space<vmem>> -> memref<1x128x64xf32, #tpu.memory_space<vmem>>
        %get3A_346 = tpu.memref_squeeze %get3A_345 : memref<1x128x64xf32, #tpu.memory_space<vmem>> -> memref<128x64xf32, #tpu.memory_space<vmem>>
        %get3A_347 = arith.index_cast %scan3A_342 : i32 to index
        %get3A_348 = arith.constant 0 : index
        %get3A_349 = tpu.vector_load %get3A_346[%get3A_347, %get3A_348] {strides = array<i32>} : memref<128x64xf32, #tpu.memory_space<vmem>>, vector<1x16xf32>,
        %get3A_350 = vector.shape_cast %get3A_349 : vector<1x16xf32> to vector<16xf32>
        %mul3A_351 = arith.constant 8.000000e+00 : f32
        %mul3A_352 = vector.broadcast %mul3A_351 : f32 to vector<16xf32>
        %mul3A_353 = arith.mulf %get3A_350, %mul3A_352 : vector<16xf32>
        %swap3A = arith.constant 0 : i32
        %swap3A_354 = arith.constant 0 : i32
        %swap3A_355 = tpu.memref_slice %arg7[%scan3A_237, %swap3A, %swap3A_354] : memref<2x128x128xf32, #tpu.memory_space<vmem>> -> memref<1x128x128xf32, #tpu.memory_space<vmem>>
        %swap3A_356 = tpu.memref_squeeze %swap3A_355 : memref<1x128x128xf32, #tpu.memory_space<vmem>> -> memref<128x128xf32, #tpu.memory_space<vmem>>
        %swap3A_357 = arith.index_cast %scan3A_342 : i32 to index
        %swap3A_358 = arith.constant 0 : index
        %swap3A_359 = tpu.vector_load %swap3A_356[%swap3A_357, %swap3A_358] {strides = array<i32>} : memref<128x128xf32, #tpu.memory_space<vmem>>, vector<1x16xf32>,
        %swap3A_360 = vector.shape_cast %swap3A_359 : vector<1x16xf32> to vector<16xf32>
        %swap3A_361 = vector.shape_cast %mul3A_353 : vector<16xf32> to vector<1x16xf32>
        tpu.vector_store %swap3A_356[%swap3A_357, %swap3A_358], %swap3A_361 {strides = array<i32>} : memref<128x128xf32, #tpu.memory_space<vmem>>, vector<1x16xf32>,
        %get3A_362 = arith.constant 0 : i32
        %get3A_363 = arith.constant 0 : i32
        %get3A_364 = tpu.memref_slice %arg6[%scan3A_236, %get3A_362, %get3A_363] : memref<4x128x64xf32, #tpu.memory_space<vmem>> -> memref<1x128x64xf32, #tpu.memory_space<vmem>>
        %get3A_365 = tpu.memref_squeeze %get3A_364 : memref<1x128x64xf32, #tpu.memory_space<vmem>> -> memref<128x64xf32, #tpu.memory_space<vmem>>
        %get3A_366 = arith.index_cast %scan3A_342 : i32 to index
        %get3A_367 = arith.constant 16 : index
        %get3A_368 = tpu.vector_load %get3A_365[%get3A_366, %get3A_367] {strides = array<i32>} : memref<128x64xf32, #tpu.memory_space<vmem>>, vector<1x16xf32>,
        %get3A_369 = vector.shape_cast %get3A_368 : vector<1x16xf32> to vector<16xf32>
        %mul3A_370 = arith.constant 8.000000e+00 : f32
        %mul3A_371 = vector.broadcast %mul3A_370 : f32 to vector<16xf32>
        %mul3A_372 = arith.mulf %get3A_369, %mul3A_371 : vector<16xf32>
        %swap3A_373 = arith.constant 0 : i32
        %swap3A_374 = arith.constant 0 : i32
        %swap3A_375 = tpu.memref_slice %arg7[%scan3A_237, %swap3A_373, %swap3A_374] : memref<2x128x128xf32, #tpu.memory_space<vmem>> -> memref<1x128x128xf32, #tpu.memory_space<vmem>>
        %swap3A_376 = tpu.memref_squeeze %swap3A_375 : memref<1x128x128xf32, #tpu.memory_space<vmem>> -> memref<128x128xf32, #tpu.memory_space<vmem>>
        %swap3A_377 = arith.index_cast %scan3A_342 : i32 to index
        %swap3A_378 = arith.constant 16 : index
        %swap3A_379 = tpu.vector_load %swap3A_376[%swap3A_377, %swap3A_378] {strides = array<i32>} : memref<128x128xf32, #tpu.memory_space<vmem>>, vector<1x16xf32>,
        %swap3A_380 = vector.shape_cast %swap3A_379 : vector<1x16xf32> to vector<16xf32>
        %swap3A_381 = vector.shape_cast %mul3A_372 : vector<16xf32> to vector<1x16xf32>
        tpu.vector_store %swap3A_376[%swap3A_377, %swap3A_378], %swap3A_381 {strides = array<i32>} : memref<128x128xf32, #tpu.memory_space<vmem>>, vector<1x16xf32>,
        %get3A_382 = arith.constant 0 : i32
        %get3A_383 = arith.constant 0 : i32
        %get3A_384 = tpu.memref_slice %arg6[%scan3A_236, %get3A_382, %get3A_383] : memref<4x128x64xf32, #tpu.memory_space<vmem>> -> memref<1x128x64xf32, #tpu.memory_space<vmem>>
        %get3A_385 = tpu.memref_squeeze %get3A_384 : memref<1x128x64xf32, #tpu.memory_space<vmem>> -> memref<128x64xf32, #tpu.memory_space<vmem>>
        %get3A_386 = arith.index_cast %scan3A_342 : i32 to index
        %get3A_387 = arith.constant 32 : index
        %get3A_388 = tpu.vector_load %get3A_385[%get3A_386, %get3A_387] {strides = array<i32>} : memref<128x64xf32, #tpu.memory_space<vmem>>, vector<1x16xf32>,
        %get3A_389 = vector.shape_cast %get3A_388 : vector<1x16xf32> to vector<16xf32>
        %mul3A_390 = arith.constant 8.000000e+00 : f32
        %mul3A_391 = vector.broadcast %mul3A_390 : f32 to vector<16xf32>
        %mul3A_392 = arith.mulf %get3A_389, %mul3A_391 : vector<16xf32>
        %swap3A_393 = arith.constant 0 : i32
        %swap3A_394 = arith.constant 0 : i32
        %swap3A_395 = tpu.memref_slice %arg7[%scan3A_237, %swap3A_393, %swap3A_394] : memref<2x128x128xf32, #tpu.memory_space<vmem>> -> memref<1x128x128xf32, #tpu.memory_space<vmem>>
        %swap3A_396 = tpu.memref_squeeze %swap3A_395 : memref<1x128x128xf32, #tpu.memory_space<vmem>> -> memref<128x128xf32, #tpu.memory_space<vmem>>
        %swap3A_397 = arith.index_cast %scan3A_342 : i32 to index
        %swap3A_398 = arith.constant 32 : index
        %swap3A_399 = tpu.vector_load %swap3A_396[%swap3A_397, %swap3A_398] {strides = array<i32>} : memref<128x128xf32, #tpu.memory_space<vmem>>, vector<1x16xf32>,
        %swap3A_400 = vector.shape_cast %swap3A_399 : vector<1x16xf32> to vector<16xf32>
        %swap3A_401 = vector.shape_cast %mul3A_392 : vector<16xf32> to vector<1x16xf32>
        tpu.vector_store %swap3A_396[%swap3A_397, %swap3A_398], %swap3A_401 {strides = array<i32>} : memref<128x128xf32, #tpu.memory_space<vmem>>, vector<1x16xf32>,
        %get3A_402 = arith.constant 0 : i32
        %get3A_403 = arith.constant 0 : i32
        %get3A_404 = tpu.memref_slice %arg6[%scan3A_236, %get3A_402, %get3A_403] : memref<4x128x64xf32, #tpu.memory_space<vmem>> -> memref<1x128x64xf32, #tpu.memory_space<vmem>>
        %get3A_405 = tpu.memref_squeeze %get3A_404 : memref<1x128x64xf32, #tpu.memory_space<vmem>> -> memref<128x64xf32, #tpu.memory_space<vmem>>
        %get3A_406 = arith.index_cast %scan3A_342 : i32 to index
        %get3A_407 = arith.constant 48 : index
        %get3A_408 = tpu.vector_load %get3A_405[%get3A_406, %get3A_407] {strides = array<i32>} : memref<128x64xf32, #tpu.memory_space<vmem>>, vector<1x16xf32>,
        %get3A_409 = vector.shape_cast %get3A_408 : vector<1x16xf32> to vector<16xf32>
        %mul3A_410 = arith.constant 8.000000e+00 : f32
        %mul3A_411 = vector.broadcast %mul3A_410 : f32 to vector<16xf32>
        %mul3A_412 = arith.mulf %get3A_409, %mul3A_411 : vector<16xf32>
        %swap3A_413 = arith.constant 0 : i32
        %swap3A_414 = arith.constant 0 : i32
        %swap3A_415 = tpu.memref_slice %arg7[%scan3A_237, %swap3A_413, %swap3A_414] : memref<2x128x128xf32, #tpu.memory_space<vmem>> -> memref<1x128x128xf32, #tpu.memory_space<vmem>>
        %swap3A_416 = tpu.memref_squeeze %swap3A_415 : memref<1x128x128xf32, #tpu.memory_space<vmem>> -> memref<128x128xf32, #tpu.memory_space<vmem>>
        %swap3A_417 = arith.index_cast %scan3A_342 : i32 to index
        %swap3A_418 = arith.constant 48 : index
        %swap3A_419 = tpu.vector_load %swap3A_416[%swap3A_417, %swap3A_418] {strides = array<i32>} : memref<128x128xf32, #tpu.memory_space<vmem>>, vector<1x16xf32>,
        %swap3A_420 = vector.shape_cast %swap3A_419 : vector<1x16xf32> to vector<16xf32>
        %swap3A_421 = vector.shape_cast %mul3A_412 : vector<16xf32> to vector<1x16xf32>
        tpu.vector_store %swap3A_416[%swap3A_417, %swap3A_418], %swap3A_421 {strides = array<i32>} : memref<128x128xf32, #tpu.memory_space<vmem>>, vector<1x16xf32>,
        %scan3A_422 = arith.constant 0 : i32
        %scan3A_423 = arith.constant 1 : i32
        %scan3A_424 = arith.addi %scan3A_342, %scan3A_423 : i32
        %get3A_425 = arith.constant 0 : i32
        %get3A_426 = arith.constant 0 : i32
        %get3A_427 = tpu.memref_slice %arg6[%scan3A_236, %get3A_425, %get3A_426] : memref<4x128x64xf32, #tpu.memory_space<vmem>> -> memref<1x128x64xf32, #tpu.memory_space<vmem>>
        %get3A_428 = tpu.memref_squeeze %get3A_427 : memref<1x128x64xf32, #tpu.memory_space<vmem>> -> memref<128x64xf32, #tpu.memory_space<vmem>>
        %get3A_429 = arith.index_cast %scan3A_424 : i32 to index
        %get3A_430 = arith.constant 0 : index
        %get3A_431 = tpu.vector_load %get3A_428[%get3A_429, %get3A_430] {strides = array<i32>} : memref<128x64xf32, #tpu.memory_space<vmem>>, vector<1x16xf32>,
        %get3A_432 = vector.shape_cast %get3A_431 : vector<1x16xf32> to vector<16xf32>
        %mul3A_433 = arith.constant 8.000000e+00 : f32
        %mul3A_434 = vector.broadcast %mul3A_433 : f32 to vector<16xf32>
        %mul3A_435 = arith.mulf %get3A_432, %mul3A_434 : vector<16xf32>
        %swap3A_436 = arith.constant 0 : i32
        %swap3A_437 = arith.constant 0 : i32
        %swap3A_438 = tpu.memref_slice %arg7[%scan3A_237, %swap3A_436, %swap3A_437] : memref<2x128x128xf32, #tpu.memory_space<vmem>> -> memref<1x128x128xf32, #tpu.memory_space<vmem>>
        %swap3A_439 = tpu.memref_squeeze %swap3A_438 : memref<1x128x128xf32, #tpu.memory_space<vmem>> -> memref<128x128xf32, #tpu.memory_space<vmem>>
        %swap3A_440 = arith.index_cast %scan3A_424 : i32 to index
        %swap3A_441 = arith.constant 0 : index
        %swap3A_442 = tpu.vector_load %swap3A_439[%swap3A_440, %swap3A_441] {strides = array<i32>} : memref<128x128xf32, #tpu.memory_space<vmem>>, vector<1x16xf32>,
        %swap3A_443 = vector.shape_cast %swap3A_442 : vector<1x16xf32> to vector<16xf32>
        %swap3A_444 = vector.shape_cast %mul3A_435 : vector<16xf32> to vector<1x16xf32>
        tpu.vector_store %swap3A_439[%swap3A_440, %swap3A_441], %swap3A_444 {strides = array<i32>} : memref<128x128xf32, #tpu.memory_space<vmem>>, vector<1x16xf32>,
        %get3A_445 = arith.constant 0 : i32
        %get3A_446 = arith.constant 0 : i32
        %get3A_447 = tpu.memref_slice %arg6[%scan3A_236, %get3A_445, %get3A_446] : memref<4x128x64xf32, #tpu.memory_space<vmem>> -> memref<1x128x64xf32, #tpu.memory_space<vmem>>
        %get3A_448 = tpu.memref_squeeze %get3A_447 : memref<1x128x64xf32, #tpu.memory_space<vmem>> -> memref<128x64xf32, #tpu.memory_space<vmem>>
        %get3A_449 = arith.index_cast %scan3A_424 : i32 to index
        %get3A_450 = arith.constant 16 : index
        %get3A_451 = tpu.vector_load %get3A_448[%get3A_449, %get3A_450] {strides = array<i32>} : memref<128x64xf32, #tpu.memory_space<vmem>>, vector<1x16xf32>,
        %get3A_452 = vector.shape_cast %get3A_451 : vector<1x16xf32> to vector<16xf32>
        %mul3A_453 = arith.constant 8.000000e+00 : f32
        %mul3A_454 = vector.broadcast %mul3A_453 : f32 to vector<16xf32>
        %mul3A_455 = arith.mulf %get3A_452, %mul3A_454 : vector<16xf32>
        %swap3A_456 = arith.constant 0 : i32
        %swap3A_457 = arith.constant 0 : i32
        %swap3A_458 = tpu.memref_slice %arg7[%scan3A_237, %swap3A_456, %swap3A_457] : memref<2x128x128xf32, #tpu.memory_space<vmem>> -> memref<1x128x128xf32, #tpu.memory_space<vmem>>
        %swap3A_459 = tpu.memref_squeeze %swap3A_458 : memref<1x128x128xf32, #tpu.memory_space<vmem>> -> memref<128x128xf32, #tpu.memory_space<vmem>>
        %swap3A_460 = arith.index_cast %scan3A_424 : i32 to index
        %swap3A_461 = arith.constant 16 : index
        %swap3A_462 = tpu.vector_load %swap3A_459[%swap3A_460, %swap3A_461] {strides = array<i32>} : memref<128x128xf32, #tpu.memory_space<vmem>>, vector<1x16xf32>,
        %swap3A_463 = vector.shape_cast %swap3A_462 : vector<1x16xf32> to vector<16xf32>
        %swap3A_464 = vector.shape_cast %mul3A_455 : vector<16xf32> to vector<1x16xf32>
        tpu.vector_store %swap3A_459[%swap3A_460, %swap3A_461], %swap3A_464 {strides = array<i32>} : memref<128x128xf32, #tpu.memory_space<vmem>>, vector<1x16xf32>,
        %get3A_465 = arith.constant 0 : i32
        %get3A_466 = arith.constant 0 : i32
        %get3A_467 = tpu.memref_slice %arg6[%scan3A_236, %get3A_465, %get3A_466] : memref<4x128x64xf32, #tpu.memory_space<vmem>> -> memref<1x128x64xf32, #tpu.memory_space<vmem>>
        %get3A_468 = tpu.memref_squeeze %get3A_467 : memref<1x128x64xf32, #tpu.memory_space<vmem>> -> memref<128x64xf32, #tpu.memory_space<vmem>>
        %get3A_469 = arith.index_cast %scan3A_424 : i32 to index
        %get3A_470 = arith.constant 32 : index
        %get3A_471 = tpu.vector_load %get3A_468[%get3A_469, %get3A_470] {strides = array<i32>} : memref<128x64xf32, #tpu.memory_space<vmem>>, vector<1x16xf32>,
        %get3A_472 = vector.shape_cast %get3A_471 : vector<1x16xf32> to vector<16xf32>
        %mul3A_473 = arith.constant 8.000000e+00 : f32
        %mul3A_474 = vector.broadcast %mul3A_473 : f32 to vector<16xf32>
        %mul3A_475 = arith.mulf %get3A_472, %mul3A_474 : vector<16xf32>
        %swap3A_476 = arith.constant 0 : i32
        %swap3A_477 = arith.constant 0 : i32
        %swap3A_478 = tpu.memref_slice %arg7[%scan3A_237, %swap3A_476, %swap3A_477] : memref<2x128x128xf32, #tpu.memory_space<vmem>> -> memref<1x128x128xf32, #tpu.memory_space<vmem>>
        %swap3A_479 = tpu.memref_squeeze %swap3A_478 : memref<1x128x128xf32, #tpu.memory_space<vmem>> -> memref<128x128xf32, #tpu.memory_space<vmem>>
        %swap3A_480 = arith.index_cast %scan3A_424 : i32 to index
        %swap3A_481 = arith.constant 32 : index
        %swap3A_482 = tpu.vector_load %swap3A_479[%swap3A_480, %swap3A_481] {strides = array<i32>} : memref<128x128xf32, #tpu.memory_space<vmem>>, vector<1x16xf32>,
        %swap3A_483 = vector.shape_cast %swap3A_482 : vector<1x16xf32> to vector<16xf32>
        %swap3A_484 = vector.shape_cast %mul3A_475 : vector<16xf32> to vector<1x16xf32>
        tpu.vector_store %swap3A_479[%swap3A_480, %swap3A_481], %swap3A_484 {strides = array<i32>} : memref<128x128xf32, #tpu.memory_space<vmem>>, vector<1x16xf32>,
        %get3A_485 = arith.constant 0 : i32
        %get3A_486 = arith.constant 0 : i32
        %get3A_487 = tpu.memref_slice %arg6[%scan3A_236, %get3A_485, %get3A_486] : memref<4x128x64xf32, #tpu.memory_space<vmem>> -> memref<1x128x64xf32, #tpu.memory_space<vmem>>
        %get3A_488 = tpu.memref_squeeze %get3A_487 : memref<1x128x64xf32, #tpu.memory_space<vmem>> -> memref<128x64xf32, #tpu.memory_space<vmem>>
        %get3A_489 = arith.index_cast %scan3A_424 : i32 to index
        %get3A_490 = arith.constant 48 : index
        %get3A_491 = tpu.vector_load %get3A_488[%get3A_489, %get3A_490] {strides = array<i32>} : memref<128x64xf32, #tpu.memory_space<vmem>>, vector<1x16xf32>,
        %get3A_492 = vector.shape_cast %get3A_491 : vector<1x16xf32> to vector<16xf32>
        %mul3A_493 = arith.constant 8.000000e+00 : f32
        %mul3A_494 = vector.broadcast %mul3A_493 : f32 to vector<16xf32>
        %mul3A_495 = arith.mulf %get3A_492, %mul3A_494 : vector<16xf32>
        %swap3A_496 = arith.constant 0 : i32
        %swap3A_497 = arith.constant 0 : i32
        %swap3A_498 = tpu.memref_slice %arg7[%scan3A_237, %swap3A_496, %swap3A_497] : memref<2x128x128xf32, #tpu.memory_space<vmem>> -> memref<1x128x128xf32, #tpu.memory_space<vmem>>
        %swap3A_499 = tpu.memref_squeeze %swap3A_498 : memref<1x128x128xf32, #tpu.memory_space<vmem>> -> memref<128x128xf32, #tpu.memory_space<vmem>>
        %swap3A_500 = arith.index_cast %scan3A_424 : i32 to index
        %swap3A_501 = arith.constant 48 : index
        %swap3A_502 = tpu.vector_load %swap3A_499[%swap3A_500, %swap3A_501] {strides = array<i32>} : memref<128x128xf32, #tpu.memory_space<vmem>>, vector<1x16xf32>,
        %swap3A_503 = vector.shape_cast %swap3A_502 : vector<1x16xf32> to vector<16xf32>
        %swap3A_504 = vector.shape_cast %mul3A_495 : vector<16xf32> to vector<1x16xf32>
        tpu.vector_store %swap3A_499[%swap3A_500, %swap3A_501], %swap3A_504 {strides = array<i32>} : memref<128x128xf32, #tpu.memory_space<vmem>>, vector<1x16xf32>,
        %scan3A_505 = arith.constant 0 : i32
        %scan3A_506 = arith.constant 2 : i32
        %scan3A_507 = arith.addi %scan3A_342, %scan3A_506 : i32
        %get3A_508 = arith.constant 0 : i32
        %get3A_509 = arith.constant 0 : i32
        %get3A_510 = tpu.memref_slice %arg6[%scan3A_236, %get3A_508, %get3A_509] : memref<4x128x64xf32, #tpu.memory_space<vmem>> -> memref<1x128x64xf32, #tpu.memory_space<vmem>>
        %get3A_511 = tpu.memref_squeeze %get3A_510 : memref<1x128x64xf32, #tpu.memory_space<vmem>> -> memref<128x64xf32, #tpu.memory_space<vmem>>
        %get3A_512 = arith.index_cast %scan3A_507 : i32 to index
        %get3A_513 = arith.constant 0 : index
        %get3A_514 = tpu.vector_load %get3A_511[%get3A_512, %get3A_513] {strides = array<i32>} : memref<128x64xf32, #tpu.memory_space<vmem>>, vector<1x16xf32>,
        %get3A_515 = vector.shape_cast %get3A_514 : vector<1x16xf32> to vector<16xf32>
        %mul3A_516 = arith.constant 8.000000e+00 : f32
        %mul3A_517 = vector.broadcast %mul3A_516 : f32 to vector<16xf32>
        %mul3A_518 = arith.mulf %get3A_515, %mul3A_517 : vector<16xf32>
        %swap3A_519 = arith.constant 0 : i32
        %swap3A_520 = arith.constant 0 : i32
        %swap3A_521 = tpu.memref_slice %arg7[%scan3A_237, %swap3A_519, %swap3A_520] : memref<2x128x128xf32, #tpu.memory_space<vmem>> -> memref<1x128x128xf32, #tpu.memory_space<vmem>>
        %swap3A_522 = tpu.memref_squeeze %swap3A_521 : memref<1x128x128xf32, #tpu.memory_space<vmem>> -> memref<128x128xf32, #tpu.memory_space<vmem>>
        %swap3A_523 = arith.index_cast %scan3A_507 : i32 to index
        %swap3A_524 = arith.constant 0 : index
        %swap3A_525 = tpu.vector_load %swap3A_522[%swap3A_523, %swap3A_524] {strides = array<i32>} : memref<128x128xf32, #tpu.memory_space<vmem>>, vector<1x16xf32>,
        %swap3A_526 = vector.shape_cast %swap3A_525 : vector<1x16xf32> to vector<16xf32>
        %swap3A_527 = vector.shape_cast %mul3A_518 : vector<16xf32> to vector<1x16xf32>
        tpu.vector_store %swap3A_522[%swap3A_523, %swap3A_524], %swap3A_527 {strides = array<i32>} : memref<128x128xf32, #tpu.memory_space<vmem>>, vector<1x16xf32>,
        %get3A_528 = arith.constant 0 : i32
        %get3A_529 = arith.constant 0 : i32
        %get3A_530 = tpu.memref_slice %arg6[%scan3A_236, %get3A_528, %get3A_529] : memref<4x128x64xf32, #tpu.memory_space<vmem>> -> memref<1x128x64xf32, #tpu.memory_space<vmem>>
        %get3A_531 = tpu.memref_squeeze %get3A_530 : memref<1x128x64xf32, #tpu.memory_space<vmem>> -> memref<128x64xf32, #tpu.memory_space<vmem>>
        %get3A_532 = arith.index_cast %scan3A_507 : i32 to index
        %get3A_533 = arith.constant 16 : index
        %get3A_534 = tpu.vector_load %get3A_531[%get3A_532, %get3A_533] {strides = array<i32>} : memref<128x64xf32, #tpu.memory_space<vmem>>, vector<1x16xf32>,
        %get3A_535 = vector.shape_cast %get3A_534 : vector<1x16xf32> to vector<16xf32>
        %mul3A_536 = arith.constant 8.000000e+00 : f32
        %mul3A_537 = vector.broadcast %mul3A_536 : f32 to vector<16xf32>
        %mul3A_538 = arith.mulf %get3A_535, %mul3A_537 : vector<16xf32>
        %swap3A_539 = arith.constant 0 : i32
        %swap3A_540 = arith.constant 0 : i32
        %swap3A_541 = tpu.memref_slice %arg7[%scan3A_237, %swap3A_539, %swap3A_540] : memref<2x128x128xf32, #tpu.memory_space<vmem>> -> memref<1x128x128xf32, #tpu.memory_space<vmem>>
        %swap3A_542 = tpu.memref_squeeze %swap3A_541 : memref<1x128x128xf32, #tpu.memory_space<vmem>> -> memref<128x128xf32, #tpu.memory_space<vmem>>
        %swap3A_543 = arith.index_cast %scan3A_507 : i32 to index
        %swap3A_544 = arith.constant 16 : index
        %swap3A_545 = tpu.vector_load %swap3A_542[%swap3A_543, %swap3A_544] {strides = array<i32>} : memref<128x128xf32, #tpu.memory_space<vmem>>, vector<1x16xf32>,
        %swap3A_546 = vector.shape_cast %swap3A_545 : vector<1x16xf32> to vector<16xf32>
        %swap3A_547 = vector.shape_cast %mul3A_538 : vector<16xf32> to vector<1x16xf32>
        tpu.vector_store %swap3A_542[%swap3A_543, %swap3A_544], %swap3A_547 {strides = array<i32>} : memref<128x128xf32, #tpu.memory_space<vmem>>, vector<1x16xf32>,
        %get3A_548 = arith.constant 0 : i32
        %get3A_549 = arith.constant 0 : i32
        %get3A_550 = tpu.memref_slice %arg6[%scan3A_236, %get3A_548, %get3A_549] : memref<4x128x64xf32, #tpu.memory_space<vmem>> -> memref<1x128x64xf32, #tpu.memory_space<vmem>>
        %get3A_551 = tpu.memref_squeeze %get3A_550 : memref<1x128x64xf32, #tpu.memory_space<vmem>> -> memref<128x64xf32, #tpu.memory_space<vmem>>
        %get3A_552 = arith.index_cast %scan3A_507 : i32 to index
        %get3A_553 = arith.constant 32 : index
        %get3A_554 = tpu.vector_load %get3A_551[%get3A_552, %get3A_553] {strides = array<i32>} : memref<128x64xf32, #tpu.memory_space<vmem>>, vector<1x16xf32>,
        %get3A_555 = vector.shape_cast %get3A_554 : vector<1x16xf32> to vector<16xf32>
        %mul3A_556 = arith.constant 8.000000e+00 : f32
        %mul3A_557 = vector.broadcast %mul3A_556 : f32 to vector<16xf32>
        %mul3A_558 = arith.mulf %get3A_555, %mul3A_557 : vector<16xf32>
        %swap3A_559 = arith.constant 0 : i32
        %swap3A_560 = arith.constant 0 : i32
        %swap3A_561 = tpu.memref_slice %arg7[%scan3A_237, %swap3A_559, %swap3A_560] : memref<2x128x128xf32, #tpu.memory_space<vmem>> -> memref<1x128x128xf32, #tpu.memory_space<vmem>>
        %swap3A_562 = tpu.memref_squeeze %swap3A_561 : memref<1x128x128xf32, #tpu.memory_space<vmem>> -> memref<128x128xf32, #tpu.memory_space<vmem>>
        %swap3A_563 = arith.index_cast %scan3A_507 : i32 to index
        %swap3A_564 = arith.constant 32 : index
        %swap3A_565 = tpu.vector_load %swap3A_562[%swap3A_563, %swap3A_564] {strides = array<i32>} : memref<128x128xf32, #tpu.memory_space<vmem>>, vector<1x16xf32>,
        %swap3A_566 = vector.shape_cast %swap3A_565 : vector<1x16xf32> to vector<16xf32>
        %swap3A_567 = vector.shape_cast %mul3A_558 : vector<16xf32> to vector<1x16xf32>
        tpu.vector_store %swap3A_562[%swap3A_563, %swap3A_564], %swap3A_567 {strides = array<i32>} : memref<128x128xf32, #tpu.memory_space<vmem>>, vector<1x16xf32>,
        %get3A_568 = arith.constant 0 : i32
        %get3A_569 = arith.constant 0 : i32
        %get3A_570 = tpu.memref_slice %arg6[%scan3A_236, %get3A_568, %get3A_569] : memref<4x128x64xf32, #tpu.memory_space<vmem>> -> memref<1x128x64xf32, #tpu.memory_space<vmem>>
        %get3A_571 = tpu.memref_squeeze %get3A_570 : memref<1x128x64xf32, #tpu.memory_space<vmem>> -> memref<128x64xf32, #tpu.memory_space<vmem>>
        %get3A_572 = arith.index_cast %scan3A_507 : i32 to index
        %get3A_573 = arith.constant 48 : index
        %get3A_574 = tpu.vector_load %get3A_571[%get3A_572, %get3A_573] {strides = array<i32>} : memref<128x64xf32, #tpu.memory_space<vmem>>, vector<1x16xf32>,
        %get3A_575 = vector.shape_cast %get3A_574 : vector<1x16xf32> to vector<16xf32>
        %mul3A_576 = arith.constant 8.000000e+00 : f32
        %mul3A_577 = vector.broadcast %mul3A_576 : f32 to vector<16xf32>
        %mul3A_578 = arith.mulf %get3A_575, %mul3A_577 : vector<16xf32>
        %swap3A_579 = arith.constant 0 : i32
        %swap3A_580 = arith.constant 0 : i32
        %swap3A_581 = tpu.memref_slice %arg7[%scan3A_237, %swap3A_579, %swap3A_580] : memref<2x128x128xf32, #tpu.memory_space<vmem>> -> memref<1x128x128xf32, #tpu.memory_space<vmem>>
        %swap3A_582 = tpu.memref_squeeze %swap3A_581 : memref<1x128x128xf32, #tpu.memory_space<vmem>> -> memref<128x128xf32, #tpu.memory_space<vmem>>
        %swap3A_583 = arith.index_cast %scan3A_507 : i32 to index
        %swap3A_584 = arith.constant 48 : index
        %swap3A_585 = tpu.vector_load %swap3A_582[%swap3A_583, %swap3A_584] {strides = array<i32>} : memref<128x128xf32, #tpu.memory_space<vmem>>, vector<1x16xf32>,
        %swap3A_586 = vector.shape_cast %swap3A_585 : vector<1x16xf32> to vector<16xf32>
        %swap3A_587 = vector.shape_cast %mul3A_578 : vector<16xf32> to vector<1x16xf32>
        tpu.vector_store %swap3A_582[%swap3A_583, %swap3A_584], %swap3A_587 {strides = array<i32>} : memref<128x128xf32, #tpu.memory_space<vmem>>, vector<1x16xf32>,
        %scan3A_588 = arith.constant 0 : i32
        %scan3A_589 = arith.constant 3 : i32
        %scan3A_590 = arith.addi %scan3A_342, %scan3A_589 : i32
        %get3A_591 = arith.constant 0 : i32
        %get3A_592 = arith.constant 0 : i32
        %get3A_593 = tpu.memref_slice %arg6[%scan3A_236, %get3A_591, %get3A_592] : memref<4x128x64xf32, #tpu.memory_space<vmem>> -> memref<1x128x64xf32, #tpu.memory_space<vmem>>
        %get3A_594 = tpu.memref_squeeze %get3A_593 : memref<1x128x64xf32, #tpu.memory_space<vmem>> -> memref<128x64xf32, #tpu.memory_space<vmem>>
        %get3A_595 = arith.index_cast %scan3A_590 : i32 to index
        %get3A_596 = arith.constant 0 : index
        %get3A_597 = tpu.vector_load %get3A_594[%get3A_595, %get3A_596] {strides = array<i32>} : memref<128x64xf32, #tpu.memory_space<vmem>>, vector<1x16xf32>,
        %get3A_598 = vector.shape_cast %get3A_597 : vector<1x16xf32> to vector<16xf32>
        %mul3A_599 = arith.constant 8.000000e+00 : f32
        %mul3A_600 = vector.broadcast %mul3A_599 : f32 to vector<16xf32>
        %mul3A_601 = arith.mulf %get3A_598, %mul3A_600 : vector<16xf32>
        %swap3A_602 = arith.constant 0 : i32
        %swap3A_603 = arith.constant 0 : i32
        %swap3A_604 = tpu.memref_slice %arg7[%scan3A_237, %swap3A_602, %swap3A_603] : memref<2x128x128xf32, #tpu.memory_space<vmem>> -> memref<1x128x128xf32, #tpu.memory_space<vmem>>
        %swap3A_605 = tpu.memref_squeeze %swap3A_604 : memref<1x128x128xf32, #tpu.memory_space<vmem>> -> memref<128x128xf32, #tpu.memory_space<vmem>>
        %swap3A_606 = arith.index_cast %scan3A_590 : i32 to index
        %swap3A_607 = arith.constant 0 : index
        %swap3A_608 = tpu.vector_load %swap3A_605[%swap3A_606, %swap3A_607] {strides = array<i32>} : memref<128x128xf32, #tpu.memory_space<vmem>>, vector<1x16xf32>,
        %swap3A_609 = vector.shape_cast %swap3A_608 : vector<1x16xf32> to vector<16xf32>
        %swap3A_610 = vector.shape_cast %mul3A_601 : vector<16xf32> to vector<1x16xf32>
        tpu.vector_store %swap3A_605[%swap3A_606, %swap3A_607], %swap3A_610 {strides = array<i32>} : memref<128x128xf32, #tpu.memory_space<vmem>>, vector<1x16xf32>,
        %get3A_611 = arith.constant 0 : i32
        %get3A_612 = arith.constant 0 : i32
        %get3A_613 = tpu.memref_slice %arg6[%scan3A_236, %get3A_611, %get3A_612] : memref<4x128x64xf32, #tpu.memory_space<vmem>> -> memref<1x128x64xf32, #tpu.memory_space<vmem>>
        %get3A_614 = tpu.memref_squeeze %get3A_613 : memref<1x128x64xf32, #tpu.memory_space<vmem>> -> memref<128x64xf32, #tpu.memory_space<vmem>>
        %get3A_615 = arith.index_cast %scan3A_590 : i32 to index
        %get3A_616 = arith.constant 16 : index
        %get3A_617 = tpu.vector_load %get3A_614[%get3A_615, %get3A_616] {strides = array<i32>} : memref<128x64xf32, #tpu.memory_space<vmem>>, vector<1x16xf32>,
        %get3A_618 = vector.shape_cast %get3A_617 : vector<1x16xf32> to vector<16xf32>
        %mul3A_619 = arith.constant 8.000000e+00 : f32
        %mul3A_620 = vector.broadcast %mul3A_619 : f32 to vector<16xf32>
        %mul3A_621 = arith.mulf %get3A_618, %mul3A_620 : vector<16xf32>
        %swap3A_622 = arith.constant 0 : i32
        %swap3A_623 = arith.constant 0 : i32
        %swap3A_624 = tpu.memref_slice %arg7[%scan3A_237, %swap3A_622, %swap3A_623] : memref<2x128x128xf32, #tpu.memory_space<vmem>> -> memref<1x128x128xf32, #tpu.memory_space<vmem>>
        %swap3A_625 = tpu.memref_squeeze %swap3A_624 : memref<1x128x128xf32, #tpu.memory_space<vmem>> -> memref<128x128xf32, #tpu.memory_space<vmem>>
        %swap3A_626 = arith.index_cast %scan3A_590 : i32 to index
        %swap3A_627 = arith.constant 16 : index
        %swap3A_628 = tpu.vector_load %swap3A_625[%swap3A_626, %swap3A_627] {strides = array<i32>} : memref<128x128xf32, #tpu.memory_space<vmem>>, vector<1x16xf32>,
        %swap3A_629 = vector.shape_cast %swap3A_628 : vector<1x16xf32> to vector<16xf32>
        %swap3A_630 = vector.shape_cast %mul3A_621 : vector<16xf32> to vector<1x16xf32>
        tpu.vector_store %swap3A_625[%swap3A_626, %swap3A_627], %swap3A_630 {strides = array<i32>} : memref<128x128xf32, #tpu.memory_space<vmem>>, vector<1x16xf32>,
        %get3A_631 = arith.constant 0 : i32
        %get3A_632 = arith.constant 0 : i32
        %get3A_633 = tpu.memref_slice %arg6[%scan3A_236, %get3A_631, %get3A_632] : memref<4x128x64xf32, #tpu.memory_space<vmem>> -> memref<1x128x64xf32, #tpu.memory_space<vmem>>
        %get3A_634 = tpu.memref_squeeze %get3A_633 : memref<1x128x64xf32, #tpu.memory_space<vmem>> -> memref<128x64xf32, #tpu.memory_space<vmem>>
        %get3A_635 = arith.index_cast %scan3A_590 : i32 to index
        %get3A_636 = arith.constant 32 : index
        %get3A_637 = tpu.vector_load %get3A_634[%get3A_635, %get3A_636] {strides = array<i32>} : memref<128x64xf32, #tpu.memory_space<vmem>>, vector<1x16xf32>,
        %get3A_638 = vector.shape_cast %get3A_637 : vector<1x16xf32> to vector<16xf32>
        %mul3A_639 = arith.constant 8.000000e+00 : f32
        %mul3A_640 = vector.broadcast %mul3A_639 : f32 to vector<16xf32>
        %mul3A_641 = arith.mulf %get3A_638, %mul3A_640 : vector<16xf32>
        %swap3A_642 = arith.constant 0 : i32
        %swap3A_643 = arith.constant 0 : i32
        %swap3A_644 = tpu.memref_slice %arg7[%scan3A_237, %swap3A_642, %swap3A_643] : memref<2x128x128xf32, #tpu.memory_space<vmem>> -> memref<1x128x128xf32, #tpu.memory_space<vmem>>
        %swap3A_645 = tpu.memref_squeeze %swap3A_644 : memref<1x128x128xf32, #tpu.memory_space<vmem>> -> memref<128x128xf32, #tpu.memory_space<vmem>>
        %swap3A_646 = arith.index_cast %scan3A_590 : i32 to index
        %swap3A_647 = arith.constant 32 : index
        %swap3A_648 = tpu.vector_load %swap3A_645[%swap3A_646, %swap3A_647] {strides = array<i32>} : memref<128x128xf32, #tpu.memory_space<vmem>>, vector<1x16xf32>,
        %swap3A_649 = vector.shape_cast %swap3A_648 : vector<1x16xf32> to vector<16xf32>
        %swap3A_650 = vector.shape_cast %mul3A_641 : vector<16xf32> to vector<1x16xf32>
        tpu.vector_store %swap3A_645[%swap3A_646, %swap3A_647], %swap3A_650 {strides = array<i32>} : memref<128x128xf32, #tpu.memory_space<vmem>>, vector<1x16xf32>,
        %get3A_651 = arith.constant 0 : i32
        %get3A_652 = arith.constant 0 : i32
        %get3A_653 = tpu.memref_slice %arg6[%scan3A_236, %get3A_651, %get3A_652] : memref<4x128x64xf32, #tpu.memory_space<vmem>> -> memref<1x128x64xf32, #tpu.memory_space<vmem>>
        %get3A_654 = tpu.memref_squeeze %get3A_653 : memref<1x128x64xf32, #tpu.memory_space<vmem>> -> memref<128x64xf32, #tpu.memory_space<vmem>>
        %get3A_655 = arith.index_cast %scan3A_590 : i32 to index
        %get3A_656 = arith.constant 48 : index
        %get3A_657 = tpu.vector_load %get3A_654[%get3A_655, %get3A_656] {strides = array<i32>} : memref<128x64xf32, #tpu.memory_space<vmem>>, vector<1x16xf32>,
        %get3A_658 = vector.shape_cast %get3A_657 : vector<1x16xf32> to vector<16xf32>
        %mul3A_659 = arith.constant 8.000000e+00 : f32
        %mul3A_660 = vector.broadcast %mul3A_659 : f32 to vector<16xf32>
        %mul3A_661 = arith.mulf %get3A_658, %mul3A_660 : vector<16xf32>
        %swap3A_662 = arith.constant 0 : i32
        %swap3A_663 = arith.constant 0 : i32
        %swap3A_664 = tpu.memref_slice %arg7[%scan3A_237, %swap3A_662, %swap3A_663] : memref<2x128x128xf32, #tpu.memory_space<vmem>> -> memref<1x128x128xf32, #tpu.memory_space<vmem>>
        %swap3A_665 = tpu.memref_squeeze %swap3A_664 : memref<1x128x128xf32, #tpu.memory_space<vmem>> -> memref<128x128xf32, #tpu.memory_space<vmem>>
        %swap3A_666 = arith.index_cast %scan3A_590 : i32 to index
        %swap3A_667 = arith.constant 48 : index
        %swap3A_668 = tpu.vector_load %swap3A_665[%swap3A_666, %swap3A_667] {strides = array<i32>} : memref<128x128xf32, #tpu.memory_space<vmem>>, vector<1x16xf32>,
        %swap3A_669 = vector.shape_cast %swap3A_668 : vector<1x16xf32> to vector<16xf32>
        %swap3A_670 = vector.shape_cast %mul3A_661 : vector<16xf32> to vector<1x16xf32>
        tpu.vector_store %swap3A_665[%swap3A_666, %swap3A_667], %swap3A_670 {strides = array<i32>} : memref<128x128xf32, #tpu.memory_space<vmem>>, vector<1x16xf32>,
        %scan3A_671 = arith.constant 0 : i32
        scf.yield %scan3A_671 : i32
      }
      %scan3A_244 = arith.constant 128 : i32
      %shift_right_arithmetic3A_245 = arith.constant 1 : i32
      %shift_right_arithmetic3A_246 = arith.shrsi %add3A_203, %shift_right_arithmetic3A_245 : i32
      %add3A_247 = arith.addi %mul3A_2, %shift_right_arithmetic3A_246 : i32
      %dma_start3A_248 = arith.constant 0 : i32
      %dma_start3A_249 = arith.constant 0 : i32
      %dma_start3A_250 = arith.constant 0 : i32
      %dma_start3A_251 = tpu.memref_slice %arg7[%dma_start3A_248, %dma_start3A_249, %dma_start3A_250] : memref<2x128x128xf32, #tpu.memory_space<vmem>> -> memref<1x128x128xf32, #tpu.memory_space<vmem>>
      %dma_start3A_252 = tpu.memref_squeeze %dma_start3A_251 : memref<1x128x128xf32, #tpu.memory_space<vmem>> -> memref<128x128xf32, #tpu.memory_space<vmem>>
      %dma_start3A_253 = arith.constant 0 : i32
      %dma_start3A_254 = arith.constant 0 : i32
      %dma_start3A_255 = tpu.memref_slice %arg4[%add3A_247, %dma_start3A_253, %dma_start3A_254] : memref<4096x200x128xf32, #tpu.memory_space<hbm>> -> memref<1x128x128xf32, #tpu.memory_space<hbm>>
      %dma_start3A_256 = tpu.memref_squeeze %dma_start3A_255 : memref<1x128x128xf32, #tpu.memory_space<hbm>> -> memref<128x128xf32, #tpu.memory_space<hbm>>
      %dma_start3A_257 = arith.constant 0 : i32
      %dma_start3A_258 = arith.constant 0 : i32
      %dma_start3A_259 = tpu.memref_slice %arg4[%add3A_247, %dma_start3A_257, %dma_start3A_258] : memref<4096x200x128xf32, #tpu.memory_space<hbm>> -> memref<1x128x128xf32, #tpu.memory_space<hbm>>
      %dma_start3A_260 = tpu.memref_squeeze %dma_start3A_259 : memref<1x128x128xf32, #tpu.memory_space<hbm>> -> memref<128x128xf32, #tpu.memory_space<hbm>>
      %dma_start3A_261 = arith.constant 0 : i32
      %dma_start3A_262 = arith.constant 0 : i32
      %dma_start3A_263 = tpu.memref_slice %arg7[%dma_start3A_248, %dma_start3A_261, %dma_start3A_262] : memref<2x128x128xf32, #tpu.memory_space<vmem>> -> memref<1x128x128xf32, #tpu.memory_space<vmem>>
      %dma_start3A_264 = tpu.memref_squeeze %dma_start3A_263 : memref<1x128x128xf32, #tpu.memory_space<vmem>> -> memref<128x128xf32, #tpu.memory_space<vmem>>
      tpu.enqueue_dma source(%dma_start3A_264 : memref<128x128xf32, #tpu.memory_space<vmem>>) target(%dma_start3A_260 : memref<128x128xf32, #tpu.memory_space<hbm>>) target_semaphore(%arg12 : memref<!tpu.dma_semaphore, #tpu.memory_space<semaphore_mem>>)
      %lt3A_265 = arith.constant 63 : i32
      %lt3A_266 = arith.cmpi slt, %scan3A_95, %lt3A_265 : i32
      %convert_element_type3A_267 = arith.extui %lt3A_266 : i1 to i32
      %cond3A_268 = arith.constant 0 : i32
      %cond3A_269 = arith.cmpi ne, %convert_element_type3A_267, %cond3A_268 : i32
      scf.if %cond3A_269 {
        %add3A_342 = arith.constant 4 : i32
        %add3A_343 = arith.addi %add3A_203, %add3A_342 : i32
        %dma_start3A_344 = arith.constant 2 : i32
        %dma_start3A_345 = arith.constant 0 : i32
        %dma_start3A_346 = arith.constant 0 : i32
        %dma_start3A_347 = tpu.memref_slice %arg6[%dma_start3A_344, %dma_start3A_345, %dma_start3A_346] : memref<4x128x64xf32, #tpu.memory_space<vmem>> -> memref<1x128x64xf32, #tpu.memory_space<vmem>>
        %dma_start3A_348 = tpu.memref_squeeze %dma_start3A_347 : memref<1x128x64xf32, #tpu.memory_space<vmem>> -> memref<128x64xf32, #tpu.memory_space<vmem>>
        %dma_start3A_349 = arith.constant 0 : i32
        %dma_start3A_350 = tpu.memref_slice %arg5[%add3A_343, %dma_start3A_349] : memref<256x128xi32, #tpu.memory_space<vmem>> -> memref<1x128xi32, #tpu.memory_space<vmem>>
        %dma_start3A_351 = tpu.memref_squeeze %dma_start3A_350 : memref<1x128xi32, #tpu.memory_space<vmem>> -> memref<128xi32, #tpu.memory_space<vmem>>
        %dma_start3A_352 = arith.constant 0 : i32
        %dma_start3A_353 = arith.constant 0 : i32
        %dma_start3A_354 = tpu.memref_slice %arg3[%dma_start3A_352, %dma_start3A_353] : memref<1000000x64xf32, #tpu.memory_space<hbm>> -> memref<1000000x64xf32, #tpu.memory_space<hbm>>
        tpu.enqueue_indirect_dma source(%dma_start3A_354 : memref<1000000x64xf32, #tpu.memory_space<hbm>>) target(%dma_start3A_348 : memref<128x64xf32, #tpu.memory_space<vmem>>) offsets(%dma_start3A_351 : memref<128xi32, #tpu.memory_space<vmem>>) semaphore(%arg10 : memref<!tpu.dma_semaphore, #tpu.memory_space<semaphore_mem>>)
      } else {
      }
      %mul3A_270 = arith.constant 4 : i32
      %mul3A_271 = arith.muli %scan3A_95, %mul3A_270 : i32
      %add3A_272 = arith.constant 3 : i32
      %add3A_273 = arith.addi %mul3A_271, %add3A_272 : i32
      %dma_wait3A_274 = arith.constant 3 : i32
      %dma_wait3A_275 = arith.constant 0 : i32
      %dma_wait3A_276 = arith.constant 0 : i32
      %dma_wait3A_277 = tpu.memref_slice %arg6[%dma_wait3A_274, %dma_wait3A_275, %dma_wait3A_276] : memref<4x128x64xf32, #tpu.memory_space<vmem>> -> memref<1x72x64xf32, #tpu.memory_space<vmem>>
      %dma_wait3A_278 = tpu.memref_squeeze %dma_wait3A_277 : memref<1x72x64xf32, #tpu.memory_space<vmem>> -> memref<72x64xf32, #tpu.memory_space<vmem>>
      %dma_wait3A_279 = arith.constant 0 : i32
      %dma_wait3A_280 = tpu.memref_slice %arg5[%add3A_273, %dma_wait3A_279] : memref<256x128xi32, #tpu.memory_space<vmem>> -> memref<1x72xi32, #tpu.memory_space<vmem>>
      %dma_wait3A_281 = tpu.memref_squeeze %dma_wait3A_280 : memref<1x72xi32, #tpu.memory_space<vmem>> -> memref<72xi32, #tpu.memory_space<vmem>>
      %dma_wait3A_282 = arith.constant 0 : i32
      %dma_wait3A_283 = arith.constant 0 : i32
      %dma_wait3A_284 = tpu.memref_slice %arg3[%dma_wait3A_282, %dma_wait3A_283] : memref<1000000x64xf32, #tpu.memory_space<hbm>> -> memref<1000000x64xf32, #tpu.memory_space<hbm>>
      tpu.wait_indirect_dma semaphore(%arg11 : memref<!tpu.dma_semaphore, #tpu.memory_space<semaphore_mem>>) src(%dma_wait3A_284 : memref<1000000x64xf32, #tpu.memory_space<hbm>>) dst(%dma_wait3A_278 : memref<72x64xf32, #tpu.memory_space<vmem>>)
      %sub3A_285 = arith.constant 2 : i32
      %sub3A_286 = arith.subi %add3A_273, %sub3A_285 : i32
      %shift_right_arithmetic3A_287 = arith.constant 1 : i32
      %shift_right_arithmetic3A_288 = arith.shrsi %sub3A_286, %shift_right_arithmetic3A_287 : i32
      %add3A_289 = arith.addi %mul3A_2, %shift_right_arithmetic3A_288 : i32
      %dma_wait3A_290 = arith.constant 1 : i32
      %dma_wait3A_291 = arith.constant 0 : i32
      %dma_wait3A_292 = arith.constant 0 : i32
      %dma_wait3A_293 = tpu.memref_slice %arg7[%dma_wait3A_290, %dma_wait3A_291, %dma_wait3A_292] : memref<2x128x128xf32, #tpu.memory_space<vmem>> -> memref<1x72x128xf32, #tpu.memory_space<vmem>>
      %dma_wait3A_294 = tpu.memref_squeeze %dma_wait3A_293 : memref<1x72x128xf32, #tpu.memory_space<vmem>> -> memref<72x128xf32, #tpu.memory_space<vmem>>
      %dma_wait3A_295 = arith.constant 128 : i32
      %dma_wait3A_296 = arith.constant 0 : i32
      %dma_wait3A_297 = tpu.memref_slice %arg4[%add3A_289, %dma_wait3A_295, %dma_wait3A_296] : memref<4096x200x128xf32, #tpu.memory_space<hbm>> -> memref<1x72x128xf32, #tpu.memory_space<hbm>>
      %dma_wait3A_298 = tpu.memref_squeeze %dma_wait3A_297 : memref<1x72x128xf32, #tpu.memory_space<hbm>> -> memref<72x128xf32, #tpu.memory_space<hbm>>
      %dma_wait3A_299 = arith.constant 128 : i32
      %dma_wait3A_300 = arith.constant 0 : i32
      %dma_wait3A_301 = tpu.memref_slice %arg4[%add3A_289, %dma_wait3A_299, %dma_wait3A_300] : memref<4096x200x128xf32, #tpu.memory_space<hbm>> -> memref<1x72x128xf32, #tpu.memory_space<hbm>>
      %dma_wait3A_302 = tpu.memref_squeeze %dma_wait3A_301 : memref<1x72x128xf32, #tpu.memory_space<hbm>> -> memref<72x128xf32, #tpu.memory_space<hbm>>
      %dma_wait3A_303 = arith.constant 0 : i32
      %dma_wait3A_304 = arith.constant 0 : i32
      %dma_wait3A_305 = tpu.memref_slice %arg7[%dma_wait3A_290, %dma_wait3A_303, %dma_wait3A_304] : memref<2x128x128xf32, #tpu.memory_space<vmem>> -> memref<1x72x128xf32, #tpu.memory_space<vmem>>
      %dma_wait3A_306 = tpu.memref_squeeze %dma_wait3A_305 : memref<1x72x128xf32, #tpu.memory_space<vmem>> -> memref<72x128xf32, #tpu.memory_space<vmem>>
      tpu.wait_dma2 semaphore(%arg13 : memref<!tpu.dma_semaphore, #tpu.memory_space<semaphore_mem>>) src(%dma_wait3A_306 : memref<72x128xf32, #tpu.memory_space<vmem>>) dst(%dma_wait3A_302 : memref<72x128xf32, #tpu.memory_space<hbm>>)
      %scan3A_307 = arith.constant 3 : i32
      %scan3A_308 = arith.constant 1 : i32
      %scan3A_309 = arith.constant 0 : i32
      %scan3A_310 = arith.constant 0 : i32
      %scan3A_311 = arith.constant 72 : i32
      %scan3A_312 = arith.addi %scan3A_310, %scan3A_311 : i32
      %scan3A_313 = arith.constant 4 : i32
      %scan3A_314 = scf.for %scan3A_342 = %scan3A_310 to %scan3A_312 step %scan3A_313 iter_args(%scan3A_343 = %scan3A_309) -> (i32)  : i32 {
        %get3A = arith.constant 0 : i32
        %get3A_344 = arith.constant 0 : i32
        %get3A_345 = tpu.memref_slice %arg6[%scan3A_307, %get3A, %get3A_344] : memref<4x128x64xf32, #tpu.memory_space<vmem>> -> memref<1x128x64xf32, #tpu.memory_space<vmem>>
        %get3A_346 = tpu.memref_squeeze %get3A_345 : memref<1x128x64xf32, #tpu.memory_space<vmem>> -> memref<128x64xf32, #tpu.memory_space<vmem>>
        %get3A_347 = arith.index_cast %scan3A_342 : i32 to index
        %get3A_348 = arith.constant 0 : index
        %get3A_349 = tpu.vector_load %get3A_346[%get3A_347, %get3A_348] {strides = array<i32>} : memref<128x64xf32, #tpu.memory_space<vmem>>, vector<1x16xf32>,
        %get3A_350 = vector.shape_cast %get3A_349 : vector<1x16xf32> to vector<16xf32>
        %mul3A_351 = arith.constant 8.000000e+00 : f32
        %mul3A_352 = vector.broadcast %mul3A_351 : f32 to vector<16xf32>
        %mul3A_353 = arith.mulf %get3A_350, %mul3A_352 : vector<16xf32>
        %swap3A = arith.constant 0 : i32
        %swap3A_354 = arith.constant 0 : i32
        %swap3A_355 = tpu.memref_slice %arg7[%scan3A_308, %swap3A, %swap3A_354] : memref<2x128x128xf32, #tpu.memory_space<vmem>> -> memref<1x128x128xf32, #tpu.memory_space<vmem>>
        %swap3A_356 = tpu.memref_squeeze %swap3A_355 : memref<1x128x128xf32, #tpu.memory_space<vmem>> -> memref<128x128xf32, #tpu.memory_space<vmem>>
        %swap3A_357 = arith.index_cast %scan3A_342 : i32 to index
        %swap3A_358 = arith.constant 0 : index
        %swap3A_359 = tpu.vector_load %swap3A_356[%swap3A_357, %swap3A_358] {strides = array<i32>} : memref<128x128xf32, #tpu.memory_space<vmem>>, vector<1x16xf32>,
        %swap3A_360 = vector.shape_cast %swap3A_359 : vector<1x16xf32> to vector<16xf32>
        %swap3A_361 = vector.shape_cast %mul3A_353 : vector<16xf32> to vector<1x16xf32>
        tpu.vector_store %swap3A_356[%swap3A_357, %swap3A_358], %swap3A_361 {strides = array<i32>} : memref<128x128xf32, #tpu.memory_space<vmem>>, vector<1x16xf32>,
        %get3A_362 = arith.constant 0 : i32
        %get3A_363 = arith.constant 0 : i32
        %get3A_364 = tpu.memref_slice %arg6[%scan3A_307, %get3A_362, %get3A_363] : memref<4x128x64xf32, #tpu.memory_space<vmem>> -> memref<1x128x64xf32, #tpu.memory_space<vmem>>
        %get3A_365 = tpu.memref_squeeze %get3A_364 : memref<1x128x64xf32, #tpu.memory_space<vmem>> -> memref<128x64xf32, #tpu.memory_space<vmem>>
        %get3A_366 = arith.index_cast %scan3A_342 : i32 to index
        %get3A_367 = arith.constant 16 : index
        %get3A_368 = tpu.vector_load %get3A_365[%get3A_366, %get3A_367] {strides = array<i32>} : memref<128x64xf32, #tpu.memory_space<vmem>>, vector<1x16xf32>,
        %get3A_369 = vector.shape_cast %get3A_368 : vector<1x16xf32> to vector<16xf32>
        %mul3A_370 = arith.constant 8.000000e+00 : f32
        %mul3A_371 = vector.broadcast %mul3A_370 : f32 to vector<16xf32>
        %mul3A_372 = arith.mulf %get3A_369, %mul3A_371 : vector<16xf32>
        %swap3A_373 = arith.constant 0 : i32
        %swap3A_374 = arith.constant 0 : i32
        %swap3A_375 = tpu.memref_slice %arg7[%scan3A_308, %swap3A_373, %swap3A_374] : memref<2x128x128xf32, #tpu.memory_space<vmem>> -> memref<1x128x128xf32, #tpu.memory_space<vmem>>
        %swap3A_376 = tpu.memref_squeeze %swap3A_375 : memref<1x128x128xf32, #tpu.memory_space<vmem>> -> memref<128x128xf32, #tpu.memory_space<vmem>>
        %swap3A_377 = arith.index_cast %scan3A_342 : i32 to index
        %swap3A_378 = arith.constant 16 : index
        %swap3A_379 = tpu.vector_load %swap3A_376[%swap3A_377, %swap3A_378] {strides = array<i32>} : memref<128x128xf32, #tpu.memory_space<vmem>>, vector<1x16xf32>,
        %swap3A_380 = vector.shape_cast %swap3A_379 : vector<1x16xf32> to vector<16xf32>
        %swap3A_381 = vector.shape_cast %mul3A_372 : vector<16xf32> to vector<1x16xf32>
        tpu.vector_store %swap3A_376[%swap3A_377, %swap3A_378], %swap3A_381 {strides = array<i32>} : memref<128x128xf32, #tpu.memory_space<vmem>>, vector<1x16xf32>,
        %get3A_382 = arith.constant 0 : i32
        %get3A_383 = arith.constant 0 : i32
        %get3A_384 = tpu.memref_slice %arg6[%scan3A_307, %get3A_382, %get3A_383] : memref<4x128x64xf32, #tpu.memory_space<vmem>> -> memref<1x128x64xf32, #tpu.memory_space<vmem>>
        %get3A_385 = tpu.memref_squeeze %get3A_384 : memref<1x128x64xf32, #tpu.memory_space<vmem>> -> memref<128x64xf32, #tpu.memory_space<vmem>>
        %get3A_386 = arith.index_cast %scan3A_342 : i32 to index
        %get3A_387 = arith.constant 32 : index
        %get3A_388 = tpu.vector_load %get3A_385[%get3A_386, %get3A_387] {strides = array<i32>} : memref<128x64xf32, #tpu.memory_space<vmem>>, vector<1x16xf32>,
        %get3A_389 = vector.shape_cast %get3A_388 : vector<1x16xf32> to vector<16xf32>
        %mul3A_390 = arith.constant 8.000000e+00 : f32
        %mul3A_391 = vector.broadcast %mul3A_390 : f32 to vector<16xf32>
        %mul3A_392 = arith.mulf %get3A_389, %mul3A_391 : vector<16xf32>
        %swap3A_393 = arith.constant 0 : i32
        %swap3A_394 = arith.constant 0 : i32
        %swap3A_395 = tpu.memref_slice %arg7[%scan3A_308, %swap3A_393, %swap3A_394] : memref<2x128x128xf32, #tpu.memory_space<vmem>> -> memref<1x128x128xf32, #tpu.memory_space<vmem>>
        %swap3A_396 = tpu.memref_squeeze %swap3A_395 : memref<1x128x128xf32, #tpu.memory_space<vmem>> -> memref<128x128xf32, #tpu.memory_space<vmem>>
        %swap3A_397 = arith.index_cast %scan3A_342 : i32 to index
        %swap3A_398 = arith.constant 32 : index
        %swap3A_399 = tpu.vector_load %swap3A_396[%swap3A_397, %swap3A_398] {strides = array<i32>} : memref<128x128xf32, #tpu.memory_space<vmem>>, vector<1x16xf32>,
        %swap3A_400 = vector.shape_cast %swap3A_399 : vector<1x16xf32> to vector<16xf32>
        %swap3A_401 = vector.shape_cast %mul3A_392 : vector<16xf32> to vector<1x16xf32>
        tpu.vector_store %swap3A_396[%swap3A_397, %swap3A_398], %swap3A_401 {strides = array<i32>} : memref<128x128xf32, #tpu.memory_space<vmem>>, vector<1x16xf32>,
        %get3A_402 = arith.constant 0 : i32
        %get3A_403 = arith.constant 0 : i32
        %get3A_404 = tpu.memref_slice %arg6[%scan3A_307, %get3A_402, %get3A_403] : memref<4x128x64xf32, #tpu.memory_space<vmem>> -> memref<1x128x64xf32, #tpu.memory_space<vmem>>
        %get3A_405 = tpu.memref_squeeze %get3A_404 : memref<1x128x64xf32, #tpu.memory_space<vmem>> -> memref<128x64xf32, #tpu.memory_space<vmem>>
        %get3A_406 = arith.index_cast %scan3A_342 : i32 to index
        %get3A_407 = arith.constant 48 : index
        %get3A_408 = tpu.vector_load %get3A_405[%get3A_406, %get3A_407] {strides = array<i32>} : memref<128x64xf32, #tpu.memory_space<vmem>>, vector<1x16xf32>,
        %get3A_409 = vector.shape_cast %get3A_408 : vector<1x16xf32> to vector<16xf32>
        %mul3A_410 = arith.constant 8.000000e+00 : f32
        %mul3A_411 = vector.broadcast %mul3A_410 : f32 to vector<16xf32>
        %mul3A_412 = arith.mulf %get3A_409, %mul3A_411 : vector<16xf32>
        %swap3A_413 = arith.constant 0 : i32
        %swap3A_414 = arith.constant 0 : i32
        %swap3A_415 = tpu.memref_slice %arg7[%scan3A_308, %swap3A_413, %swap3A_414] : memref<2x128x128xf32, #tpu.memory_space<vmem>> -> memref<1x128x128xf32, #tpu.memory_space<vmem>>
        %swap3A_416 = tpu.memref_squeeze %swap3A_415 : memref<1x128x128xf32, #tpu.memory_space<vmem>> -> memref<128x128xf32, #tpu.memory_space<vmem>>
        %swap3A_417 = arith.index_cast %scan3A_342 : i32 to index
        %swap3A_418 = arith.constant 48 : index
        %swap3A_419 = tpu.vector_load %swap3A_416[%swap3A_417, %swap3A_418] {strides = array<i32>} : memref<128x128xf32, #tpu.memory_space<vmem>>, vector<1x16xf32>,
        %swap3A_420 = vector.shape_cast %swap3A_419 : vector<1x16xf32> to vector<16xf32>
        %swap3A_421 = vector.shape_cast %mul3A_412 : vector<16xf32> to vector<1x16xf32>
        tpu.vector_store %swap3A_416[%swap3A_417, %swap3A_418], %swap3A_421 {strides = array<i32>} : memref<128x128xf32, #tpu.memory_space<vmem>>, vector<1x16xf32>,
        %scan3A_422 = arith.constant 0 : i32
        %scan3A_423 = arith.constant 1 : i32
        %scan3A_424 = arith.addi %scan3A_342, %scan3A_423 : i32
        %get3A_425 = arith.constant 0 : i32
        %get3A_426 = arith.constant 0 : i32
        %get3A_427 = tpu.memref_slice %arg6[%scan3A_307, %get3A_425, %get3A_426] : memref<4x128x64xf32, #tpu.memory_space<vmem>> -> memref<1x128x64xf32, #tpu.memory_space<vmem>>
        %get3A_428 = tpu.memref_squeeze %get3A_427 : memref<1x128x64xf32, #tpu.memory_space<vmem>> -> memref<128x64xf32, #tpu.memory_space<vmem>>
        %get3A_429 = arith.index_cast %scan3A_424 : i32 to index
        %get3A_430 = arith.constant 0 : index
        %get3A_431 = tpu.vector_load %get3A_428[%get3A_429, %get3A_430] {strides = array<i32>} : memref<128x64xf32, #tpu.memory_space<vmem>>, vector<1x16xf32>,
        %get3A_432 = vector.shape_cast %get3A_431 : vector<1x16xf32> to vector<16xf32>
        %mul3A_433 = arith.constant 8.000000e+00 : f32
        %mul3A_434 = vector.broadcast %mul3A_433 : f32 to vector<16xf32>
        %mul3A_435 = arith.mulf %get3A_432, %mul3A_434 : vector<16xf32>
        %swap3A_436 = arith.constant 0 : i32
        %swap3A_437 = arith.constant 0 : i32
        %swap3A_438 = tpu.memref_slice %arg7[%scan3A_308, %swap3A_436, %swap3A_437] : memref<2x128x128xf32, #tpu.memory_space<vmem>> -> memref<1x128x128xf32, #tpu.memory_space<vmem>>
        %swap3A_439 = tpu.memref_squeeze %swap3A_438 : memref<1x128x128xf32, #tpu.memory_space<vmem>> -> memref<128x128xf32, #tpu.memory_space<vmem>>
        %swap3A_440 = arith.index_cast %scan3A_424 : i32 to index
        %swap3A_441 = arith.constant 0 : index
        %swap3A_442 = tpu.vector_load %swap3A_439[%swap3A_440, %swap3A_441] {strides = array<i32>} : memref<128x128xf32, #tpu.memory_space<vmem>>, vector<1x16xf32>,
        %swap3A_443 = vector.shape_cast %swap3A_442 : vector<1x16xf32> to vector<16xf32>
        %swap3A_444 = vector.shape_cast %mul3A_435 : vector<16xf32> to vector<1x16xf32>
        tpu.vector_store %swap3A_439[%swap3A_440, %swap3A_441], %swap3A_444 {strides = array<i32>} : memref<128x128xf32, #tpu.memory_space<vmem>>, vector<1x16xf32>,
        %get3A_445 = arith.constant 0 : i32
        %get3A_446 = arith.constant 0 : i32
        %get3A_447 = tpu.memref_slice %arg6[%scan3A_307, %get3A_445, %get3A_446] : memref<4x128x64xf32, #tpu.memory_space<vmem>> -> memref<1x128x64xf32, #tpu.memory_space<vmem>>
        %get3A_448 = tpu.memref_squeeze %get3A_447 : memref<1x128x64xf32, #tpu.memory_space<vmem>> -> memref<128x64xf32, #tpu.memory_space<vmem>>
        %get3A_449 = arith.index_cast %scan3A_424 : i32 to index
        %get3A_450 = arith.constant 16 : index
        %get3A_451 = tpu.vector_load %get3A_448[%get3A_449, %get3A_450] {strides = array<i32>} : memref<128x64xf32, #tpu.memory_space<vmem>>, vector<1x16xf32>,
        %get3A_452 = vector.shape_cast %get3A_451 : vector<1x16xf32> to vector<16xf32>
        %mul3A_453 = arith.constant 8.000000e+00 : f32
        %mul3A_454 = vector.broadcast %mul3A_453 : f32 to vector<16xf32>
        %mul3A_455 = arith.mulf %get3A_452, %mul3A_454 : vector<16xf32>
        %swap3A_456 = arith.constant 0 : i32
        %swap3A_457 = arith.constant 0 : i32
        %swap3A_458 = tpu.memref_slice %arg7[%scan3A_308, %swap3A_456, %swap3A_457] : memref<2x128x128xf32, #tpu.memory_space<vmem>> -> memref<1x128x128xf32, #tpu.memory_space<vmem>>
        %swap3A_459 = tpu.memref_squeeze %swap3A_458 : memref<1x128x128xf32, #tpu.memory_space<vmem>> -> memref<128x128xf32, #tpu.memory_space<vmem>>
        %swap3A_460 = arith.index_cast %scan3A_424 : i32 to index
        %swap3A_461 = arith.constant 16 : index
        %swap3A_462 = tpu.vector_load %swap3A_459[%swap3A_460, %swap3A_461] {strides = array<i32>} : memref<128x128xf32, #tpu.memory_space<vmem>>, vector<1x16xf32>,
        %swap3A_463 = vector.shape_cast %swap3A_462 : vector<1x16xf32> to vector<16xf32>
        %swap3A_464 = vector.shape_cast %mul3A_455 : vector<16xf32> to vector<1x16xf32>
        tpu.vector_store %swap3A_459[%swap3A_460, %swap3A_461], %swap3A_464 {strides = array<i32>} : memref<128x128xf32, #tpu.memory_space<vmem>>, vector<1x16xf32>,
        %get3A_465 = arith.constant 0 : i32
        %get3A_466 = arith.constant 0 : i32
        %get3A_467 = tpu.memref_slice %arg6[%scan3A_307, %get3A_465, %get3A_466] : memref<4x128x64xf32, #tpu.memory_space<vmem>> -> memref<1x128x64xf32, #tpu.memory_space<vmem>>
        %get3A_468 = tpu.memref_squeeze %get3A_467 : memref<1x128x64xf32, #tpu.memory_space<vmem>> -> memref<128x64xf32, #tpu.memory_space<vmem>>
        %get3A_469 = arith.index_cast %scan3A_424 : i32 to index
        %get3A_470 = arith.constant 32 : index
        %get3A_471 = tpu.vector_load %get3A_468[%get3A_469, %get3A_470] {strides = array<i32>} : memref<128x64xf32, #tpu.memory_space<vmem>>, vector<1x16xf32>,
        %get3A_472 = vector.shape_cast %get3A_471 : vector<1x16xf32> to vector<16xf32>
        %mul3A_473 = arith.constant 8.000000e+00 : f32
        %mul3A_474 = vector.broadcast %mul3A_473 : f32 to vector<16xf32>
        %mul3A_475 = arith.mulf %get3A_472, %mul3A_474 : vector<16xf32>
        %swap3A_476 = arith.constant 0 : i32
        %swap3A_477 = arith.constant 0 : i32
        %swap3A_478 = tpu.memref_slice %arg7[%scan3A_308, %swap3A_476, %swap3A_477] : memref<2x128x128xf32, #tpu.memory_space<vmem>> -> memref<1x128x128xf32, #tpu.memory_space<vmem>>
        %swap3A_479 = tpu.memref_squeeze %swap3A_478 : memref<1x128x128xf32, #tpu.memory_space<vmem>> -> memref<128x128xf32, #tpu.memory_space<vmem>>
        %swap3A_480 = arith.index_cast %scan3A_424 : i32 to index
        %swap3A_481 = arith.constant 32 : index
        %swap3A_482 = tpu.vector_load %swap3A_479[%swap3A_480, %swap3A_481] {strides = array<i32>} : memref<128x128xf32, #tpu.memory_space<vmem>>, vector<1x16xf32>,
        %swap3A_483 = vector.shape_cast %swap3A_482 : vector<1x16xf32> to vector<16xf32>
        %swap3A_484 = vector.shape_cast %mul3A_475 : vector<16xf32> to vector<1x16xf32>
        tpu.vector_store %swap3A_479[%swap3A_480, %swap3A_481], %swap3A_484 {strides = array<i32>} : memref<128x128xf32, #tpu.memory_space<vmem>>, vector<1x16xf32>,
        %get3A_485 = arith.constant 0 : i32
        %get3A_486 = arith.constant 0 : i32
        %get3A_487 = tpu.memref_slice %arg6[%scan3A_307, %get3A_485, %get3A_486] : memref<4x128x64xf32, #tpu.memory_space<vmem>> -> memref<1x128x64xf32, #tpu.memory_space<vmem>>
        %get3A_488 = tpu.memref_squeeze %get3A_487 : memref<1x128x64xf32, #tpu.memory_space<vmem>> -> memref<128x64xf32, #tpu.memory_space<vmem>>
        %get3A_489 = arith.index_cast %scan3A_424 : i32 to index
        %get3A_490 = arith.constant 48 : index
        %get3A_491 = tpu.vector_load %get3A_488[%get3A_489, %get3A_490] {strides = array<i32>} : memref<128x64xf32, #tpu.memory_space<vmem>>, vector<1x16xf32>,
        %get3A_492 = vector.shape_cast %get3A_491 : vector<1x16xf32> to vector<16xf32>
        %mul3A_493 = arith.constant 8.000000e+00 : f32
        %mul3A_494 = vector.broadcast %mul3A_493 : f32 to vector<16xf32>
        %mul3A_495 = arith.mulf %get3A_492, %mul3A_494 : vector<16xf32>
        %swap3A_496 = arith.constant 0 : i32
        %swap3A_497 = arith.constant 0 : i32
        %swap3A_498 = tpu.memref_slice %arg7[%scan3A_308, %swap3A_496, %swap3A_497] : memref<2x128x128xf32, #tpu.memory_space<vmem>> -> memref<1x128x128xf32, #tpu.memory_space<vmem>>
        %swap3A_499 = tpu.memref_squeeze %swap3A_498 : memref<1x128x128xf32, #tpu.memory_space<vmem>> -> memref<128x128xf32, #tpu.memory_space<vmem>>
        %swap3A_500 = arith.index_cast %scan3A_424 : i32 to index
        %swap3A_501 = arith.constant 48 : index
        %swap3A_502 = tpu.vector_load %swap3A_499[%swap3A_500, %swap3A_501] {strides = array<i32>} : memref<128x128xf32, #tpu.memory_space<vmem>>, vector<1x16xf32>,
        %swap3A_503 = vector.shape_cast %swap3A_502 : vector<1x16xf32> to vector<16xf32>
        %swap3A_504 = vector.shape_cast %mul3A_495 : vector<16xf32> to vector<1x16xf32>
        tpu.vector_store %swap3A_499[%swap3A_500, %swap3A_501], %swap3A_504 {strides = array<i32>} : memref<128x128xf32, #tpu.memory_space<vmem>>, vector<1x16xf32>,
        %scan3A_505 = arith.constant 0 : i32
        %scan3A_506 = arith.constant 2 : i32
        %scan3A_507 = arith.addi %scan3A_342, %scan3A_506 : i32
        %get3A_508 = arith.constant 0 : i32
        %get3A_509 = arith.constant 0 : i32
        %get3A_510 = tpu.memref_slice %arg6[%scan3A_307, %get3A_508, %get3A_509] : memref<4x128x64xf32, #tpu.memory_space<vmem>> -> memref<1x128x64xf32, #tpu.memory_space<vmem>>
        %get3A_511 = tpu.memref_squeeze %get3A_510 : memref<1x128x64xf32, #tpu.memory_space<vmem>> -> memref<128x64xf32, #tpu.memory_space<vmem>>
        %get3A_512 = arith.index_cast %scan3A_507 : i32 to index
        %get3A_513 = arith.constant 0 : index
        %get3A_514 = tpu.vector_load %get3A_511[%get3A_512, %get3A_513] {strides = array<i32>} : memref<128x64xf32, #tpu.memory_space<vmem>>, vector<1x16xf32>,
        %get3A_515 = vector.shape_cast %get3A_514 : vector<1x16xf32> to vector<16xf32>
        %mul3A_516 = arith.constant 8.000000e+00 : f32
        %mul3A_517 = vector.broadcast %mul3A_516 : f32 to vector<16xf32>
        %mul3A_518 = arith.mulf %get3A_515, %mul3A_517 : vector<16xf32>
        %swap3A_519 = arith.constant 0 : i32
        %swap3A_520 = arith.constant 0 : i32
        %swap3A_521 = tpu.memref_slice %arg7[%scan3A_308, %swap3A_519, %swap3A_520] : memref<2x128x128xf32, #tpu.memory_space<vmem>> -> memref<1x128x128xf32, #tpu.memory_space<vmem>>
        %swap3A_522 = tpu.memref_squeeze %swap3A_521 : memref<1x128x128xf32, #tpu.memory_space<vmem>> -> memref<128x128xf32, #tpu.memory_space<vmem>>
        %swap3A_523 = arith.index_cast %scan3A_507 : i32 to index
        %swap3A_524 = arith.constant 0 : index
        %swap3A_525 = tpu.vector_load %swap3A_522[%swap3A_523, %swap3A_524] {strides = array<i32>} : memref<128x128xf32, #tpu.memory_space<vmem>>, vector<1x16xf32>,
        %swap3A_526 = vector.shape_cast %swap3A_525 : vector<1x16xf32> to vector<16xf32>
        %swap3A_527 = vector.shape_cast %mul3A_518 : vector<16xf32> to vector<1x16xf32>
        tpu.vector_store %swap3A_522[%swap3A_523, %swap3A_524], %swap3A_527 {strides = array<i32>} : memref<128x128xf32, #tpu.memory_space<vmem>>, vector<1x16xf32>,
        %get3A_528 = arith.constant 0 : i32
        %get3A_529 = arith.constant 0 : i32
        %get3A_530 = tpu.memref_slice %arg6[%scan3A_307, %get3A_528, %get3A_529] : memref<4x128x64xf32, #tpu.memory_space<vmem>> -> memref<1x128x64xf32, #tpu.memory_space<vmem>>
        %get3A_531 = tpu.memref_squeeze %get3A_530 : memref<1x128x64xf32, #tpu.memory_space<vmem>> -> memref<128x64xf32, #tpu.memory_space<vmem>>
        %get3A_532 = arith.index_cast %scan3A_507 : i32 to index
        %get3A_533 = arith.constant 16 : index
        %get3A_534 = tpu.vector_load %get3A_531[%get3A_532, %get3A_533] {strides = array<i32>} : memref<128x64xf32, #tpu.memory_space<vmem>>, vector<1x16xf32>,
        %get3A_535 = vector.shape_cast %get3A_534 : vector<1x16xf32> to vector<16xf32>
        %mul3A_536 = arith.constant 8.000000e+00 : f32
        %mul3A_537 = vector.broadcast %mul3A_536 : f32 to vector<16xf32>
        %mul3A_538 = arith.mulf %get3A_535, %mul3A_537 : vector<16xf32>
        %swap3A_539 = arith.constant 0 : i32
        %swap3A_540 = arith.constant 0 : i32
        %swap3A_541 = tpu.memref_slice %arg7[%scan3A_308, %swap3A_539, %swap3A_540] : memref<2x128x128xf32, #tpu.memory_space<vmem>> -> memref<1x128x128xf32, #tpu.memory_space<vmem>>
        %swap3A_542 = tpu.memref_squeeze %swap3A_541 : memref<1x128x128xf32, #tpu.memory_space<vmem>> -> memref<128x128xf32, #tpu.memory_space<vmem>>
        %swap3A_543 = arith.index_cast %scan3A_507 : i32 to index
        %swap3A_544 = arith.constant 16 : index
        %swap3A_545 = tpu.vector_load %swap3A_542[%swap3A_543, %swap3A_544] {strides = array<i32>} : memref<128x128xf32, #tpu.memory_space<vmem>>, vector<1x16xf32>,
        %swap3A_546 = vector.shape_cast %swap3A_545 : vector<1x16xf32> to vector<16xf32>
        %swap3A_547 = vector.shape_cast %mul3A_538 : vector<16xf32> to vector<1x16xf32>
        tpu.vector_store %swap3A_542[%swap3A_543, %swap3A_544], %swap3A_547 {strides = array<i32>} : memref<128x128xf32, #tpu.memory_space<vmem>>, vector<1x16xf32>,
        %get3A_548 = arith.constant 0 : i32
        %get3A_549 = arith.constant 0 : i32
        %get3A_550 = tpu.memref_slice %arg6[%scan3A_307, %get3A_548, %get3A_549] : memref<4x128x64xf32, #tpu.memory_space<vmem>> -> memref<1x128x64xf32, #tpu.memory_space<vmem>>
        %get3A_551 = tpu.memref_squeeze %get3A_550 : memref<1x128x64xf32, #tpu.memory_space<vmem>> -> memref<128x64xf32, #tpu.memory_space<vmem>>
        %get3A_552 = arith.index_cast %scan3A_507 : i32 to index
        %get3A_553 = arith.constant 32 : index
        %get3A_554 = tpu.vector_load %get3A_551[%get3A_552, %get3A_553] {strides = array<i32>} : memref<128x64xf32, #tpu.memory_space<vmem>>, vector<1x16xf32>,
        %get3A_555 = vector.shape_cast %get3A_554 : vector<1x16xf32> to vector<16xf32>
        %mul3A_556 = arith.constant 8.000000e+00 : f32
        %mul3A_557 = vector.broadcast %mul3A_556 : f32 to vector<16xf32>
        %mul3A_558 = arith.mulf %get3A_555, %mul3A_557 : vector<16xf32>
        %swap3A_559 = arith.constant 0 : i32
        %swap3A_560 = arith.constant 0 : i32
        %swap3A_561 = tpu.memref_slice %arg7[%scan3A_308, %swap3A_559, %swap3A_560] : memref<2x128x128xf32, #tpu.memory_space<vmem>> -> memref<1x128x128xf32, #tpu.memory_space<vmem>>
        %swap3A_562 = tpu.memref_squeeze %swap3A_561 : memref<1x128x128xf32, #tpu.memory_space<vmem>> -> memref<128x128xf32, #tpu.memory_space<vmem>>
        %swap3A_563 = arith.index_cast %scan3A_507 : i32 to index
        %swap3A_564 = arith.constant 32 : index
        %swap3A_565 = tpu.vector_load %swap3A_562[%swap3A_563, %swap3A_564] {strides = array<i32>} : memref<128x128xf32, #tpu.memory_space<vmem>>, vector<1x16xf32>,
        %swap3A_566 = vector.shape_cast %swap3A_565 : vector<1x16xf32> to vector<16xf32>
        %swap3A_567 = vector.shape_cast %mul3A_558 : vector<16xf32> to vector<1x16xf32>
        tpu.vector_store %swap3A_562[%swap3A_563, %swap3A_564], %swap3A_567 {strides = array<i32>} : memref<128x128xf32, #tpu.memory_space<vmem>>, vector<1x16xf32>,
        %get3A_568 = arith.constant 0 : i32
        %get3A_569 = arith.constant 0 : i32
        %get3A_570 = tpu.memref_slice %arg6[%scan3A_307, %get3A_568, %get3A_569] : memref<4x128x64xf32, #tpu.memory_space<vmem>> -> memref<1x128x64xf32, #tpu.memory_space<vmem>>
        %get3A_571 = tpu.memref_squeeze %get3A_570 : memref<1x128x64xf32, #tpu.memory_space<vmem>> -> memref<128x64xf32, #tpu.memory_space<vmem>>
        %get3A_572 = arith.index_cast %scan3A_507 : i32 to index
        %get3A_573 = arith.constant 48 : index
        %get3A_574 = tpu.vector_load %get3A_571[%get3A_572, %get3A_573] {strides = array<i32>} : memref<128x64xf32, #tpu.memory_space<vmem>>, vector<1x16xf32>,
        %get3A_575 = vector.shape_cast %get3A_574 : vector<1x16xf32> to vector<16xf32>
        %mul3A_576 = arith.constant 8.000000e+00 : f32
        %mul3A_577 = vector.broadcast %mul3A_576 : f32 to vector<16xf32>
        %mul3A_578 = arith.mulf %get3A_575, %mul3A_577 : vector<16xf32>
        %swap3A_579 = arith.constant 0 : i32
        %swap3A_580 = arith.constant 0 : i32
        %swap3A_581 = tpu.memref_slice %arg7[%scan3A_308, %swap3A_579, %swap3A_580] : memref<2x128x128xf32, #tpu.memory_space<vmem>> -> memref<1x128x128xf32, #tpu.memory_space<vmem>>
        %swap3A_582 = tpu.memref_squeeze %swap3A_581 : memref<1x128x128xf32, #tpu.memory_space<vmem>> -> memref<128x128xf32, #tpu.memory_space<vmem>>
        %swap3A_583 = arith.index_cast %scan3A_507 : i32 to index
        %swap3A_584 = arith.constant 48 : index
        %swap3A_585 = tpu.vector_load %swap3A_582[%swap3A_583, %swap3A_584] {strides = array<i32>} : memref<128x128xf32, #tpu.memory_space<vmem>>, vector<1x16xf32>,
        %swap3A_586 = vector.shape_cast %swap3A_585 : vector<1x16xf32> to vector<16xf32>
        %swap3A_587 = vector.shape_cast %mul3A_578 : vector<16xf32> to vector<1x16xf32>
        tpu.vector_store %swap3A_582[%swap3A_583, %swap3A_584], %swap3A_587 {strides = array<i32>} : memref<128x128xf32, #tpu.memory_space<vmem>>, vector<1x16xf32>,
        %scan3A_588 = arith.constant 0 : i32
        %scan3A_589 = arith.constant 3 : i32
        %scan3A_590 = arith.addi %scan3A_342, %scan3A_589 : i32
        %get3A_591 = arith.constant 0 : i32
        %get3A_592 = arith.constant 0 : i32
        %get3A_593 = tpu.memref_slice %arg6[%scan3A_307, %get3A_591, %get3A_592] : memref<4x128x64xf32, #tpu.memory_space<vmem>> -> memref<1x128x64xf32, #tpu.memory_space<vmem>>
        %get3A_594 = tpu.memref_squeeze %get3A_593 : memref<1x128x64xf32, #tpu.memory_space<vmem>> -> memref<128x64xf32, #tpu.memory_space<vmem>>
        %get3A_595 = arith.index_cast %scan3A_590 : i32 to index
        %get3A_596 = arith.constant 0 : index
        %get3A_597 = tpu.vector_load %get3A_594[%get3A_595, %get3A_596] {strides = array<i32>} : memref<128x64xf32, #tpu.memory_space<vmem>>, vector<1x16xf32>,
        %get3A_598 = vector.shape_cast %get3A_597 : vector<1x16xf32> to vector<16xf32>
        %mul3A_599 = arith.constant 8.000000e+00 : f32
        %mul3A_600 = vector.broadcast %mul3A_599 : f32 to vector<16xf32>
        %mul3A_601 = arith.mulf %get3A_598, %mul3A_600 : vector<16xf32>
        %swap3A_602 = arith.constant 0 : i32
        %swap3A_603 = arith.constant 0 : i32
        %swap3A_604 = tpu.memref_slice %arg7[%scan3A_308, %swap3A_602, %swap3A_603] : memref<2x128x128xf32, #tpu.memory_space<vmem>> -> memref<1x128x128xf32, #tpu.memory_space<vmem>>
        %swap3A_605 = tpu.memref_squeeze %swap3A_604 : memref<1x128x128xf32, #tpu.memory_space<vmem>> -> memref<128x128xf32, #tpu.memory_space<vmem>>
        %swap3A_606 = arith.index_cast %scan3A_590 : i32 to index
        %swap3A_607 = arith.constant 0 : index
        %swap3A_608 = tpu.vector_load %swap3A_605[%swap3A_606, %swap3A_607] {strides = array<i32>} : memref<128x128xf32, #tpu.memory_space<vmem>>, vector<1x16xf32>,
        %swap3A_609 = vector.shape_cast %swap3A_608 : vector<1x16xf32> to vector<16xf32>
        %swap3A_610 = vector.shape_cast %mul3A_601 : vector<16xf32> to vector<1x16xf32>
        tpu.vector_store %swap3A_605[%swap3A_606, %swap3A_607], %swap3A_610 {strides = array<i32>} : memref<128x128xf32, #tpu.memory_space<vmem>>, vector<1x16xf32>,
        %get3A_611 = arith.constant 0 : i32
        %get3A_612 = arith.constant 0 : i32
        %get3A_613 = tpu.memref_slice %arg6[%scan3A_307, %get3A_611, %get3A_612] : memref<4x128x64xf32, #tpu.memory_space<vmem>> -> memref<1x128x64xf32, #tpu.memory_space<vmem>>
        %get3A_614 = tpu.memref_squeeze %get3A_613 : memref<1x128x64xf32, #tpu.memory_space<vmem>> -> memref<128x64xf32, #tpu.memory_space<vmem>>
        %get3A_615 = arith.index_cast %scan3A_590 : i32 to index
        %get3A_616 = arith.constant 16 : index
        %get3A_617 = tpu.vector_load %get3A_614[%get3A_615, %get3A_616] {strides = array<i32>} : memref<128x64xf32, #tpu.memory_space<vmem>>, vector<1x16xf32>,
        %get3A_618 = vector.shape_cast %get3A_617 : vector<1x16xf32> to vector<16xf32>
        %mul3A_619 = arith.constant 8.000000e+00 : f32
        %mul3A_620 = vector.broadcast %mul3A_619 : f32 to vector<16xf32>
        %mul3A_621 = arith.mulf %get3A_618, %mul3A_620 : vector<16xf32>
        %swap3A_622 = arith.constant 0 : i32
        %swap3A_623 = arith.constant 0 : i32
        %swap3A_624 = tpu.memref_slice %arg7[%scan3A_308, %swap3A_622, %swap3A_623] : memref<2x128x128xf32, #tpu.memory_space<vmem>> -> memref<1x128x128xf32, #tpu.memory_space<vmem>>
        %swap3A_625 = tpu.memref_squeeze %swap3A_624 : memref<1x128x128xf32, #tpu.memory_space<vmem>> -> memref<128x128xf32, #tpu.memory_space<vmem>>
        %swap3A_626 = arith.index_cast %scan3A_590 : i32 to index
        %swap3A_627 = arith.constant 16 : index
        %swap3A_628 = tpu.vector_load %swap3A_625[%swap3A_626, %swap3A_627] {strides = array<i32>} : memref<128x128xf32, #tpu.memory_space<vmem>>, vector<1x16xf32>,
        %swap3A_629 = vector.shape_cast %swap3A_628 : vector<1x16xf32> to vector<16xf32>
        %swap3A_630 = vector.shape_cast %mul3A_621 : vector<16xf32> to vector<1x16xf32>
        tpu.vector_store %swap3A_625[%swap3A_626, %swap3A_627], %swap3A_630 {strides = array<i32>} : memref<128x128xf32, #tpu.memory_space<vmem>>, vector<1x16xf32>,
        %get3A_631 = arith.constant 0 : i32
        %get3A_632 = arith.constant 0 : i32
        %get3A_633 = tpu.memref_slice %arg6[%scan3A_307, %get3A_631, %get3A_632] : memref<4x128x64xf32, #tpu.memory_space<vmem>> -> memref<1x128x64xf32, #tpu.memory_space<vmem>>
        %get3A_634 = tpu.memref_squeeze %get3A_633 : memref<1x128x64xf32, #tpu.memory_space<vmem>> -> memref<128x64xf32, #tpu.memory_space<vmem>>
        %get3A_635 = arith.index_cast %scan3A_590 : i32 to index
        %get3A_636 = arith.constant 32 : index
        %get3A_637 = tpu.vector_load %get3A_634[%get3A_635, %get3A_636] {strides = array<i32>} : memref<128x64xf32, #tpu.memory_space<vmem>>, vector<1x16xf32>,
        %get3A_638 = vector.shape_cast %get3A_637 : vector<1x16xf32> to vector<16xf32>
        %mul3A_639 = arith.constant 8.000000e+00 : f32
        %mul3A_640 = vector.broadcast %mul3A_639 : f32 to vector<16xf32>
        %mul3A_641 = arith.mulf %get3A_638, %mul3A_640 : vector<16xf32>
        %swap3A_642 = arith.constant 0 : i32
        %swap3A_643 = arith.constant 0 : i32
        %swap3A_644 = tpu.memref_slice %arg7[%scan3A_308, %swap3A_642, %swap3A_643] : memref<2x128x128xf32, #tpu.memory_space<vmem>> -> memref<1x128x128xf32, #tpu.memory_space<vmem>>
        %swap3A_645 = tpu.memref_squeeze %swap3A_644 : memref<1x128x128xf32, #tpu.memory_space<vmem>> -> memref<128x128xf32, #tpu.memory_space<vmem>>
        %swap3A_646 = arith.index_cast %scan3A_590 : i32 to index
        %swap3A_647 = arith.constant 32 : index
        %swap3A_648 = tpu.vector_load %swap3A_645[%swap3A_646, %swap3A_647] {strides = array<i32>} : memref<128x128xf32, #tpu.memory_space<vmem>>, vector<1x16xf32>,
        %swap3A_649 = vector.shape_cast %swap3A_648 : vector<1x16xf32> to vector<16xf32>
        %swap3A_650 = vector.shape_cast %mul3A_641 : vector<16xf32> to vector<1x16xf32>
        tpu.vector_store %swap3A_645[%swap3A_646, %swap3A_647], %swap3A_650 {strides = array<i32>} : memref<128x128xf32, #tpu.memory_space<vmem>>, vector<1x16xf32>,
        %get3A_651 = arith.constant 0 : i32
        %get3A_652 = arith.constant 0 : i32
        %get3A_653 = tpu.memref_slice %arg6[%scan3A_307, %get3A_651, %get3A_652] : memref<4x128x64xf32, #tpu.memory_space<vmem>> -> memref<1x128x64xf32, #tpu.memory_space<vmem>>
        %get3A_654 = tpu.memref_squeeze %get3A_653 : memref<1x128x64xf32, #tpu.memory_space<vmem>> -> memref<128x64xf32, #tpu.memory_space<vmem>>
        %get3A_655 = arith.index_cast %scan3A_590 : i32 to index
        %get3A_656 = arith.constant 48 : index
        %get3A_657 = tpu.vector_load %get3A_654[%get3A_655, %get3A_656] {strides = array<i32>} : memref<128x64xf32, #tpu.memory_space<vmem>>, vector<1x16xf32>,
        %get3A_658 = vector.shape_cast %get3A_657 : vector<1x16xf32> to vector<16xf32>
        %mul3A_659 = arith.constant 8.000000e+00 : f32
        %mul3A_660 = vector.broadcast %mul3A_659 : f32 to vector<16xf32>
        %mul3A_661 = arith.mulf %get3A_658, %mul3A_660 : vector<16xf32>
        %swap3A_662 = arith.constant 0 : i32
        %swap3A_663 = arith.constant 0 : i32
        %swap3A_664 = tpu.memref_slice %arg7[%scan3A_308, %swap3A_662, %swap3A_663] : memref<2x128x128xf32, #tpu.memory_space<vmem>> -> memref<1x128x128xf32, #tpu.memory_space<vmem>>
        %swap3A_665 = tpu.memref_squeeze %swap3A_664 : memref<1x128x128xf32, #tpu.memory_space<vmem>> -> memref<128x128xf32, #tpu.memory_space<vmem>>
        %swap3A_666 = arith.index_cast %scan3A_590 : i32 to index
        %swap3A_667 = arith.constant 48 : index
        %swap3A_668 = tpu.vector_load %swap3A_665[%swap3A_666, %swap3A_667] {strides = array<i32>} : memref<128x128xf32, #tpu.memory_space<vmem>>, vector<1x16xf32>,
        %swap3A_669 = vector.shape_cast %swap3A_668 : vector<1x16xf32> to vector<16xf32>
        %swap3A_670 = vector.shape_cast %mul3A_661 : vector<16xf32> to vector<1x16xf32>
        tpu.vector_store %swap3A_665[%swap3A_666, %swap3A_667], %swap3A_670 {strides = array<i32>} : memref<128x128xf32, #tpu.memory_space<vmem>>, vector<1x16xf32>,
        %scan3A_671 = arith.constant 0 : i32
        scf.yield %scan3A_671 : i32
      }
      %scan3A_315 = arith.constant 72 : i32
      %shift_right_arithmetic3A_316 = arith.constant 1 : i32
      %shift_right_arithmetic3A_317 = arith.shrsi %add3A_273, %shift_right_arithmetic3A_316 : i32
      %add3A_318 = arith.addi %mul3A_2, %shift_right_arithmetic3A_317 : i32
      %dma_start3A_319 = arith.constant 1 : i32
      %dma_start3A_320 = arith.constant 0 : i32
      %dma_start3A_321 = arith.constant 0 : i32
      %dma_start3A_322 = tpu.memref_slice %arg7[%dma_start3A_319, %dma_start3A_320, %dma_start3A_321] : memref<2x128x128xf32, #tpu.memory_space<vmem>> -> memref<1x72x128xf32, #tpu.memory_space<vmem>>
      %dma_start3A_323 = tpu.memref_squeeze %dma_start3A_322 : memref<1x72x128xf32, #tpu.memory_space<vmem>> -> memref<72x128xf32, #tpu.memory_space<vmem>>
      %dma_start3A_324 = arith.constant 128 : i32
      %dma_start3A_325 = arith.constant 0 : i32
      %dma_start3A_326 = tpu.memref_slice %arg4[%add3A_318, %dma_start3A_324, %dma_start3A_325] : memref<4096x200x128xf32, #tpu.memory_space<hbm>> -> memref<1x72x128xf32, #tpu.memory_space<hbm>>
      %dma_start3A_327 = tpu.memref_squeeze %dma_start3A_326 : memref<1x72x128xf32, #tpu.memory_space<hbm>> -> memref<72x128xf32, #tpu.memory_space<hbm>>
      %dma_start3A_328 = arith.constant 128 : i32
      %dma_start3A_329 = arith.constant 0 : i32
      %dma_start3A_330 = tpu.memref_slice %arg4[%add3A_318, %dma_start3A_328, %dma_start3A_329] : memref<4096x200x128xf32, #tpu.memory_space<hbm>> -> memref<1x72x128xf32, #tpu.memory_space<hbm>>
      %dma_start3A_331 = tpu.memref_squeeze %dma_start3A_330 : memref<1x72x128xf32, #tpu.memory_space<hbm>> -> memref<72x128xf32, #tpu.memory_space<hbm>>
      %dma_start3A_332 = arith.constant 0 : i32
      %dma_start3A_333 = arith.constant 0 : i32
      %dma_start3A_334 = tpu.memref_slice %arg7[%dma_start3A_319, %dma_start3A_332, %dma_start3A_333] : memref<2x128x128xf32, #tpu.memory_space<vmem>> -> memref<1x72x128xf32, #tpu.memory_space<vmem>>
      %dma_start3A_335 = tpu.memref_squeeze %dma_start3A_334 : memref<1x72x128xf32, #tpu.memory_space<vmem>> -> memref<72x128xf32, #tpu.memory_space<vmem>>
      tpu.enqueue_dma source(%dma_start3A_335 : memref<72x128xf32, #tpu.memory_space<vmem>>) target(%dma_start3A_331 : memref<72x128xf32, #tpu.memory_space<hbm>>) target_semaphore(%arg13 : memref<!tpu.dma_semaphore, #tpu.memory_space<semaphore_mem>>)
      %lt3A_336 = arith.constant 63 : i32
      %lt3A_337 = arith.cmpi slt, %scan3A_95, %lt3A_336 : i32
      %convert_element_type3A_338 = arith.extui %lt3A_337 : i1 to i32
      %cond3A_339 = arith.constant 0 : i32
      %cond3A_340 = arith.cmpi ne, %convert_element_type3A_338, %cond3A_339 : i32
      scf.if %cond3A_340 {
        %add3A_342 = arith.constant 4 : i32
        %add3A_343 = arith.addi %add3A_273, %add3A_342 : i32
        %dma_start3A_344 = arith.constant 3 : i32
        %dma_start3A_345 = arith.constant 0 : i32
        %dma_start3A_346 = arith.constant 0 : i32
        %dma_start3A_347 = tpu.memref_slice %arg6[%dma_start3A_344, %dma_start3A_345, %dma_start3A_346] : memref<4x128x64xf32, #tpu.memory_space<vmem>> -> memref<1x72x64xf32, #tpu.memory_space<vmem>>
        %dma_start3A_348 = tpu.memref_squeeze %dma_start3A_347 : memref<1x72x64xf32, #tpu.memory_space<vmem>> -> memref<72x64xf32, #tpu.memory_space<vmem>>
        %dma_start3A_349 = arith.constant 0 : i32
        %dma_start3A_350 = tpu.memref_slice %arg5[%add3A_343, %dma_start3A_349] : memref<256x128xi32, #tpu.memory_space<vmem>> -> memref<1x72xi32, #tpu.memory_space<vmem>>
        %dma_start3A_351 = tpu.memref_squeeze %dma_start3A_350 : memref<1x72xi32, #tpu.memory_space<vmem>> -> memref<72xi32, #tpu.memory_space<vmem>>
        %dma_start3A_352 = arith.constant 0 : i32
        %dma_start3A_353 = arith.constant 0 : i32
        %dma_start3A_354 = tpu.memref_slice %arg3[%dma_start3A_352, %dma_start3A_353] : memref<1000000x64xf32, #tpu.memory_space<hbm>> -> memref<1000000x64xf32, #tpu.memory_space<hbm>>
        tpu.enqueue_indirect_dma source(%dma_start3A_354 : memref<1000000x64xf32, #tpu.memory_space<hbm>>) target(%dma_start3A_348 : memref<72x64xf32, #tpu.memory_space<vmem>>) offsets(%dma_start3A_351 : memref<72xi32, #tpu.memory_space<vmem>>) semaphore(%arg11 : memref<!tpu.dma_semaphore, #tpu.memory_space<semaphore_mem>>)
      } else {
      }
      %scan3A_341 = arith.constant 0 : i32
      scf.yield %scan3A_341 : i32
    }
    %scan3A_57 = arith.constant 64 : i32
    %add3A_58 = arith.constant 127 : i32
    %add3A_59 = arith.addi %mul3A_2, %add3A_58 : i32
    %dma_wait3A = arith.constant 0 : i32
    %dma_wait3A_60 = arith.constant 0 : i32
    %dma_wait3A_61 = arith.constant 0 : i32
    %dma_wait3A_62 = tpu.memref_slice %arg7[%dma_wait3A, %dma_wait3A_60, %dma_wait3A_61] : memref<2x128x128xf32, #tpu.memory_space<vmem>> -> memref<1x128x128xf32, #tpu.memory_space<vmem>>
    %dma_wait3A_63 = tpu.memref_squeeze %dma_wait3A_62 : memref<1x128x128xf32, #tpu.memory_space<vmem>> -> memref<128x128xf32, #tpu.memory_space<vmem>>
    %dma_wait3A_64 = arith.constant 0 : i32
    %dma_wait3A_65 = arith.constant 0 : i32
    %dma_wait3A_66 = tpu.memref_slice %arg4[%add3A_59, %dma_wait3A_64, %dma_wait3A_65] : memref<4096x200x128xf32, #tpu.memory_space<hbm>> -> memref<1x128x128xf32, #tpu.memory_space<hbm>>
    %dma_wait3A_67 = tpu.memref_squeeze %dma_wait3A_66 : memref<1x128x128xf32, #tpu.memory_space<hbm>> -> memref<128x128xf32, #tpu.memory_space<hbm>>
    %dma_wait3A_68 = arith.constant 0 : i32
    %dma_wait3A_69 = arith.constant 0 : i32
    %dma_wait3A_70 = tpu.memref_slice %arg4[%add3A_59, %dma_wait3A_68, %dma_wait3A_69] : memref<4096x200x128xf32, #tpu.memory_space<hbm>> -> memref<1x128x128xf32, #tpu.memory_space<hbm>>
    %dma_wait3A_71 = tpu.memref_squeeze %dma_wait3A_70 : memref<1x128x128xf32, #tpu.memory_space<hbm>> -> memref<128x128xf32, #tpu.memory_space<hbm>>
    %dma_wait3A_72 = arith.constant 0 : i32
    %dma_wait3A_73 = arith.constant 0 : i32
    %dma_wait3A_74 = tpu.memref_slice %arg7[%dma_wait3A, %dma_wait3A_72, %dma_wait3A_73] : memref<2x128x128xf32, #tpu.memory_space<vmem>> -> memref<1x128x128xf32, #tpu.memory_space<vmem>>
    %dma_wait3A_75 = tpu.memref_squeeze %dma_wait3A_74 : memref<1x128x128xf32, #tpu.memory_space<vmem>> -> memref<128x128xf32, #tpu.memory_space<vmem>>
    tpu.wait_dma2 semaphore(%arg12 : memref<!tpu.dma_semaphore, #tpu.memory_space<semaphore_mem>>) src(%dma_wait3A_75 : memref<128x128xf32, #tpu.memory_space<vmem>>) dst(%dma_wait3A_71 : memref<128x128xf32, #tpu.memory_space<hbm>>)
    %add3A_76 = arith.constant 127 : i32
    %add3A_77 = arith.addi %mul3A_2, %add3A_76 : i32
    %dma_wait3A_78 = arith.constant 1 : i32
    %dma_wait3A_79 = arith.constant 0 : i32
    %dma_wait3A_80 = arith.constant 0 : i32
    %dma_wait3A_81 = tpu.memref_slice %arg7[%dma_wait3A_78, %dma_wait3A_79, %dma_wait3A_80] : memref<2x128x128xf32, #tpu.memory_space<vmem>> -> memref<1x72x128xf32, #tpu.memory_space<vmem>>
    %dma_wait3A_82 = tpu.memref_squeeze %dma_wait3A_81 : memref<1x72x128xf32, #tpu.memory_space<vmem>> -> memref<72x128xf32, #tpu.memory_space<vmem>>
    %dma_wait3A_83 = arith.constant 128 : i32
    %dma_wait3A_84 = arith.constant 0 : i32
    %dma_wait3A_85 = tpu.memref_slice %arg4[%add3A_77, %dma_wait3A_83, %dma_wait3A_84] : memref<4096x200x128xf32, #tpu.memory_space<hbm>> -> memref<1x72x128xf32, #tpu.memory_space<hbm>>
    %dma_wait3A_86 = tpu.memref_squeeze %dma_wait3A_85 : memref<1x72x128xf32, #tpu.memory_space<hbm>> -> memref<72x128xf32, #tpu.memory_space<hbm>>
    %dma_wait3A_87 = arith.constant 128 : i32
    %dma_wait3A_88 = arith.constant 0 : i32
    %dma_wait3A_89 = tpu.memref_slice %arg4[%add3A_77, %dma_wait3A_87, %dma_wait3A_88] : memref<4096x200x128xf32, #tpu.memory_space<hbm>> -> memref<1x72x128xf32, #tpu.memory_space<hbm>>
    %dma_wait3A_90 = tpu.memref_squeeze %dma_wait3A_89 : memref<1x72x128xf32, #tpu.memory_space<hbm>> -> memref<72x128xf32, #tpu.memory_space<hbm>>
    %dma_wait3A_91 = arith.constant 0 : i32
    %dma_wait3A_92 = arith.constant 0 : i32
    %dma_wait3A_93 = tpu.memref_slice %arg7[%dma_wait3A_78, %dma_wait3A_91, %dma_wait3A_92] : memref<2x128x128xf32, #tpu.memory_space<vmem>> -> memref<1x72x128xf32, #tpu.memory_space<vmem>>
    %dma_wait3A_94 = tpu.memref_squeeze %dma_wait3A_93 : memref<1x72x128xf32, #tpu.memory_space<vmem>> -> memref<72x128xf32, #tpu.memory_space<vmem>>
    tpu.wait_dma2 semaphore(%arg13 : memref<!tpu.dma_semaphore, #tpu.memory_space<semaphore_mem>>) src(%dma_wait3A_94 : memref<72x128xf32, #tpu.memory_space<vmem>>) dst(%dma_wait3A_90 : memref<72x128xf32, #tpu.memory_space<hbm>>)
    return
  }
}

</mosaic_0001>

<sc_bundles>
// kernel: kernel.3.cloned.1.call-start
scs
__scs_entry_jumppad:
0x0: {  	(pc) =	sbr.rel $0x88, $3  }
0x1: {  	(tag) =	ssettag $0x0;
	lr =	simm.s32 $0x1  }
0x2: {  	[smem:$0x3F9F] =	sst lr;
	_ =	strace $0xD0000000  }
0x3: {  	_ = 	snop  }
0x4: {  	_ = 	snop  }
0x5: {  	_ = 	snop  }
0x6: {  	_ = 	snop  }
0x7: {  	_ = 	snop  }
__scs_overlays_trampoline_lowered:
0x8: {  	[smem:$0x3FAE] =	sst s0  }
0x9: {  	[smem:$0x3FAF] =	sst s1  }
0xa: {  	[smem:$0x3FB0] =	sst s2  }
0xb: {  	[smem:$0x3FB1] =	sst s3  }
0xc: {  	[smem:$0x3FB2] =	sst s4  }
0xd: {  	[smem:$0x3FB3] =	sst s5  }
0xe: {  	[smem:$0x3FB4] =	sst s6  }
0xf: {  	[smem:$0x3FB5] =	sst s7  }
0x10: {  	[smem:$0x3FB6] =	sst s8  }
0x11: {  	[smem:$0x3FB7] =	sst s9;
	s0 =	simm.s32 @!p0 $0x0  }
0x12: {  	s1 =	sld [smem:$0x3F9D];
	s0 =	simm.s32 @p0 $0x1  }
0x13: {  	[smem:$0x3FB8] =	sst s0;
	s0 =	simm.s32 @!p1 $0x0  }
0x14: {  	s2 =	sld [smem:$0x3F9C];
	s0 =	simm.s32 @p1 $0x1  }
0x15: {  	[smem:$0x3FB9] =	sst s0;
	s0 =	simm.s32 @!p2 $0x0  }
0x16: {  	s3 =	sld [smem:$0x3FDB];
	s0 =	simm.s32 @p2 $0x1  }
0x17: {  	s4 =	simm.s32 $0x1BF5;
	[smem:$0x3FBB] =	sst s0  }
0x18: {  	s0 =	sld [smem:$0x3F9E];
	_ =	swait.ge [sflag:s4], $0x0  }
0x19: {  	s7 =	sld [smem:$0x3F9F]  }
0x1a: {  	s8 =	sadd.s32 $0xFFFFE003, lr  }
0x1b: {  	s9 =	sadd.s32 $0xFFFFFEF7, lr;
	s5 =	simm.s32 $0xFFFFFFFF;
	p2 =	slt.u32 s8, $0xFFFFF086  }
0x1c: {  	p1 =	slt.u32 s9, $0xF7A;
	s5 =	simm.s32 @!p2 $0x0  }
0x1d: {  	s5 =	simm.s32 @p1 $0x1;
	p0 =	seq.s32 s7, s2  }
0x1e: {  	s7 =	smul.u32 @!p0 $0xF7A, s2;
	p2 =	seq.s32 @!p0 s5, $0x0  }
0x1f: {  	s9 =	smul.u32 $0xF7A, s1;
	s8 =	simm.s32 @!p0 $0x1BF5;
	p2 =	por !p2, p0  }
0x20: {  	[sflag:s8] =	ssyncset.s32 @!p0 $0xFFFFF086;
	s6 =	sadd.s32 @!p0 s3, s7;
	s7 =	simm.s32 @!p0 $0x108  }
0x21: {  	s3 =	sadd.s32 s3, s9;
	s6 =	sadd.s32 @!p0 $0x88, s6;
	s7 =	simm.s32 @p2 $0x1082  }
0x22: {  	[simem:s7], [sflag:s8] =	dma.local @!p0 [hbm:s6], $0xF7A  }
0x23: {  	s9 =	sor.u32 $0xD0000000, s2;
	s6 =	simm.s32 $0x108;
	_ =	swait.ge @!p0 [sflag:s8], $0x0  }
0x24: {  	s3 =	sadd.s32 $0x88, s3;
	s6 =	simm.s32 @!p1 $0x1082;
	[sflag:s4] =	ssyncset.s32 $0xFFFFF086  }
0x25: {  	[simem:s6], [sflag:s4] =	dma.local [hbm:s3], $0xF7A  }
0x26: {  	[smem:$0x3F9F] =	sst s1;
	(tag) =	ssettag s2;
	_ =	strace s9  }
0x27: {  	s1 =	sld [smem:$0x3FAF]  }
0x28: {  	s2 =	sld [smem:$0x3FB0]  }
0x29: {  	s4 =	sld [smem:$0x3FB2]  }
0x2a: {  	p0 =	seq.s32 s5, $0x0;
	s5 =	sld [smem:$0x3FB3]  }
0x2b: {  	s6 =	sld [smem:$0x3FB4]  }
0x2c: {  	s7 =	sld [smem:$0x3FB5]  }
0x2d: {  	s3 =	simm.s32 $0x108;
	s8 =	sld [smem:$0x3FB6]  }
0x2e: {  	s3 =	simm.s32 @!p0 $0x1082;
	s9 =	sld [smem:$0x3FB7]  }
0x2f: {  	lr =	sadd.s32 s0, s3;
	s0 =	sld [smem:$0x3FAE]  }
0x30: {  	s3 =	sld [smem:$0x3FB1]  }
0x31: {  	[smem:$0x3FBA] =	sst s10  }
0x32: {  	s10 =	sld [smem:$0x3FB8];
	_ =	sdelay $0x3  }
0x33: {  	p0 =	seq.s32 s10, $0x1;
	s10 =	sld [smem:$0x3FBA];
	_ =	sdelay $0x3  }
0x34: {  	[smem:$0x3FBA] =	sst s10  }
0x35: {  	s10 =	sld [smem:$0x3FB9];
	_ =	sdelay $0x3  }
0x36: {  	p1 =	seq.s32 s10, $0x1;
	s10 =	sld [smem:$0x3FBA];
	_ =	sdelay $0x3  }
0x37: {  	[smem:$0x3FBA] =	sst s10  }
0x38: {  	s10 =	sld [smem:$0x3FBB]  }
0x39: {  	_ = 	snop;
	(pc) =	sbr.ind lr, $3  }
0x3a: {  	_ = 	snop  }
0x3b: {  	_ = 	snop  }
0x3c: {  	p2 =	seq.s32 s10, $0x1;
	s10 =	sld [smem:$0x3FBA]  }
0x3d: {  	_ =	shalt  }
0x3e: {  	_ =	shalt  }
0x3f: {  	_ =	shalt  }
0x40: {  	_ =	shalt  }
0x41: {  	_ =	shalt  }
0x42: {  	_ =	shalt  }
0x43: {  	_ =	shalt  }
0x44: {  	_ =	shalt  }
0x45: {  	_ =	shalt  }
0x46: {  	_ =	shalt  }
0x47: {  	_ =	shalt  }
0x48: {  	_ =	shalt  }
0x49: {  	_ =	shalt  }
0x4a: {  	_ =	shalt  }
0x4b: {  	_ =	shalt  }
0x4c: {  	_ =	shalt  }
0x4d: {  	_ =	shalt  }
0x4e: {  	_ =	shalt  }
0x4f: {  	_ =	shalt  }
0x50: {  	_ =	shalt  }
0x51: {  	_ =	shalt  }
0x52: {  	_ =	shalt  }
0x53: {  	_ =	shalt  }
0x54: {  	_ =	shalt  }
0x55: {  	_ =	shalt  }
0x56: {  	_ =	shalt  }
0x57: {  	_ =	shalt  }
0x58: {  	_ =	shalt  }
0x59: {  	_ =	shalt  }
0x5a: {  	_ =	shalt  }
0x5b: {  	_ =	shalt  }
0x5c: {  	_ =	shalt  }
0x5d: {  	_ =	shalt  }
0x5e: {  	_ =	shalt  }
0x5f: {  	_ =	shalt  }
0x60: {  	_ =	shalt  }
0x61: {  	_ =	shalt  }
0x62: {  	_ =	shalt  }
0x63: {  	_ =	shalt  }
0x64: {  	_ =	shalt  }
0x65: {  	_ =	shalt  }
0x66: {  	_ =	shalt  }
0x67: {  	_ =	shalt  }
0x68: {  	_ =	shalt  }
0x69: {  	_ =	shalt  }
0x6a: {  	_ =	shalt  }
0x6b: {  	_ =	shalt  }
0x6c: {  	_ =	shalt  }
0x6d: {  	_ =	shalt  }
0x6e: {  	_ =	shalt  }
0x6f: {  	_ =	shalt  }
0x70: {  	_ =	shalt  }
0x71: {  	_ =	shalt  }
0x72: {  	_ =	shalt  }
0x73: {  	_ =	shalt  }
0x74: {  	_ =	shalt  }
0x75: {  	_ =	shalt  }
0x76: {  	_ =	shalt  }
0x77: {  	_ =	shalt  }
0x78: {  	_ =	shalt  }
0x79: {  	_ =	shalt  }
0x7a: {  	_ =	shalt  }
0x7b: {  	_ =	shalt  }
0x7c: {  	_ =	shalt  }
0x7d: {  	_ =	shalt  }
0x7e: {  	_ =	shalt  }
0x7f: {  	_ =	shalt  }
0x80: {  	_ =	shalt  }
0x81: {  	_ =	shalt  }
0x82: {  	_ =	shalt  }
0x83: {  	_ =	shalt  }
0x84: {  	_ =	shalt  }
0x85: {  	_ =	shalt  }
0x86: {  	_ =	shalt  }
0x87: {  	_ =	shalt  }
.Lfunc_end0:
.L_simem_size_0:
called_computation.1_lowered:
.L_overlay_start_0:
0x88: {  	s2 =	sld [smem:$0x3FD9]  }
0x89: {  	s3 =	sld [smem:$0x3FFE];
	_ =	sdelay $0x1  }
0x8a: {  	s1 =	srdreg.scid  }
0x8b: {  	s0 =	sand.u32 $0x1, s1  }
0x8c: {  	s17 =	sshll.u32 s0, $0xA;
	s2 =	sadd.s32 s3, s2  }
0x8d: {  	s2 =	sadd.s32 s2, s17  }
0x8e: {  	[smem:$0x3FC6] =	sst s2  }
0x8f: {  	_ = 	snop  }
0x90: {  	s2 =	sld [smem:$0x3FD0];
	(tm) =	ssettm $0x1  }
0x91: {  	s18 =	sld [smem:$0x3FFB];
	_ =	sdelay $0x3  }
0x92: {  	_ =	strace s18  }
0x93: {  	s3 =	sld [smem:$0x3FFC];
	_ =	sdelay $0x3  }
0x94: {  	_ =	strace s3  }
0x95: {  	s3 =	sld [smem:$0x3FFD];
	_ =	sdelay $0x3  }
0x96: {  	_ =	strace s3  }
0x97: {  	_ =	strace $0x8FFFFFFF  }
0x98: {  	s19 =	sld [smem:$0x3FDB];
	_ =	sdelay $0x1  }
0x99: {  	s4 =	simm.s32 $_scs_section_size  }
0x9a: {  	s5 =	simm.s32 $_size__tile_overlayer_lowered;
	s6 =	simm.s32 $_tile_overlayer_lowered  }
0x9b: {  	s22 =	simm.s32 $0x1BFF;
	s21 =	sshll.u32 s6, $0x1;
	s3 =	sadd.s32 s4, s19  }
0x9c: {  	s7 =	simm.s32 $0x0;
	s20 =	sshll.u32 s5, $0x1;
	s5 =	sadd.s32 s21, s3  }
0x9d: {  	[timem:s7], [sflag:s22] =	dma.local [hbm:s5], s20  }
0x9e: {  	_ =	swait.ge [sflag:s22], s20  }
0x9f: {  	s4 =	ssub.s32 $0x0, s20;
	[sflag:s22] =	ssyncset.done $0x0  }
0xa0: {  	[sflag:s22] =	ssyncadd.s32 s4;
	_ =	sdelay $0x1  }
0xa1: {  	s23 =	simm.s32 $0x1B8B  }
0xa2: {  	_ =	swait.ge [sflag:s23], $0x1  }
0xa3: {  	[sflag:s23] =	ssyncset.done $0x0  }
0xa4: {  	s25 =	simm.s32 $0x1B8E;
	s24 =	sld [smem:$0x3FFE];
	[sflag:s23] =	ssyncadd.s32 $0xFFFFFFFF  }
0xa5: {  	s26 =	simm.s32 $execute0_lowered;
	[smem:$0x3FD2] =	sst s25  }
0xa6: {  	s5 =	sshll.u32 s26, $0x1;
	_ =	strace $0x80000046;
	[dreg:$0x1] =	wrdreg $0xFFFFFFFF  }
0xa7: {  	s28 =	simm.s32 $_size_execute0_lowered;
	s3 =	sadd.s32 s3, s5;
	[dreg:$0x0] =	wrdreg $0x0  }
0xa8: {  	s5 =	sshll.u32 s28, $0x1;
	[dreg:$0x2] =	wrdreg s3  }
0xa9: {  	[dreg:$0x3] =	wrdreg s5  }
0xaa: {  	[dreg:$0x4] =	wrdreg $0xC0  }
0xab: {  	_ =	task [dreg:s7], $0x5FFFF  }
0xac: {  	[dreg:$0x1] =	wrdreg $0xFFFFFFFF  }
0xad: {  	[dreg:$0x0] =	wrdreg $0x60  }
0xae: {  	[dreg:$0x2] =	wrdreg s2  }
0xaf: {  	[dreg:$0x3] =	wrdreg s24  }
0xb0: {  	[dreg:$0x4] =	wrdreg $0x9  }
0xb1: {  	_ =	task.clear_ibuf [dreg:s7], $0x5FFFF;
	_ =	strace $0x90000046  }
0xb2: {  	s29 =	simm.s32 $0x9;
	_ =	strace $0x80000048  }
0xb3: {  	_ =	swait.ge [sflag:s29], $0x1  }
0xb4: {  	[sflag:s29] =	ssyncadd.s32 $0xFFFFFFFF  }
0xb5: {  	_ =	strace $0x90000048  }
0xb6: {  	_ =	sfence  }
0xb7: {  	s30 =	sld [smem:$0x0];
	_ =	sdelay $0x2  }
0xb8: {  	s31 =	sshll.u32 s1, $0xD;
	s1 =	sshrl.u32 s1, $0x2  }
0xb9: {  	s3 =	sand.u32 $0x4000, s31;
	s1 =	sadd.s32 s1, s30  }
0xba: {  	s0 =	sor.u32 s3, s0;
	s1 =	sshll.u32 s1, $0x11  }
0xbb: {  	s0 =	sor.u32 s1, s0  }
0xbc: {  	s0 =	sadd.s32 $0x8F2B, s0  }
0xbd: {  	[sflag:s0] =	ssyncadd.remote.s32 $0x1  }
0xbe: {  	_ =	sfence.sel $0xFFFF  }
0xbf: {  	[dreg:$0x0] =	wrdreg $0xFFFFFFFF;
	(pc) =	sbr.abs _section_cstart, $3  }
0xc0: {  	[dreg:$0x1] =	wrdreg $0xFFFFFFFF  }
0xc1: {  	_ =	task.clear_ibuf [dreg:s7], $0x2FFFF;
	_ =	strace $0x9FFFFFFF  }
0xc2: {  	(tm) =	ssettm $0x7FFFFFFF  }
0xc3: {  	_ =	shalt  }
tec
execute0_lowered:
.L_overlay_start_1:
0x0: {  	(tag) =	ssettag $0x1  }
0x1: {  	s0 =	rddreg [dreg:$0x0]  }
0x2: {  	s4 =	rddreg [dreg:$0x1]  }
0x3: {  	s2 =	simm.s32 $0x0;
	s3 =	srdreg.scid;
	s1 =	stileid.u32  }
0x4: {  	s9 =	simm.s32 $0x80;
	s10 =	simm.s32 $0x8000;
	s11 =	simm.s32 $0x48  }
0x5: {  	s12 =	simm.s32 $0xA000;
	s13 =	simm.s32 $0x100;
	s14 =	simm.s32 $0xC000  }
0x6: {  	s15 =	simm.s32 $0x180;
	s16 =	simm.s32 $0xE000;
	s17 =	simm.s32 $0x1  }
0x7: {  	s18 =	simm.s32 $0x10000;
	s19 =	simm.s32 $0x2;
	s20 =	simm.s32 $0x6  }
0x8: {  	s21 =	simm.s32 $0x14000;
	s22 =	simm.s32 $0x3;
	s23 =	simm.s32 $0x5  }
0x9: {  	s24 =	simm.s32 $0x4;
	s25 =	simm.s32 $0x0;
	[smem:$0x7FF] =	sst s2  }
.Ltmp0:
0xa: {  	s5 =	sand.u32 $0x1, s3;
	s7 =	sshll.u32 s1, $0x1;
	(pc) =	sbr.rel .LBB2_1-.Ltmp0, $4  }
0xb: {  	s3 =	sadd.s32 $0xF42E00, s4;
	s4 =	sadd.s32 $0xA00, s4;
	s6 =	ssub.s32 $0x2, s5  }
0xc: {  	_ =	strace $0x80000047;
	s5 =	sor.u32 s5, s7;
	s8 =	sshrl.u32 s6, $0x1  }
0xd: {  	s31 =	sshll.u32 s5, $0xC;
	s5 =	sshll.u32 s5, $0x7;
	s30 =	ssub.s32 s6, s8  }
0xe: {  	s6 =	sadd.s32 s0, s31;
	s8 =	simm.s32 $0x7;
	s7 =	smax.u32 s30, $0x1  }
.LBB2_16:
0xf: {  	s25 =	sadd.s32 $0x1, s25  }
0x10: {  	_ =	swait.ge [sflag:s23], $0x4000;
	p0 =	sne.s32 s25, s7  }
.Ltmp1:
0x11: {  	[sflag:s23] =	ssyncset.done $0x0;
	(pc) =	sbr.rel @!p0 .LBB2_17-.Ltmp1, $4  }
0x12: {  	[sflag:s23] =	ssyncadd.s32 $0xFFFFC000  }
0x13: {  	_ =	swait.ge [sflag:s20], $0x2400  }
0x14: {  	[sflag:s20] =	ssyncset.done $0x0  }
0x15: {  	[sflag:s20] =	ssyncadd.s32 $0xFFFFDC00  }
.LBB2_1:
0x16: {  	[tilespmem:s2], [sflag:$0x7] =	stream.linear.gather [hbm4b:s6+s2], $0x8000, $0x38;
	[tilespmem:$0x18000] =	vst v63  }
0x17: {  	_ =	swait.ge [sflag:s8], $0x8000  }
0x18: {  	[sflag:s8] =	ssyncset.done $0x0  }
0x19: {  	[sflag:s8] =	ssyncadd.s32 $0xFFFF8000  }
0x1a: {  	[tilespmem:s10], [sflag:$0x1] =	stream.indirect.gather [hbm4b:s3+s9], $0x40, s2, s9, $0xb8;
	[tilespmem:$0x18000] =	vst v63  }
0x1b: {  	_ = 	snop  }
0x1c: {  	[tilespmem:s12], [sflag:$0x2] =	stream.indirect.gather [hbm4b:s3+s11], $0x40, s9, s11, $0xb8;
	[tilespmem:$0x18000] =	vst v63  }
0x1d: {  	_ = 	snop  }
0x1e: {  	[tilespmem:s14], [sflag:$0x3] =	stream.indirect.gather [hbm4b:s3+s9], $0x40, s13, s9, $0xb8;
	[tilespmem:$0x18000] =	vst v63  }
0x1f: {  	s26 =	simm.s32 $0x0  }
0x20: {  	[tilespmem:s16], [sflag:$0x4] =	stream.indirect.gather [hbm4b:s3+s11], $0x40, s15, s11, $0xb8;
	[tilespmem:$0x18000] =	vst v63  }
.LBB2_2:
0x21: {  	_ =	swait.ge [sflag:s17], $0x2000  }
0x22: {  	p0 =	seq.s32 s26, $0x0;
	[sflag:s17] =	ssyncset.done $0x0  }
0x23: {  	s0 =	simm.s32 @!p0 $0x5;
	[sflag:s17] =	ssyncadd.s32 $0xFFFFE000  }
0x24: {  	_ =	swait.ge @!p0 [sflag:s0], $0x4000  }
0x25: {  	[sflag:s0] =	ssyncset.done @!p0 $0x0  }
0x26: {  	[sflag:s0] =	ssyncadd.s32 @!p0 $0xFFFFC000;
	s0 =	simm.s32 $0x8080  }
0x27: {  	v0 =	vld [tilespmem:s0+$0xFFFFFF80];
	_ =	sdelay $0x4  }
0x28: {  	v0 =	vmul.f32 $8.000000000e+00, v0  }
0x29: {  	s28 =	simm.s32 $0x10100  }
0x2a: {  	[tilespmem:s28+$0xFFFFFF00] =	vst v0  }
0x2b: {  	v0 =	vld [tilespmem:s0+$0xFFFFFF90];
	_ =	sdelay $0x4  }
0x2c: {  	v0 =	vmul.f32 $8.000000000e+00, v0;
	_ =	sdelay $0x1  }
0x2d: {  	[tilespmem:s28+$0xFFFFFF10] =	vst v0  }
0x2e: {  	v0 =	vld [tilespmem:s0+$0xFFFFFFA0];
	_ =	sdelay $0x4  }
0x2f: {  	v0 =	vmul.f32 $8.000000000e+00, v0;
	_ =	sdelay $0x1  }
0x30: {  	[tilespmem:s28+$0xFFFFFF20] =	vst v0  }
0x31: {  	v0 =	vld [tilespmem:s0+$0xFFFFFFB0];
	_ =	sdelay $0x4  }
0x32: {  	v0 =	vmul.f32 $8.000000000e+00, v0;
	_ =	sdelay $0x1  }
0x33: {  	[tilespmem:s28+$0xFFFFFF30] =	vst v0  }
0x34: {  	v0 =	vld [tilespmem:s0+$0xFFFFFFC0];
	_ =	sdelay $0x4  }
0x35: {  	v0 =	vmul.f32 $8.000000000e+00, v0;
	_ =	sdelay $0x1  }
0x36: {  	[tilespmem:s28+$0xFFFFFF80] =	vst v0  }
0x37: {  	v0 =	vld [tilespmem:s0+$0xFFFFFFD0];
	_ =	sdelay $0x4  }
0x38: {  	v0 =	vmul.f32 $8.000000000e+00, v0;
	_ =	sdelay $0x1  }
0x39: {  	[tilespmem:s28+$0xFFFFFF90] =	vst v0  }
0x3a: {  	v0 =	vld [tilespmem:s0+$0xFFFFFFE0];
	_ =	sdelay $0x4  }
0x3b: {  	v0 =	vmul.f32 $8.000000000e+00, v0;
	_ =	sdelay $0x1  }
0x3c: {  	[tilespmem:s28+$0xFFFFFFA0] =	vst v0  }
0x3d: {  	v0 =	vld [tilespmem:s0+$0xFFFFFFF0];
	_ =	sdelay $0x4  }
0x3e: {  	v0 =	vmul.f32 $8.000000000e+00, v0;
	_ =	sdelay $0x1  }
0x3f: {  	[tilespmem:s28+$0xFFFFFFB0] =	vst v0  }
0x40: {  	v0 =	vld [tilespmem:s0+$0x0];
	_ =	sdelay $0x4  }
0x41: {  	v0 =	vmul.f32 $8.000000000e+00, v0;
	_ =	sdelay $0x1  }
0x42: {  	[tilespmem:s28+$0x0] =	vst v0  }
0x43: {  	v0 =	vld [tilespmem:s0+$0x10];
	_ =	sdelay $0x4  }
0x44: {  	v0 =	vmul.f32 $8.000000000e+00, v0;
	_ =	sdelay $0x1  }
0x45: {  	[tilespmem:s28+$0x10] =	vst v0  }
0x46: {  	v0 =	vld [tilespmem:s0+$0x20];
	_ =	sdelay $0x4  }
0x47: {  	v0 =	vmul.f32 $8.000000000e+00, v0;
	_ =	sdelay $0x1  }
0x48: {  	[tilespmem:s28+$0x20] =	vst v0  }
0x49: {  	v0 =	vld [tilespmem:s0+$0x30];
	_ =	sdelay $0x4  }
0x4a: {  	v0 =	vmul.f32 $8.000000000e+00, v0;
	_ =	sdelay $0x1  }
0x4b: {  	[tilespmem:s28+$0x30] =	vst v0  }
0x4c: {  	v0 =	vld [tilespmem:s0+$0x40];
	_ =	sdelay $0x4  }
0x4d: {  	v0 =	vmul.f32 $8.000000000e+00, v0;
	_ =	sdelay $0x1  }
0x4e: {  	[tilespmem:s28+$0x80] =	vst v0  }
0x4f: {  	v0 =	vld [tilespmem:s0+$0x50];
	_ =	sdelay $0x4  }
0x50: {  	v0 =	vmul.f32 $8.000000000e+00, v0;
	_ =	sdelay $0x1  }
0x51: {  	[tilespmem:s28+$0x90] =	vst v0  }
0x52: {  	v0 =	vld [tilespmem:s0+$0x60];
	_ =	sdelay $0x4  }
0x53: {  	v0 =	vmul.f32 $8.000000000e+00, v0;
	_ =	sdelay $0x1  }
0x54: {  	[tilespmem:s28+$0xA0] =	vst v0  }
0x55: {  	v0 =	vld [tilespmem:s0+$0x70];
	_ =	sdelay $0x4  }
0x56: {  	v0 =	vmul.f32 $8.000000000e+00, v0;
	_ =	sdelay $0x1  }
0x57: {  	s29 =	sshll.u32 s26, $0x1;
	s30 =	simm.s32 $0x0;
	s31 =	simm.s32 $0x8180;
	[tilespmem:s28+$0xB0] =	vst v0  }
.LBB2_3:
0x58: {  	v0 =	vld [tilespmem:s31+$0xFFFFFF80];
	s30 =	sadd.s32 $0x4, s30  }
0x59: {  	p1 =	slt.u32 s30, $0x7C;
	_ =	sdelay $0x3  }
0x5a: {  	v0 =	vmul.f32 $8.000000000e+00, v0  }
0x5b: {  	s28 =	sadd.s32 $0x200, s28  }
0x5c: {  	[tilespmem:s28+$0xFFFFFF00] =	vst v0  }
0x5d: {  	v0 =	vld [tilespmem:s31+$0xFFFFFF90];
	_ =	sdelay $0x4  }
0x5e: {  	v0 =	vmul.f32 $8.000000000e+00, v0;
	_ =	sdelay $0x1  }
0x5f: {  	[tilespmem:s28+$0xFFFFFF10] =	vst v0  }
0x60: {  	v0 =	vld [tilespmem:s31+$0xFFFFFFA0];
	_ =	sdelay $0x4  }
0x61: {  	v0 =	vmul.f32 $8.000000000e+00, v0;
	_ =	sdelay $0x1  }
0x62: {  	[tilespmem:s28+$0xFFFFFF20] =	vst v0  }
0x63: {  	v0 =	vld [tilespmem:s31+$0xFFFFFFB0];
	_ =	sdelay $0x4  }
0x64: {  	v0 =	vmul.f32 $8.000000000e+00, v0;
	_ =	sdelay $0x1  }
0x65: {  	[tilespmem:s28+$0xFFFFFF30] =	vst v0  }
0x66: {  	v0 =	vld [tilespmem:s31+$0xFFFFFFC0];
	_ =	sdelay $0x4  }
0x67: {  	v0 =	vmul.f32 $8.000000000e+00, v0;
	_ =	sdelay $0x1  }
0x68: {  	[tilespmem:s28+$0xFFFFFF80] =	vst v0  }
0x69: {  	v0 =	vld [tilespmem:s31+$0xFFFFFFD0];
	_ =	sdelay $0x4  }
0x6a: {  	v0 =	vmul.f32 $8.000000000e+00, v0;
	_ =	sdelay $0x1  }
0x6b: {  	[tilespmem:s28+$0xFFFFFF90] =	vst v0  }
0x6c: {  	v0 =	vld [tilespmem:s31+$0xFFFFFFE0];
	_ =	sdelay $0x4  }
0x6d: {  	v0 =	vmul.f32 $8.000000000e+00, v0;
	_ =	sdelay $0x1  }
0x6e: {  	[tilespmem:s28+$0xFFFFFFA0] =	vst v0  }
0x6f: {  	v0 =	vld [tilespmem:s31+$0xFFFFFFF0];
	_ =	sdelay $0x4  }
0x70: {  	v0 =	vmul.f32 $8.000000000e+00, v0;
	_ =	sdelay $0x1  }
0x71: {  	[tilespmem:s28+$0xFFFFFFB0] =	vst v0  }
0x72: {  	v0 =	vld [tilespmem:s31+$0x0];
	_ =	sdelay $0x4  }
0x73: {  	v0 =	vmul.f32 $8.000000000e+00, v0;
	_ =	sdelay $0x1  }
0x74: {  	[tilespmem:s28+$0x0] =	vst v0  }
0x75: {  	v0 =	vld [tilespmem:s31+$0x10];
	_ =	sdelay $0x4  }
0x76: {  	v0 =	vmul.f32 $8.000000000e+00, v0;
	_ =	sdelay $0x1  }
0x77: {  	[tilespmem:s28+$0x10] =	vst v0  }
0x78: {  	v0 =	vld [tilespmem:s31+$0x20];
	_ =	sdelay $0x4  }
0x79: {  	v0 =	vmul.f32 $8.000000000e+00, v0;
	_ =	sdelay $0x1  }
0x7a: {  	[tilespmem:s28+$0x20] =	vst v0  }
0x7b: {  	v0 =	vld [tilespmem:s31+$0x30];
	_ =	sdelay $0x4  }
0x7c: {  	v0 =	vmul.f32 $8.000000000e+00, v0;
	_ =	sdelay $0x1  }
0x7d: {  	[tilespmem:s28+$0x30] =	vst v0  }
0x7e: {  	v0 =	vld [tilespmem:s31+$0x40];
	_ =	sdelay $0x4  }
0x7f: {  	v0 =	vmul.f32 $8.000000000e+00, v0;
	_ =	sdelay $0x1  }
0x80: {  	[tilespmem:s28+$0x80] =	vst v0  }
0x81: {  	v0 =	vld [tilespmem:s31+$0x50];
	_ =	sdelay $0x4  }
0x82: {  	v0 =	vmul.f32 $8.000000000e+00, v0;
	_ =	sdelay $0x1  }
0x83: {  	[tilespmem:s28+$0x90] =	vst v0  }
0x84: {  	v0 =	vld [tilespmem:s31+$0x60];
	_ =	sdelay $0x4  }
0x85: {  	v0 =	vmul.f32 $8.000000000e+00, v0;
	_ =	sdelay $0x1  }
0x86: {  	[tilespmem:s28+$0xA0] =	vst v0  }
0x87: {  	v0 =	vld [tilespmem:s31+$0x70];
	_ =	sdelay $0x2  }
.Ltmp2:
0x88: {  	(pc) =	sbr.rel @p1 .LBB2_3-.Ltmp2, $3  }
0x89: {  	_ = 	snop  }
0x8a: {  	v0 =	vmul.f32 $8.000000000e+00, v0;
	_ =	sdelay $0x1  }
0x8b: {  	s31 =	sadd.s32 $0x100, s31;
	[tilespmem:s28+$0xB0] =	vst v0  }
0x8c: {  	p1 =	sne.s32 s26, $0x3F  }
.Ltmp3:
0x8d: {  	s28 =	sor.u32 s5, s29;
	(pc) =	sbr.rel @p1 .LBB2_6-.Ltmp3, $3  }
0x8e: {  	s0 =	smul.u32 $0xC80, s28;
	_ =	sdelay $0x1  }
0x8f: {  	s0 =	sadd.s32 s4, s0  }
0x90: {  	[hbm4b:s0+s2] =	stream.linear.scatter [tilespmem:s18], [sflag:$0x5], $0x4000, $0x38;
	[tilespmem:$0x18000] =	vst v63  }
.Ltmp4:
0x91: {  	(pc) =	sbr.rel .LBB2_7-.Ltmp4, $4  }
0x92: {  	_ = 	snop  }
0x93: {  	_ =	swait.ge [sflag:s19], $0x1200  }
0x94: {  	[sflag:s19] =	ssyncset.done $0x0  }
0x95: {  	[sflag:s19] =	ssyncadd.s32 $0xFFFFEE00  }
.LBB2_6:
0x96: {  	s0 =	sshll.u32 s26, $0x9  }
0x97: {  	s0 =	sand.u32 $0x3FFFFE00, s0  }
.Ltmp5:
0x98: {  	s0 =	sadd.s32 $0x200, s0;
	(pc) =	sbr.rel @p0 .LBB2_8-.Ltmp5, $4  }
0x99: {  	[tilespmem:s10], [sflag:$0x1] =	stream.indirect.gather [hbm4b:s3+s9], $0x40, s0, s9, $0xb8;
	[tilespmem:$0x18000] =	vst v63  }
0x9a: {  	_ =	swait.ge [sflag:s19], $0x1200  }
0x9b: {  	[sflag:s19] =	ssyncset.done $0x0  }
0x9c: {  	[sflag:s19] =	ssyncadd.s32 $0xFFFFEE00  }
.LBB2_7:
0x9d: {  	_ =	swait.ge [sflag:s20], $0x2400  }
0x9e: {  	[sflag:s20] =	ssyncset.done $0x0  }
0x9f: {  	[sflag:s20] =	ssyncadd.s32 $0xFFFFDC00  }
.LBB2_8:
0xa0: {  	s0 =	simm.s32 $0xA0F0  }
0xa1: {  	v0 =	vld [tilespmem:s0+$0xFFFFFF10];
	_ =	sdelay $0x4  }
0xa2: {  	v0 =	vmul.f32 $8.000000000e+00, v0  }
0xa3: {  	s29 =	simm.s32 $0x141B0  }
0xa4: {  	[tilespmem:s29+$0xFFFFFE50] =	vst v0  }
0xa5: {  	v0 =	vld [tilespmem:s0+$0xFFFFFF20];
	_ =	sdelay $0x4  }
0xa6: {  	v0 =	vmul.f32 $8.000000000e+00, v0;
	_ =	sdelay $0x1  }
0xa7: {  	[tilespmem:s29+$0xFFFFFE60] =	vst v0  }
0xa8: {  	v0 =	vld [tilespmem:s0+$0xFFFFFF30];
	_ =	sdelay $0x4  }
0xa9: {  	v0 =	vmul.f32 $8.000000000e+00, v0;
	_ =	sdelay $0x1  }
0xaa: {  	[tilespmem:s29+$0xFFFFFE70] =	vst v0  }
0xab: {  	v0 =	vld [tilespmem:s0+$0xFFFFFF40];
	_ =	sdelay $0x4  }
0xac: {  	v0 =	vmul.f32 $8.000000000e+00, v0;
	_ =	sdelay $0x1  }
0xad: {  	[tilespmem:s29+$0xFFFFFE80] =	vst v0  }
0xae: {  	v0 =	vld [tilespmem:s0+$0xFFFFFF50];
	_ =	sdelay $0x4  }
0xaf: {  	v0 =	vmul.f32 $8.000000000e+00, v0;
	_ =	sdelay $0x1  }
0xb0: {  	[tilespmem:s29+$0xFFFFFED0] =	vst v0  }
0xb1: {  	v0 =	vld [tilespmem:s0+$0xFFFFFF60];
	_ =	sdelay $0x4  }
0xb2: {  	v0 =	vmul.f32 $8.000000000e+00, v0;
	_ =	sdelay $0x1  }
0xb3: {  	[tilespmem:s29+$0xFFFFFEE0] =	vst v0  }
0xb4: {  	v0 =	vld [tilespmem:s0+$0xFFFFFF70];
	_ =	sdelay $0x4  }
0xb5: {  	v0 =	vmul.f32 $8.000000000e+00, v0;
	_ =	sdelay $0x1  }
0xb6: {  	[tilespmem:s29+$0xFFFFFEF0] =	vst v0  }
0xb7: {  	v0 =	vld [tilespmem:s0+$0xFFFFFF80];
	_ =	sdelay $0x4  }
0xb8: {  	v0 =	vmul.f32 $8.000000000e+00, v0;
	_ =	sdelay $0x1  }
0xb9: {  	[tilespmem:s29+$0xFFFFFF00] =	vst v0  }
0xba: {  	v0 =	vld [tilespmem:s0+$0xFFFFFF90];
	_ =	sdelay $0x4  }
0xbb: {  	v0 =	vmul.f32 $8.000000000e+00, v0;
	_ =	sdelay $0x1  }
0xbc: {  	[tilespmem:s29+$0xFFFFFF50] =	vst v0  }
0xbd: {  	v0 =	vld [tilespmem:s0+$0xFFFFFFA0];
	_ =	sdelay $0x4  }
0xbe: {  	v0 =	vmul.f32 $8.000000000e+00, v0;
	_ =	sdelay $0x1  }
0xbf: {  	[tilespmem:s29+$0xFFFFFF60] =	vst v0  }
0xc0: {  	v0 =	vld [tilespmem:s0+$0xFFFFFFB0];
	_ =	sdelay $0x4  }
0xc1: {  	v0 =	vmul.f32 $8.000000000e+00, v0;
	_ =	sdelay $0x1  }
0xc2: {  	[tilespmem:s29+$0xFFFFFF70] =	vst v0  }
0xc3: {  	v0 =	vld [tilespmem:s0+$0xFFFFFFC0];
	_ =	sdelay $0x4  }
0xc4: {  	v0 =	vmul.f32 $8.000000000e+00, v0;
	_ =	sdelay $0x1  }
0xc5: {  	[tilespmem:s29+$0xFFFFFF80] =	vst v0  }
0xc6: {  	v0 =	vld [tilespmem:s0+$0xFFFFFFD0];
	_ =	sdelay $0x4  }
0xc7: {  	v0 =	vmul.f32 $8.000000000e+00, v0;
	_ =	sdelay $0x1  }
0xc8: {  	[tilespmem:s29+$0xFFFFFFD0] =	vst v0  }
0xc9: {  	v0 =	vld [tilespmem:s0+$0xFFFFFFE0];
	_ =	sdelay $0x4  }
0xca: {  	v0 =	vmul.f32 $8.000000000e+00, v0;
	_ =	sdelay $0x1  }
0xcb: {  	[tilespmem:s29+$0xFFFFFFE0] =	vst v0  }
0xcc: {  	v0 =	vld [tilespmem:s0+$0xFFFFFFF0];
	_ =	sdelay $0x4  }
0xcd: {  	v0 =	vmul.f32 $8.000000000e+00, v0;
	_ =	sdelay $0x1  }
0xce: {  	[tilespmem:s29+$0xFFFFFFF0] =	vst v0  }
0xcf: {  	v0 =	vld [tilespmem:s0+$0x0];
	_ =	sdelay $0x4  }
0xd0: {  	v0 =	vmul.f32 $8.000000000e+00, v0;
	_ =	sdelay $0x1  }
0xd1: {  	s30 =	simm.s32 $0x0;
	s31 =	simm.s32 $0xA1F0;
	[tilespmem:s29+$0x0] =	vst v0  }
.LBB2_9:
0xd2: {  	v0 =	vld [tilespmem:s31+$0xFFFFFF10];
	s30 =	sadd.s32 $0x4, s30  }
0xd3: {  	p0 =	slt.u32 s30, $0x44;
	_ =	sdelay $0x3  }
0xd4: {  	v0 =	vmul.f32 $8.000000000e+00, v0  }
0xd5: {  	s29 =	sadd.s32 $0x200, s29  }
0xd6: {  	[tilespmem:s29+$0xFFFFFE50] =	vst v0  }
0xd7: {  	v0 =	vld [tilespmem:s31+$0xFFFFFF20];
	_ =	sdelay $0x4  }
0xd8: {  	v0 =	vmul.f32 $8.000000000e+00, v0;
	_ =	sdelay $0x1  }
0xd9: {  	[tilespmem:s29+$0xFFFFFE60] =	vst v0  }
0xda: {  	v0 =	vld [tilespmem:s31+$0xFFFFFF30];
	_ =	sdelay $0x4  }
0xdb: {  	v0 =	vmul.f32 $8.000000000e+00, v0;
	_ =	sdelay $0x1  }
0xdc: {  	[tilespmem:s29+$0xFFFFFE70] =	vst v0  }
0xdd: {  	v0 =	vld [tilespmem:s31+$0xFFFFFF40];
	_ =	sdelay $0x4  }
0xde: {  	v0 =	vmul.f32 $8.000000000e+00, v0;
	_ =	sdelay $0x1  }
0xdf: {  	[tilespmem:s29+$0xFFFFFE80] =	vst v0  }
0xe0: {  	v0 =	vld [tilespmem:s31+$0xFFFFFF50];
	_ =	sdelay $0x4  }
0xe1: {  	v0 =	vmul.f32 $8.000000000e+00, v0;
	_ =	sdelay $0x1  }
0xe2: {  	[tilespmem:s29+$0xFFFFFED0] =	vst v0  }
0xe3: {  	v0 =	vld [tilespmem:s31+$0xFFFFFF60];
	_ =	sdelay $0x4  }
0xe4: {  	v0 =	vmul.f32 $8.000000000e+00, v0;
	_ =	sdelay $0x1  }
0xe5: {  	[tilespmem:s29+$0xFFFFFEE0] =	vst v0  }
0xe6: {  	v0 =	vld [tilespmem:s31+$0xFFFFFF70];
	_ =	sdelay $0x4  }
0xe7: {  	v0 =	vmul.f32 $8.000000000e+00, v0;
	_ =	sdelay $0x1  }
0xe8: {  	[tilespmem:s29+$0xFFFFFEF0] =	vst v0  }
0xe9: {  	v0 =	vld [tilespmem:s31+$0xFFFFFF80];
	_ =	sdelay $0x4  }
0xea: {  	v0 =	vmul.f32 $8.000000000e+00, v0;
	_ =	sdelay $0x1  }
0xeb: {  	[tilespmem:s29+$0xFFFFFF00] =	vst v0  }
0xec: {  	v0 =	vld [tilespmem:s31+$0xFFFFFF90];
	_ =	sdelay $0x4  }
0xed: {  	v0 =	vmul.f32 $8.000000000e+00, v0;
	_ =	sdelay $0x1  }
0xee: {  	[tilespmem:s29+$0xFFFFFF50] =	vst v0  }
0xef: {  	v0 =	vld [tilespmem:s31+$0xFFFFFFA0];
	_ =	sdelay $0x4  }
0xf0: {  	v0 =	vmul.f32 $8.000000000e+00, v0;
	_ =	sdelay $0x1  }
0xf1: {  	[tilespmem:s29+$0xFFFFFF60] =	vst v0  }
0xf2: {  	v0 =	vld [tilespmem:s31+$0xFFFFFFB0];
	_ =	sdelay $0x4  }
0xf3: {  	v0 =	vmul.f32 $8.000000000e+00, v0;
	_ =	sdelay $0x1  }
0xf4: {  	[tilespmem:s29+$0xFFFFFF70] =	vst v0  }
0xf5: {  	v0 =	vld [tilespmem:s31+$0xFFFFFFC0];
	_ =	sdelay $0x4  }
0xf6: {  	v0 =	vmul.f32 $8.000000000e+00, v0;
	_ =	sdelay $0x1  }
0xf7: {  	[tilespmem:s29+$0xFFFFFF80] =	vst v0  }
0xf8: {  	v0 =	vld [tilespmem:s31+$0xFFFFFFD0];
	_ =	sdelay $0x4  }
0xf9: {  	v0 =	vmul.f32 $8.000000000e+00, v0;
	_ =	sdelay $0x1  }
0xfa: {  	[tilespmem:s29+$0xFFFFFFD0] =	vst v0  }
0xfb: {  	v0 =	vld [tilespmem:s31+$0xFFFFFFE0];
	_ =	sdelay $0x4  }
0xfc: {  	v0 =	vmul.f32 $8.000000000e+00, v0;
	_ =	sdelay $0x1  }
0xfd: {  	[tilespmem:s29+$0xFFFFFFE0] =	vst v0  }
0xfe: {  	v0 =	vld [tilespmem:s31+$0xFFFFFFF0];
	_ =	sdelay $0x4  }
0xff: {  	v0 =	vmul.f32 $8.000000000e+00, v0;
	_ =	sdelay $0x1  }
0x100: {  	[tilespmem:s29+$0xFFFFFFF0] =	vst v0  }
0x101: {  	v0 =	vld [tilespmem:s31+$0x0];
	_ =	sdelay $0x2  }
.Ltmp6:
0x102: {  	(pc) =	sbr.rel @p0 .LBB2_9-.Ltmp6, $3  }
0x103: {  	_ = 	snop  }
0x104: {  	v0 =	vmul.f32 $8.000000000e+00, v0;
	_ =	sdelay $0x1  }
0x105: {  	s31 =	sadd.s32 $0x100, s31;
	[tilespmem:s29+$0x0] =	vst v0  }
0x106: {  	s0 =	smul.u32 $0x6400, s28;
	_ =	sdelay $0x1  }
0x107: {  	s0 =	sshrl.u32 s0, $0x3  }
0x108: {  	s0 =	sadd.s32 s4, s0  }
0x109: {  	p0 =	seq.s32 s26, $0x3F;
	s0 =	sadd.s32 $0x800, s0  }
0x10a: {  	[hbm4b:s0+s2] =	stream.linear.scatter [tilespmem:s21], [sflag:$0x6], $0x2400, $0x38;
	[tilespmem:$0x18000] =	vst v63  }
0x10b: {  	s0 =	sshll.u32 @!p0 s26, $0x9  }
0x10c: {  	s29 =	sand.u32 @!p0 $0x3FFFFE00, s0  }
0x10d: {  	s30 =	simm.s32 @!p0 $0x48;
	s31 =	simm.s32 @!p0 $0xA000;
	s0 =	sadd.s32 @!p0 $0x280, s29  }
0x10e: {  	[tilespmem:s31], [sflag:$0x2] =	stream.indirect.gather @!p0 [hbm4b:s3+s30], $0x40, s0, s30, $0xb8;
	[tilespmem:$0x18000] =	vst v63  }
0x10f: {  	_ =	swait.ge [sflag:s22], $0x2000  }
0x110: {  	[sflag:s22] =	ssyncset.done $0x0  }
0x111: {  	[sflag:s22] =	ssyncadd.s32 $0xFFFFE000  }
0x112: {  	_ =	swait.ge [sflag:s23], $0x4000  }
0x113: {  	[sflag:s23] =	ssyncset.done $0x0  }
0x114: {  	s0 =	simm.s32 $0xC0F0;
	[sflag:s23] =	ssyncadd.s32 $0xFFFFC000  }
0x115: {  	v0 =	vld [tilespmem:s0+$0xFFFFFF10];
	_ =	sdelay $0x4  }
0x116: {  	v0 =	vmul.f32 $8.000000000e+00, v0  }
0x117: {  	s30 =	simm.s32 $0x10100  }
0x118: {  	[tilespmem:s30+$0xFFFFFF00] =	vst v0  }
0x119: {  	v0 =	vld [tilespmem:s0+$0xFFFFFF20];
	_ =	sdelay $0x4  }
0x11a: {  	v0 =	vmul.f32 $8.000000000e+00, v0;
	_ =	sdelay $0x1  }
0x11b: {  	[tilespmem:s30+$0xFFFFFF10] =	vst v0  }
0x11c: {  	v0 =	vld [tilespmem:s0+$0xFFFFFF30];
	_ =	sdelay $0x4  }
0x11d: {  	v0 =	vmul.f32 $8.000000000e+00, v0;
	_ =	sdelay $0x1  }
0x11e: {  	[tilespmem:s30+$0xFFFFFF20] =	vst v0  }
0x11f: {  	v0 =	vld [tilespmem:s0+$0xFFFFFF40];
	_ =	sdelay $0x4  }
0x120: {  	v0 =	vmul.f32 $8.000000000e+00, v0;
	_ =	sdelay $0x1  }
0x121: {  	[tilespmem:s30+$0xFFFFFF30] =	vst v0  }
0x122: {  	v0 =	vld [tilespmem:s0+$0xFFFFFF50];
	_ =	sdelay $0x4  }
0x123: {  	v0 =	vmul.f32 $8.000000000e+00, v0;
	_ =	sdelay $0x1  }
0x124: {  	[tilespmem:s30+$0xFFFFFF80] =	vst v0  }
0x125: {  	v0 =	vld [tilespmem:s0+$0xFFFFFF60];
	_ =	sdelay $0x4  }
0x126: {  	v0 =	vmul.f32 $8.000000000e+00, v0;
	_ =	sdelay $0x1  }
0x127: {  	[tilespmem:s30+$0xFFFFFF90] =	vst v0  }
0x128: {  	v0 =	vld [tilespmem:s0+$0xFFFFFF70];
	_ =	sdelay $0x4  }
0x129: {  	v0 =	vmul.f32 $8.000000000e+00, v0;
	_ =	sdelay $0x1  }
0x12a: {  	[tilespmem:s30+$0xFFFFFFA0] =	vst v0  }
0x12b: {  	v0 =	vld [tilespmem:s0+$0xFFFFFF80];
	_ =	sdelay $0x4  }
0x12c: {  	v0 =	vmul.f32 $8.000000000e+00, v0;
	_ =	sdelay $0x1  }
0x12d: {  	[tilespmem:s30+$0xFFFFFFB0] =	vst v0  }
0x12e: {  	v0 =	vld [tilespmem:s0+$0xFFFFFF90];
	_ =	sdelay $0x4  }
0x12f: {  	v0 =	vmul.f32 $8.000000000e+00, v0;
	_ =	sdelay $0x1  }
0x130: {  	[tilespmem:s30+$0x0] =	vst v0  }
0x131: {  	v0 =	vld [tilespmem:s0+$0xFFFFFFA0];
	_ =	sdelay $0x4  }
0x132: {  	v0 =	vmul.f32 $8.000000000e+00, v0;
	_ =	sdelay $0x1  }
0x133: {  	[tilespmem:s30+$0x10] =	vst v0  }
0x134: {  	v0 =	vld [tilespmem:s0+$0xFFFFFFB0];
	_ =	sdelay $0x4  }
0x135: {  	v0 =	vmul.f32 $8.000000000e+00, v0;
	_ =	sdelay $0x1  }
0x136: {  	[tilespmem:s30+$0x20] =	vst v0  }
0x137: {  	v0 =	vld [tilespmem:s0+$0xFFFFFFC0];
	_ =	sdelay $0x4  }
0x138: {  	v0 =	vmul.f32 $8.000000000e+00, v0;
	_ =	sdelay $0x1  }
0x139: {  	[tilespmem:s30+$0x30] =	vst v0  }
0x13a: {  	v0 =	vld [tilespmem:s0+$0xFFFFFFD0];
	_ =	sdelay $0x4  }
0x13b: {  	v0 =	vmul.f32 $8.000000000e+00, v0;
	_ =	sdelay $0x1  }
0x13c: {  	[tilespmem:s30+$0x80] =	vst v0  }
0x13d: {  	v0 =	vld [tilespmem:s0+$0xFFFFFFE0];
	_ =	sdelay $0x4  }
0x13e: {  	v0 =	vmul.f32 $8.000000000e+00, v0;
	_ =	sdelay $0x1  }
0x13f: {  	[tilespmem:s30+$0x90] =	vst v0  }
0x140: {  	v0 =	vld [tilespmem:s0+$0xFFFFFFF0];
	_ =	sdelay $0x4  }
0x141: {  	v0 =	vmul.f32 $8.000000000e+00, v0;
	_ =	sdelay $0x1  }
0x142: {  	[tilespmem:s30+$0xA0] =	vst v0  }
0x143: {  	v0 =	vld [tilespmem:s0+$0x0];
	_ =	sdelay $0x4  }
0x144: {  	v0 =	vmul.f32 $8.000000000e+00, v0;
	_ =	sdelay $0x1  }
0x145: {  	s31 =	simm.s32 $0x0;
	s0 =	simm.s32 $0xC1F0;
	[tilespmem:s30+$0xB0] =	vst v0  }
.LBB2_11:
0x146: {  	v0 =	vld [tilespmem:s0+$0xFFFFFF10];
	s31 =	sadd.s32 $0x4, s31  }
0x147: {  	p1 =	slt.u32 s31, $0x7C;
	_ =	sdelay $0x3  }
0x148: {  	v0 =	vmul.f32 $8.000000000e+00, v0  }
0x149: {  	s30 =	sadd.s32 $0x200, s30  }
0x14a: {  	[tilespmem:s30+$0xFFFFFF00] =	vst v0  }
0x14b: {  	v0 =	vld [tilespmem:s0+$0xFFFFFF20];
	_ =	sdelay $0x4  }
0x14c: {  	v0 =	vmul.f32 $8.000000000e+00, v0;
	_ =	sdelay $0x1  }
0x14d: {  	[tilespmem:s30+$0xFFFFFF10] =	vst v0  }
0x14e: {  	v0 =	vld [tilespmem:s0+$0xFFFFFF30];
	_ =	sdelay $0x4  }
0x14f: {  	v0 =	vmul.f32 $8.000000000e+00, v0;
	_ =	sdelay $0x1  }
0x150: {  	[tilespmem:s30+$0xFFFFFF20] =	vst v0  }
0x151: {  	v0 =	vld [tilespmem:s0+$0xFFFFFF40];
	_ =	sdelay $0x4  }
0x152: {  	v0 =	vmul.f32 $8.000000000e+00, v0;
	_ =	sdelay $0x1  }
0x153: {  	[tilespmem:s30+$0xFFFFFF30] =	vst v0  }
0x154: {  	v0 =	vld [tilespmem:s0+$0xFFFFFF50];
	_ =	sdelay $0x4  }
0x155: {  	v0 =	vmul.f32 $8.000000000e+00, v0;
	_ =	sdelay $0x1  }
0x156: {  	[tilespmem:s30+$0xFFFFFF80] =	vst v0  }
0x157: {  	v0 =	vld [tilespmem:s0+$0xFFFFFF60];
	_ =	sdelay $0x4  }
0x158: {  	v0 =	vmul.f32 $8.000000000e+00, v0;
	_ =	sdelay $0x1  }
0x159: {  	[tilespmem:s30+$0xFFFFFF90] =	vst v0  }
0x15a: {  	v0 =	vld [tilespmem:s0+$0xFFFFFF70];
	_ =	sdelay $0x4  }
0x15b: {  	v0 =	vmul.f32 $8.000000000e+00, v0;
	_ =	sdelay $0x1  }
0x15c: {  	[tilespmem:s30+$0xFFFFFFA0] =	vst v0  }
0x15d: {  	v0 =	vld [tilespmem:s0+$0xFFFFFF80];
	_ =	sdelay $0x4  }
0x15e: {  	v0 =	vmul.f32 $8.000000000e+00, v0;
	_ =	sdelay $0x1  }
0x15f: {  	[tilespmem:s30+$0xFFFFFFB0] =	vst v0  }
0x160: {  	v0 =	vld [tilespmem:s0+$0xFFFFFF90];
	_ =	sdelay $0x4  }
0x161: {  	v0 =	vmul.f32 $8.000000000e+00, v0;
	_ =	sdelay $0x1  }
0x162: {  	[tilespmem:s30+$0x0] =	vst v0  }
0x163: {  	v0 =	vld [tilespmem:s0+$0xFFFFFFA0];
	_ =	sdelay $0x4  }
0x164: {  	v0 =	vmul.f32 $8.000000000e+00, v0;
	_ =	sdelay $0x1  }
0x165: {  	[tilespmem:s30+$0x10] =	vst v0  }
0x166: {  	v0 =	vld [tilespmem:s0+$0xFFFFFFB0];
	_ =	sdelay $0x4  }
0x167: {  	v0 =	vmul.f32 $8.000000000e+00, v0;
	_ =	sdelay $0x1  }
0x168: {  	[tilespmem:s30+$0x20] =	vst v0  }
0x169: {  	v0 =	vld [tilespmem:s0+$0xFFFFFFC0];
	_ =	sdelay $0x4  }
0x16a: {  	v0 =	vmul.f32 $8.000000000e+00, v0;
	_ =	sdelay $0x1  }
0x16b: {  	[tilespmem:s30+$0x30] =	vst v0  }
0x16c: {  	v0 =	vld [tilespmem:s0+$0xFFFFFFD0];
	_ =	sdelay $0x4  }
0x16d: {  	v0 =	vmul.f32 $8.000000000e+00, v0;
	_ =	sdelay $0x1  }
0x16e: {  	[tilespmem:s30+$0x80] =	vst v0  }
0x16f: {  	v0 =	vld [tilespmem:s0+$0xFFFFFFE0];
	_ =	sdelay $0x4  }
0x170: {  	v0 =	vmul.f32 $8.000000000e+00, v0;
	_ =	sdelay $0x1  }
0x171: {  	[tilespmem:s30+$0x90] =	vst v0  }
0x172: {  	v0 =	vld [tilespmem:s0+$0xFFFFFFF0];
	_ =	sdelay $0x4  }
0x173: {  	v0 =	vmul.f32 $8.000000000e+00, v0;
	_ =	sdelay $0x1  }
0x174: {  	[tilespmem:s30+$0xA0] =	vst v0  }
0x175: {  	v0 =	vld [tilespmem:s0+$0x0];
	_ =	sdelay $0x2  }
.Ltmp7:
0x176: {  	(pc) =	sbr.rel @p1 .LBB2_11-.Ltmp7, $3  }
0x177: {  	_ = 	snop  }
0x178: {  	v0 =	vmul.f32 $8.000000000e+00, v0;
	_ =	sdelay $0x1  }
0x179: {  	s0 =	sadd.s32 $0x100, s0;
	[tilespmem:s30+$0xB0] =	vst v0  }
0x17a: {  	s28 =	sor.u32 $0x1, s28  }
0x17b: {  	s0 =	smul.u32 $0xC80, s28;
	_ =	sdelay $0x1  }
0x17c: {  	s0 =	sadd.s32 s4, s0  }
0x17d: {  	[hbm4b:s0+s2] =	stream.linear.scatter [tilespmem:s18], [sflag:$0x5], $0x4000, $0x38;
	[tilespmem:$0x18000] =	vst v63  }
0x17e: {  	s30 =	simm.s32 @!p0 $0xC000;
	s0 =	sadd.s32 @!p0 $0x300, s29;
	s29 =	simm.s32 @!p0 $0x80  }
0x17f: {  	[tilespmem:s30], [sflag:$0x3] =	stream.indirect.gather @!p0 [hbm4b:s3+s29], $0x40, s0, s29, $0xb8;
	[tilespmem:$0x18000] =	vst v63  }
0x180: {  	_ =	swait.ge [sflag:s24], $0x1200  }
0x181: {  	[sflag:s24] =	ssyncset.done $0x0  }
0x182: {  	[sflag:s24] =	ssyncadd.s32 $0xFFFFEE00  }
0x183: {  	_ =	swait.ge [sflag:s20], $0x2400  }
0x184: {  	[sflag:s20] =	ssyncset.done $0x0  }
0x185: {  	s31 =	simm.s32 $0xE0F0;
	[sflag:s20] =	ssyncadd.s32 $0xFFFFDC00  }
0x186: {  	v0 =	vld [tilespmem:s31+$0xFFFFFF10];
	_ =	sdelay $0x4  }
0x187: {  	v0 =	vmul.f32 $8.000000000e+00, v0  }
0x188: {  	s29 =	simm.s32 $0x141B0  }
0x189: {  	[tilespmem:s29+$0xFFFFFE50] =	vst v0  }
0x18a: {  	v0 =	vld [tilespmem:s31+$0xFFFFFF20];
	_ =	sdelay $0x4  }
0x18b: {  	v0 =	vmul.f32 $8.000000000e+00, v0;
	_ =	sdelay $0x1  }
0x18c: {  	[tilespmem:s29+$0xFFFFFE60] =	vst v0  }
0x18d: {  	v0 =	vld [tilespmem:s31+$0xFFFFFF30];
	_ =	sdelay $0x4  }
0x18e: {  	v0 =	vmul.f32 $8.000000000e+00, v0;
	_ =	sdelay $0x1  }
0x18f: {  	[tilespmem:s29+$0xFFFFFE70] =	vst v0  }
0x190: {  	v0 =	vld [tilespmem:s31+$0xFFFFFF40];
	_ =	sdelay $0x4  }
0x191: {  	v0 =	vmul.f32 $8.000000000e+00, v0;
	_ =	sdelay $0x1  }
0x192: {  	[tilespmem:s29+$0xFFFFFE80] =	vst v0  }
0x193: {  	v0 =	vld [tilespmem:s31+$0xFFFFFF50];
	_ =	sdelay $0x4  }
0x194: {  	v0 =	vmul.f32 $8.000000000e+00, v0;
	_ =	sdelay $0x1  }
0x195: {  	[tilespmem:s29+$0xFFFFFED0] =	vst v0  }
0x196: {  	v0 =	vld [tilespmem:s31+$0xFFFFFF60];
	_ =	sdelay $0x4  }
0x197: {  	v0 =	vmul.f32 $8.000000000e+00, v0;
	_ =	sdelay $0x1  }
0x198: {  	[tilespmem:s29+$0xFFFFFEE0] =	vst v0  }
0x199: {  	v0 =	vld [tilespmem:s31+$0xFFFFFF70];
	_ =	sdelay $0x4  }
0x19a: {  	v0 =	vmul.f32 $8.000000000e+00, v0;
	_ =	sdelay $0x1  }
0x19b: {  	[tilespmem:s29+$0xFFFFFEF0] =	vst v0  }
0x19c: {  	v0 =	vld [tilespmem:s31+$0xFFFFFF80];
	_ =	sdelay $0x4  }
0x19d: {  	v0 =	vmul.f32 $8.000000000e+00, v0;
	_ =	sdelay $0x1  }
0x19e: {  	[tilespmem:s29+$0xFFFFFF00] =	vst v0  }
0x19f: {  	v0 =	vld [tilespmem:s31+$0xFFFFFF90];
	_ =	sdelay $0x4  }
0x1a0: {  	v0 =	vmul.f32 $8.000000000e+00, v0;
	_ =	sdelay $0x1  }
0x1a1: {  	[tilespmem:s29+$0xFFFFFF50] =	vst v0  }
0x1a2: {  	v0 =	vld [tilespmem:s31+$0xFFFFFFA0];
	_ =	sdelay $0x4  }
0x1a3: {  	v0 =	vmul.f32 $8.000000000e+00, v0;
	_ =	sdelay $0x1  }
0x1a4: {  	[tilespmem:s29+$0xFFFFFF60] =	vst v0  }
0x1a5: {  	v0 =	vld [tilespmem:s31+$0xFFFFFFB0];
	_ =	sdelay $0x4  }
0x1a6: {  	v0 =	vmul.f32 $8.000000000e+00, v0;
	_ =	sdelay $0x1  }
0x1a7: {  	[tilespmem:s29+$0xFFFFFF70] =	vst v0  }
0x1a8: {  	v0 =	vld [tilespmem:s31+$0xFFFFFFC0];
	_ =	sdelay $0x4  }
0x1a9: {  	v0 =	vmul.f32 $8.000000000e+00, v0;
	_ =	sdelay $0x1  }
0x1aa: {  	[tilespmem:s29+$0xFFFFFF80] =	vst v0  }
0x1ab: {  	v0 =	vld [tilespmem:s31+$0xFFFFFFD0];
	_ =	sdelay $0x4  }
0x1ac: {  	v0 =	vmul.f32 $8.000000000e+00, v0;
	_ =	sdelay $0x1  }
0x1ad: {  	[tilespmem:s29+$0xFFFFFFD0] =	vst v0  }
0x1ae: {  	v0 =	vld [tilespmem:s31+$0xFFFFFFE0];
	_ =	sdelay $0x4  }
0x1af: {  	v0 =	vmul.f32 $8.000000000e+00, v0;
	_ =	sdelay $0x1  }
0x1b0: {  	[tilespmem:s29+$0xFFFFFFE0] =	vst v0  }
0x1b1: {  	v0 =	vld [tilespmem:s31+$0xFFFFFFF0];
	_ =	sdelay $0x4  }
0x1b2: {  	v0 =	vmul.f32 $8.000000000e+00, v0;
	_ =	sdelay $0x1  }
0x1b3: {  	[tilespmem:s29+$0xFFFFFFF0] =	vst v0  }
0x1b4: {  	v0 =	vld [tilespmem:s31+$0x0];
	_ =	sdelay $0x4  }
0x1b5: {  	v0 =	vmul.f32 $8.000000000e+00, v0;
	_ =	sdelay $0x1  }
0x1b6: {  	s30 =	simm.s32 $0x0;
	s0 =	simm.s32 $0xE1F0;
	[tilespmem:s29+$0x0] =	vst v0  }
.LBB2_13:
0x1b7: {  	v0 =	vld [tilespmem:s0+$0xFFFFFF10];
	s30 =	sadd.s32 $0x4, s30  }
0x1b8: {  	p1 =	slt.u32 s30, $0x44;
	_ =	sdelay $0x3  }
0x1b9: {  	v0 =	vmul.f32 $8.000000000e+00, v0  }
0x1ba: {  	s29 =	sadd.s32 $0x200, s29  }
0x1bb: {  	[tilespmem:s29+$0xFFFFFE50] =	vst v0  }
0x1bc: {  	v0 =	vld [tilespmem:s0+$0xFFFFFF20];
	_ =	sdelay $0x4  }
0x1bd: {  	v0 =	vmul.f32 $8.000000000e+00, v0;
	_ =	sdelay $0x1  }
0x1be: {  	[tilespmem:s29+$0xFFFFFE60] =	vst v0  }
0x1bf: {  	v0 =	vld [tilespmem:s0+$0xFFFFFF30];
	_ =	sdelay $0x4  }
0x1c0: {  	v0 =	vmul.f32 $8.000000000e+00, v0;
	_ =	sdelay $0x1  }
0x1c1: {  	[tilespmem:s29+$0xFFFFFE70] =	vst v0  }
0x1c2: {  	v0 =	vld [tilespmem:s0+$0xFFFFFF40];
	_ =	sdelay $0x4  }
0x1c3: {  	v0 =	vmul.f32 $8.000000000e+00, v0;
	_ =	sdelay $0x1  }
0x1c4: {  	[tilespmem:s29+$0xFFFFFE80] =	vst v0  }
0x1c5: {  	v0 =	vld [tilespmem:s0+$0xFFFFFF50];
	_ =	sdelay $0x4  }
0x1c6: {  	v0 =	vmul.f32 $8.000000000e+00, v0;
	_ =	sdelay $0x1  }
0x1c7: {  	[tilespmem:s29+$0xFFFFFED0] =	vst v0  }
0x1c8: {  	v0 =	vld [tilespmem:s0+$0xFFFFFF60];
	_ =	sdelay $0x4  }
0x1c9: {  	v0 =	vmul.f32 $8.000000000e+00, v0;
	_ =	sdelay $0x1  }
0x1ca: {  	[tilespmem:s29+$0xFFFFFEE0] =	vst v0  }
0x1cb: {  	v0 =	vld [tilespmem:s0+$0xFFFFFF70];
	_ =	sdelay $0x4  }
0x1cc: {  	v0 =	vmul.f32 $8.000000000e+00, v0;
	_ =	sdelay $0x1  }
0x1cd: {  	[tilespmem:s29+$0xFFFFFEF0] =	vst v0  }
0x1ce: {  	v0 =	vld [tilespmem:s0+$0xFFFFFF80];
	_ =	sdelay $0x4  }
0x1cf: {  	v0 =	vmul.f32 $8.000000000e+00, v0;
	_ =	sdelay $0x1  }
0x1d0: {  	[tilespmem:s29+$0xFFFFFF00] =	vst v0  }
0x1d1: {  	v0 =	vld [tilespmem:s0+$0xFFFFFF90];
	_ =	sdelay $0x4  }
0x1d2: {  	v0 =	vmul.f32 $8.000000000e+00, v0;
	_ =	sdelay $0x1  }
0x1d3: {  	[tilespmem:s29+$0xFFFFFF50] =	vst v0  }
0x1d4: {  	v0 =	vld [tilespmem:s0+$0xFFFFFFA0];
	_ =	sdelay $0x4  }
0x1d5: {  	v0 =	vmul.f32 $8.000000000e+00, v0;
	_ =	sdelay $0x1  }
0x1d6: {  	[tilespmem:s29+$0xFFFFFF60] =	vst v0  }
0x1d7: {  	v0 =	vld [tilespmem:s0+$0xFFFFFFB0];
	_ =	sdelay $0x4  }
0x1d8: {  	v0 =	vmul.f32 $8.000000000e+00, v0;
	_ =	sdelay $0x1  }
0x1d9: {  	[tilespmem:s29+$0xFFFFFF70] =	vst v0  }
0x1da: {  	v0 =	vld [tilespmem:s0+$0xFFFFFFC0];
	_ =	sdelay $0x4  }
0x1db: {  	v0 =	vmul.f32 $8.000000000e+00, v0;
	_ =	sdelay $0x1  }
0x1dc: {  	[tilespmem:s29+$0xFFFFFF80] =	vst v0  }
0x1dd: {  	v0 =	vld [tilespmem:s0+$0xFFFFFFD0];
	_ =	sdelay $0x4  }
0x1de: {  	v0 =	vmul.f32 $8.000000000e+00, v0;
	_ =	sdelay $0x1  }
0x1df: {  	[tilespmem:s29+$0xFFFFFFD0] =	vst v0  }
0x1e0: {  	v0 =	vld [tilespmem:s0+$0xFFFFFFE0];
	_ =	sdelay $0x4  }
0x1e1: {  	v0 =	vmul.f32 $8.000000000e+00, v0;
	_ =	sdelay $0x1  }
0x1e2: {  	[tilespmem:s29+$0xFFFFFFE0] =	vst v0  }
0x1e3: {  	v0 =	vld [tilespmem:s0+$0xFFFFFFF0];
	_ =	sdelay $0x4  }
0x1e4: {  	v0 =	vmul.f32 $8.000000000e+00, v0;
	_ =	sdelay $0x1  }
0x1e5: {  	[tilespmem:s29+$0xFFFFFFF0] =	vst v0  }
0x1e6: {  	v0 =	vld [tilespmem:s0+$0x0];
	_ =	sdelay $0x2  }
.Ltmp8:
0x1e7: {  	(pc) =	sbr.rel @p1 .LBB2_13-.Ltmp8, $3  }
0x1e8: {  	_ = 	snop  }
0x1e9: {  	v0 =	vmul.f32 $8.000000000e+00, v0;
	_ =	sdelay $0x1  }
0x1ea: {  	s0 =	sadd.s32 $0x100, s0;
	[tilespmem:s29+$0x0] =	vst v0  }
0x1eb: {  	s0 =	smul.u32 $0x6400, s28  }
.Ltmp9:
0x1ec: {  	_ = 	snop;
	(pc) =	sbr.rel @p0 .LBB2_16-.Ltmp9, $4  }
0x1ed: {  	s0 =	sshrl.u32 s0, $0x3  }
0x1ee: {  	s0 =	sadd.s32 s4, s0  }
0x1ef: {  	s0 =	sadd.s32 $0x800, s0  }
0x1f0: {  	[hbm4b:s0+s2] =	stream.linear.scatter [tilespmem:s21], [sflag:$0x6], $0x2400, $0x38;
	[tilespmem:$0x18000] =	vst v63  }
.Ltmp10:
0x1f1: {  	(pc) =	sbr.rel .LBB2_2-.Ltmp10, $4  }
0x1f2: {  	s0 =	sshll.u32 s26, $0x9  }
0x1f3: {  	s0 =	sand.u32 $0x3FFFFE00, s0  }
0x1f4: {  	s26 =	sadd.s32 $0x1, s26;
	s0 =	sadd.s32 $0x380, s0  }
0x1f5: {  	[tilespmem:s16], [sflag:$0x4] =	stream.indirect.gather [hbm4b:s3+s11], $0x40, s0, s11, $0xb8;
	[tilespmem:$0x18000] =	vst v63  }
.LBB2_17:
0x1f6: {  	_ =	sfence.sel $0x180000  }
0x1f7: {  	[bflag:$0x0] =	sbarrier.arrive $0xFFFF  }
0x1f8: {  	_ =	strace $0x90000047  }
0x1f9: {  	[bflag:$0x2] =	sbarrier.arrive $0xFFFF  }
0x1fa: {  	p0 =	sne.s32 s1, $0x0;
	s0 =	rddreg [dreg:$0x2]  }
0x1fb: {  	s0 =	sadd.s32 @!p0 $0x100000, s0  }
0x1fc: {  	[sflag:s0] =	ssyncadd.tile.s32 @!p0 $0x1;
	_ =	shalt  }
.Lfunc_end2:
_tile_overlayer_lowered:
.L_overlay_start_2:
0x1fd: {  	(tag) =	ssettag $0x2  }
0x1fe: {  	s0 =	rddreg [dreg:$0x0];
	s2 =	stileid.u32  }
0x1ff: {  	s1 =	rddreg [dreg:$0x1];
	p0 =	sne.s32 s2, $0x0  }
0x200: {  	s3 =	rddreg [dreg:$0x2];
	[bflag:$0x3] =	sbarrier.arrive $0xFFFF;
	s2 =	simm.s32 @!p0 $0x1C07  }
0x201: {  	[timem:s3], [sflag:s2] =	dma.local @!p0 [hbm:s0], s1  }
0x202: {  	s0 =	simm.s32 @!p0 $0x7  }
0x203: {  	_ =	swait.ge @!p0 [sflag:s0], s1  }
0x204: {  	s1 =	ssub.s32 @!p0 $0x0, s1;
	[sflag:s0] =	ssyncset.done @!p0 $0x0  }
0x205: {  	[sflag:s0] =	ssyncadd.s32 @!p0 s1  }
0x206: {  	[bflag:$0x3] =	sbarrier.arrive $0xFFFF  }
0x207: {  	_ =	shalt  }

// kernel: sparse-core-data-format-call.cloned.1.call-start
scs
called_computation_lowered:
.L_overlay_start_0:
0x0: {  	s2 =	sld [smem:$0x3FD9]  }
0x1: {  	s3 =	sld [smem:$0x3FFE];
	_ =	sdelay $0x1  }
0x2: {  	s1 =	srdreg.scid  }
0x3: {  	s0 =	sand.u32 $0x1, s1  }
0x4: {  	s18 =	sshll.u32 s0, $0xA;
	s2 =	sadd.s32 s3, s2  }
0x5: {  	s2 =	sadd.s32 s2, s18  }
0x6: {  	[smem:$0x3FC6] =	sst s2  }
0x7: {  	_ = 	snop  }
0x8: {  	s2 =	sld [smem:$0x3FD0];
	(tm) =	ssettm $0x1  }
0x9: {  	s19 =	sld [smem:$0x3FFB];
	_ =	sdelay $0x3  }
0xa: {  	_ =	strace s19  }
0xb: {  	s3 =	sld [smem:$0x3FFC];
	_ =	sdelay $0x3  }
0xc: {  	_ =	strace s3  }
0xd: {  	s3 =	sld [smem:$0x3FFD];
	_ =	sdelay $0x3  }
0xe: {  	_ =	strace s3  }
0xf: {  	_ =	strace $0x8FFFFFFF  }
0x10: {  	s20 =	sld [smem:$0x3FDB];
	_ =	sdelay $0x1  }
0x11: {  	s4 =	simm.s32 $_scs_section_size  }
0x12: {  	s5 =	simm.s32 $_size__tile_overlayer_lowered;
	s6 =	simm.s32 $_tile_overlayer_lowered  }
0x13: {  	s23 =	simm.s32 $0x1BFF;
	s22 =	sshll.u32 s6, $0x1;
	s3 =	sadd.s32 s4, s20  }
0x14: {  	s7 =	simm.s32 $0x0;
	s21 =	sshll.u32 s5, $0x1;
	s5 =	sadd.s32 s22, s3  }
0x15: {  	[timem:s7], [sflag:s23] =	dma.local [hbm:s5], s21  }
0x16: {  	_ =	swait.ge [sflag:s23], s21  }
0x17: {  	s4 =	ssub.s32 $0x0, s21;
	[sflag:s23] =	ssyncset.done $0x0  }
0x18: {  	[sflag:s23] =	ssyncadd.s32 s4;
	_ =	sdelay $0x1  }
0x19: {  	s24 =	simm.s32 $0x1B8B  }
0x1a: {  	_ =	swait.ge [sflag:s24], $0x1  }
0x1b: {  	[sflag:s24] =	ssyncset.done $0x0  }
0x1c: {  	s26 =	simm.s32 $0x1B8E;
	s25 =	sld [smem:$0x3FFE];
	[sflag:s24] =	ssyncadd.s32 $0xFFFFFFFF  }
0x1d: {  	s27 =	simm.s32 $execute0_lowered;
	[smem:$0x3FD2] =	sst s26  }
0x1e: {  	s5 =	sshll.u32 s27, $0x1;
	_ =	strace $0x80000049;
	[dreg:$0x1] =	wrdreg $0xFFFFFFFF  }
0x1f: {  	s28 =	simm.s32 $_size_execute0_lowered;
	s3 =	sadd.s32 s3, s5;
	[dreg:$0x0] =	wrdreg $0x0  }
0x20: {  	s5 =	sshll.u32 s28, $0x1;
	[dreg:$0x2] =	wrdreg s3  }
0x21: {  	[dreg:$0x3] =	wrdreg s5  }
0x22: {  	[dreg:$0x4] =	wrdreg $0xC0  }
0x23: {  	_ =	task [dreg:s7], $0x5FFFF  }
0x24: {  	[dreg:$0x1] =	wrdreg $0xFFFFFFFF  }
0x25: {  	[dreg:$0x0] =	wrdreg $0x60  }
0x26: {  	[dreg:$0x2] =	wrdreg s25  }
0x27: {  	[dreg:$0x3] =	wrdreg s2  }
0x28: {  	[dreg:$0x4] =	wrdreg $0x9  }
0x29: {  	_ =	task.clear_ibuf [dreg:s7], $0x5FFFF;
	_ =	strace $0x90000049  }
0x2a: {  	s29 =	simm.s32 $0x9;
	_ =	strace $0x8000004B  }
0x2b: {  	_ =	swait.ge [sflag:s29], $0x1  }
0x2c: {  	[sflag:s29] =	ssyncadd.s32 $0xFFFFFFFF  }
0x2d: {  	_ =	strace $0x9000004B  }
0x2e: {  	_ =	sfence  }
0x2f: {  	s30 =	sld [smem:$0x0];
	_ =	sdelay $0x2  }
0x30: {  	s31 =	sshll.u32 s1, $0xD;
	s1 =	sshrl.u32 s1, $0x2  }
0x31: {  	s3 =	sand.u32 $0x4000, s31;
	s1 =	sadd.s32 s1, s30  }
0x32: {  	s0 =	sor.u32 s3, s0;
	s1 =	sshll.u32 s1, $0x11  }
0x33: {  	s0 =	sor.u32 s1, s0  }
0x34: {  	s0 =	sadd.s32 $0x8F2B, s0  }
0x35: {  	[sflag:s0] =	ssyncadd.remote.s32 $0x1  }
0x36: {  	_ =	sfence.sel $0xFFFF  }
0x37: {  	[dreg:$0x0] =	wrdreg $0xFFFFFFFF;
	(pc) =	sbr.abs _section_cstart, $3  }
0x38: {  	[dreg:$0x1] =	wrdreg $0xFFFFFFFF  }
0x39: {  	_ =	task.clear_ibuf [dreg:s7], $0x2FFFF;
	_ =	strace $0x9FFFFFFF  }
0x3a: {  	(tm) =	ssettm $0x7FFFFFFF  }
0x3b: {  	_ =	shalt  }
tec
execute0_lowered:
.L_overlay_start_1:
0x0: {  	(tag) =	ssettag $0x1  }
0x1: {  	s0 =	srdreg.scid  }
0x2: {  	s1 =	sshll.u32 s0, $0x4  }
0x3: {  	s0 =	stileid.u32;
	s1 =	sand.u32 $0x10, s1  }
0x4: {  	s1 =	sor.u32 s0, s1  }
0x5: {  	s6 =	rddreg [dreg:$0x0];
	s4 =	simm.s32 $0x1;
	s2 =	sshll.u32 s1, $0x7  }
0x6: {  	s7 =	simm.s32 $0x2;
	s12 =	simm.s32 $0x0;
	s1 =	ssub.s32 $0x1000, s2  }
0x7: {  	s8 =	simm.s32 $0x8000;
	s13 =	simm.s32 $0x0;
	s3 =	sand.u32 $0xF80, s1  }
0x8: {  	s9 =	simm.s32 $0x0;
	s5 =	sshrl.u32 s1, $0xC;
	p0 =	sne.s32 s3, $0x0  }
.Ltmp0:
0x9: {  	s1 =	rddreg [dreg:$0x2];
	s4 =	simm.s32 @!p0 $0x0;
	(pc) =	sbr.rel .LBB1_1-.Ltmp0, $4  }
0xa: {  	s11 =	simm.s32 $0x0;
	s3 =	rddreg [dreg:$0x1];
	s5 =	sadd.s32 s4, s5  }
0xb: {  	_ =	strace $0x8000004A;
	s4 =	simm.s32 $0x1;
	s5 =	smul.u32 $0xC8, s5  }
0xc: {  	s6 =	sadd.s32 $0xA00, s6;
	s10 =	smov.u32 s2;
	[sflag:s4] =	ssyncpa.u1 $0x0  }
0xd: {  	p0 =	por $0x0, $0x0;
	[sflag:s7] =	ssyncpa.u1 $0x0;
	s7 =	sor.u32 $0x1, s5  }
.LBB1_4:
0xe: {  	s16 =	sshll.u32 s13, $0x3;
	s17 =	sand.u32 $0x78, s13  }
0xf: {  	s30 =	sand.u32 $0x7E00, s13;
	s12 =	sshll.u32 s12, $0xF;
	s16 =	sand.u32 $0xC00, s16  }
0x10: {  	[tilespmem:s15+$0x810 ss:$0x81] =	vst.msk $0xffff, v2;
	s31 =	sand.u32 $0x7, s13;
	s16 =	sor.u32 s17, s16;
	s17 =	sadd.s32 s3, s30  }
0x11: {  	[tilespmem:s15+$0x1020 ss:$0x81] =	vst.msk $0xffff, v0;
	s13 =	sshll.u32 s31, $0x12;
	s12 =	sadd.s32 s12, s17;
	s16 =	sshrl.u32 s16, $0x3  }
0x12: {  	[tilespmem:s15+$0x0 ss:$0x81] =	vst.msk $0xffff, v1;
	s13 =	sor.u32 $0x400, s13;
	s12 =	sadd.s32 s16, s12  }
0x13: {  	[hbm4b:s12+s13] =	stream.strided.scatter [tilespmem:s14], [sflag:$0x2], $0x2000, s8, s13, $0x20;
	[tilespmem:$0x8080] =	vst v63  }
.LBB1_5:
0x14: {  	s14 =	sadd.s32 $0x1, s9  }
0x15: {  	s12 =	sadd.s32 $0x1000, s10;
	s16 =	smov.u32 s10;
	p2 =	sgt.s32 s14, $0xC7  }
0x16: {  	s16 =	smov.u32 @p2 s12  }
0x17: {  	s14 =	simm.s32 @p2 $0x0;
	p2 =	sgt.s32 s16, $0xFFF  }
0x18: {  	s16 =	smov.u32 @p2 s2;
	p2 =	sne.s32 s11, s7  }
.Ltmp1:
0x19: {  	p1 =	slt.u32 s11, $0x2;
	(pc) =	sbr.rel @!p2 .LBB1_6-.Ltmp1, $4  }
0x1a: {  	s15 =	simm.s32 @!p1 $0x2  }
0x1b: {  	s13 =	smov.u32 s10;
	p0 =	por !p0, !p0;
	_ =	swait.ge @!p1 [sflag:s15], $0x2000  }
0x1c: {  	s12 =	smov.u32 s9;
	[sflag:s15] =	ssyncset.done @!p1 $0x0;
	s9 =	smov.u32 s14  }
0x1d: {  	s11 =	sadd.s32 $0x1, s11;
	[sflag:s15] =	ssyncadd.s32 @!p1 $0xFFFFE000;
	s10 =	smov.u32 s16  }
.LBB1_1:
0x1e: {  	p1 =	sge.u32 s11, s5  }
0x1f: {  	s14 =	sand.u32 @!p1 $0x1FFFFFF, s9  }
0x20: {  	s15 =	smulhi.u32 @!p1 $0x147AE15, s14;
	_ =	sdelay $0x1  }
0x21: {  	s15 =	smul.u32 @!p1 $0xC8, s15  }
0x22: {  	s16 =	sxor.u32 @!p1 $0xFFFFFFFF, s11;
	s17 =	smul.u32 @!p1 $0xC80, s10  }
0x23: {  	s31 =	sadd.s32 $0xFFFFFFFF, s11;
	s16 =	sshll.u32 @!p1 s16, $0xD;
	s14 =	ssub.s32 @!p1 s14, s15  }
0x24: {  	s15 =	sand.u32 @!p1 $0x2000, s16;
	s16 =	sadd.s32 @!p1 s6, s17;
	s14 =	sshll.u32 @!p1 s14, $0x4  }
0x25: {  	s17 =	simm.s32 @!p1 $0x6400;
	s14 =	sadd.s32 @!p1 s14, s16;
	s16 =	simm.s32 @!p1 $0x40  }
0x26: {  	[tilespmem:s15], [sflag:$0x1] =	stream.strided.gather @!p1 [hbm4b:s14+s16], $0x2000, s17, s16, $0x38;
	[tilespmem:$0x8080] =	vst v63  }
0x27: {  	p1 =	sge.u32 s31, s5  }
.Ltmp2:
0x28: {  	_ = 	snop;
	(pc) =	sbr.rel @p1 .LBB1_5-.Ltmp2, $1  }
0x29: {  	_ =	sdelay $0x3  }
0x2a: {  	s14 =	simm.s32 $0x1  }
0x2b: {  	_ =	swait.ge [sflag:s4], $0x2000;
	s14 =	simm.s32 @!p0 $0x0  }
0x2c: {  	[sflag:s4] =	ssyncset.done $0x0;
	s15 =	sshll.u32 s14, $0xD  }
0x2d: {  	[sflag:s4] =	ssyncadd.s32 $0xFFFFE000;
	s18 =	sor.u32 $0x20, s15  }
0x2e: {  	s14 =	smul.u32 $0x8100, s14;
	v3 =	vld [tilespmem:s18+$0x10]  }
0x2f: {  	s30 =	sand.u32 $0x1, s11;
	v2 =	vld [tilespmem:s18+$0xFFFFFFF0]  }
0x30: {  	s15 =	smul.u32 $0x8100, s30;
	s14 =	sshrl.u32 s14, $0x2;
	v0 =	vld [tilespmem:s18+$0x0]  }
0x31: {  	v1 =	vld [tilespmem:s18+$0xFFFFFFE0];
	s16 =	sor.u32 $0x4000, s14  }
0x32: {  	s31 =	sshrl.u32 s15, $0x2;
	s15 =	sadd.s32 $0x0, s16  }
0x33: {  	s17 =	simm.s32 $0x4;
	s18 =	sadd.s32 $0x40, s18;
	s14 =	sor.u32 $0x4000, s31;
	[tilespmem:s15+$0x1830 ss:$0x81] =	vst.msk $0xffff, v3  }
.LBB1_3:
0x34: {  	v3 =	vld [tilespmem:s18+$0x10];
	p1 =	sne.s32 s17, $0x1FC;
	[tilespmem:s15+$0x810 ss:$0x81] =	vst.msk $0xffff, v2;
	s19 =	smov.u32 s17;
	s17 =	sadd.s32 $0x4, s17  }
.Ltmp3:
0x35: {  	v2 =	vld [tilespmem:s18+$0xFFFFFFF0];
	[tilespmem:s15+$0x1020 ss:$0x81] =	vst.msk $0xffff, v0;
	(pc) =	sbr.rel @p1 .LBB1_3-.Ltmp3, $4  }
0x36: {  	v0 =	vld [tilespmem:s18+$0x0];
	[tilespmem:s15+$0x0 ss:$0x81] =	vst.msk $0xffff, v1  }
0x37: {  	s15 =	sshra.s32 s19, $0x2;
	v1 =	vld [tilespmem:s18+$0xFFFFFFE0]  }
0x38: {  	s15 =	sadd.s32 s15, s16  }
0x39: {  	s18 =	sadd.s32 $0x40, s18;
	[tilespmem:s15+$0x1830 ss:$0x81] =	vst.msk $0xffff, v3  }
.Ltmp4:
0x3a: {  	_ = 	snop;
	(pc) =	sbr.rel .LBB1_4-.Ltmp4, $1  }
0x3b: {  	_ =	sdelay $0x3  }
.LBB1_6:
0x3c: {  	_ =	sfence.sel $0x180000  }
0x3d: {  	s2 =	simm.s32 $0x1;
	[bflag:$0x0] =	sbarrier.arrive $0xFFFF  }
0x3e: {  	s31 =	simm.s32 $0x2;
	[sflag:s2] =	ssyncpa.u1 $0x1  }
0x3f: {  	[sflag:s31] =	ssyncpa.u1 $0x1  }
0x40: {  	p0 =	sne.s32 s0, $0x0;
	_ =	strace $0x9000004A  }
0x41: {  	s0 =	sadd.s32 @!p0 $0x100000, s1;
	[bflag:$0x2] =	sbarrier.arrive $0xFFFF  }
0x42: {  	[sflag:s0] =	ssyncadd.tile.s32 @!p0 $0x1;
	_ =	shalt  }
.Lfunc_end1:
_tile_overlayer_lowered:
.L_overlay_start_2:
0x43: {  	(tag) =	ssettag $0x2  }
0x44: {  	s0 =	rddreg [dreg:$0x0];
	s2 =	stileid.u32  }
0x45: {  	s1 =	rddreg [dreg:$0x1];
	p0 =	sne.s32 s2, $0x0  }
0x46: {  	s3 =	rddreg [dreg:$0x2];
	[bflag:$0x3] =	sbarrier.arrive $0xFFFF;
	s2 =	simm.s32 @!p0 $0x1C01  }
0x47: {  	[timem:s3], [sflag:s2] =	dma.local @!p0 [hbm:s0], s1  }
0x48: {  	s0 =	simm.s32 @!p0 $0x1  }
0x49: {  	_ =	swait.ge @!p0 [sflag:s0], s1  }
0x4a: {  	s1 =	ssub.s32 @!p0 $0x0, s1;
	[sflag:s0] =	ssyncset.done @!p0 $0x0  }
0x4b: {  	[sflag:s0] =	ssyncadd.s32 @!p0 s1  }
0x4c: {  	[bflag:$0x3] =	sbarrier.arrive $0xFFFF  }
0x4d: {  	_ =	shalt  }

</sc_bundles>
